<compile_context>
chip_gen: v7x
topology: tpu7x:2x2x1
jax: 0.10.2.dev20260603
libtpu: 0.0.44.dev20260713+nightly
codegen_flags: <defaults>
</compile_context>

<pallas_src>
import functools

import jax
import jax.numpy as jnp
from jax import lax
from jax.experimental import pallas as pl
from jax.experimental.pallas import tpu as pltpu
from jax.experimental.pallas import tpu_sc as plsc

BATCH = 16384
VOCAB = 1000000
HIST = 200
EMBED_DIM = 32

NW = 32
HT = HIST // 8
BT = BATCH // 128
NBLOCK = HT * BT
BLK_PER_W = NBLOCK // NW
NH = 4
NUNIT = BLK_PER_W * 2


def _make_sc_gather():
    mesh = plsc.VectorSubcoreMesh(core_axis_name="c", subcore_axis_name="s")

    @functools.partial(
        pl.kernel,
        out_type=jax.ShapeDtypeStruct((HIST, 4, BT, 8, 128), jnp.float32),
        mesh=mesh,
        scratch_types=[
            pltpu.VMEM((3, NH, 128), jnp.int32),
            pltpu.VMEM((3, NH, 128, EMBED_DIM), jnp.float32),
            pltpu.VMEM((3, NH, 4, 8, 129), jnp.float32),
            pltpu.SemaphoreType.DMA((3,)),
            pltpu.SemaphoreType.DMA((3,)),
            pltpu.SemaphoreType.DMA((3,)),
        ],
        compiler_params=pltpu.CompilerParams(
            use_tc_tiling_on_sc=False, needs_layout_passes=False),
    )
    def gather_kernel(a4_hbm, table_hbm, out5_hbm, idx_v, rows_v, t_v,
                      sem_i, sem_g, sem_o):
        wid = lax.axis_index("s") * 2 + lax.axis_index("c")

        def unit_coords(u):
            n = wid + NW * (u // 2)
            return n // BT, n % BT, (u % 2) * NH

        def load_idx(u, d):
            ht, bt, hh = unit_coords(u)
            pltpu.async_copy(
                a4_hbm.at[ht, bt, pl.ds(hh, NH)], idx_v.at[d], sem_i.at[d])

        def wait_idx(d):
            pltpu.make_async_copy(
                a4_hbm.at[0, 0, pl.ds(0, NH)], idx_v.at[d], sem_i.at[d]).wait()

        def fire_gathers(d):
            for hs in range(NH):
                pltpu.async_copy(
                    table_hbm.at[idx_v.at[d, hs]], rows_v.at[d, hs],
                    sem_g.at[d])

        def drain_gathers(d):
            for hs in range(NH):
                pltpu.make_async_copy(
                    table_hbm.at[idx_v.at[d, hs]], rows_v.at[d, hs],
                    sem_g.at[d]).wait()

        def transpose(d):
            @plsc.parallel_loop(0, NH * 128, unroll=8)
            def _(k):
                hs = k // 128
                b = k % 128
                vb = jnp.full((16,), b, jnp.int32)
                for half in range(2):
                    vals = rows_v[d, hs, b, pl.ds(half * 16, 16)]
                    lane = jnp.arange(16, dtype=jnp.int32)
                    tr = lane // 8 + 2 * half
                    es = lane % 8
                    plsc.store_scatter(t_v.at[d, hs], [tr, es, vb], vals)

        def fire_store(u, d):
            ht, bt, hh = unit_coords(u)
            for hs in range(NH):
                h = ht * 8 + hh + hs
                pltpu.async_copy(
                    t_v.at[d, hs, pl.ds(0, 4), pl.ds(0, 8), pl.ds(0, 128)],
                    out5_hbm.at[h, pl.ds(0, 4), bt], sem_o.at[d])

        def wait_store(d):
            for hs in range(NH):
                pltpu.make_async_copy(
                    t_v.at[0, hs, pl.ds(0, 4), pl.ds(0, 8), pl.ds(0, 128)],
                    out5_hbm.at[0, pl.ds(0, 4), 0], sem_o.at[d]).wait()

        load_idx(0, 0)
        wait_idx(0)
        fire_gathers(0)
        load_idx(1, 1)
        wait_idx(1)
        fire_gathers(1)
        load_idx(2, 2)

        def body(u, carry):
            d = u % 3
            d2 = (u + 2) % 3

            @pl.when(u < NUNIT - 2)
            def _():
                wait_idx(d2)
                fire_gathers(d2)

            drain_gathers(d)

            @pl.when(u < NUNIT - 3)
            def _():
                load_idx(u + 3, d)

            @pl.when(u >= 3)
            def _():
                wait_store(d)

            transpose(d)
            fire_store(u, d)
            return carry

        lax.fori_loop(0, NUNIT, body, 0, unroll=False)
        wait_store(0)
        wait_store(1)
        wait_store(2)

    return gather_kernel


_sc_gather = _make_sc_gather()


@jax.jit
def kernel(action, table):
    a4 = action.T.reshape(HT, 8, BT, 128).transpose(0, 2, 1, 3)
    out5 = _sc_gather(a4, table)
    return out5.transpose(2, 4, 0, 1, 3).reshape(BATCH, HIST, EMBED_DIM)

# --- scband reference (transcript-rebuilt; emitter-appended) ---
"""Pipeline reference for scband-action-tokenizer-47837345742952 (READ-ONLY COPY).

The authoritative reference and input builder live on the scoring server;
editing this copy changes nothing except your own understanding.
"""

import jax, jax.numpy as jnp
import numpy as np

VOCAB = 1000000
EMBED_DIM = 32
BATCH = 16384
HIST = 200

def setup_inputs(seed: int = 0) -> dict:
    key = jax.random.key(seed)
    k1, k2 = jax.random.split(key)
    action = jax.random.randint(k1, (BATCH, HIST), 0, VOCAB, dtype=jnp.int64) if jax.config.read('jax_enable_x64') else jax.random.randint(k1, (BATCH, HIST), 0, VOCAB, dtype=jnp.int32)
    table = jax.random.normal(k2, (VOCAB, EMBED_DIM), dtype=jnp.float32) * 0.02
    return {"action": action, "table": table}

def reference(action, table):
    # ActionTokenizer.__call__: embedding lookup of discrete action tokens
    return jnp.take(table, action, axis=0)

if __name__ == "__main__":
    import jax
    _d = setup_inputs()
    print(jax.jit(kernel)(*tuple(_d.values())))

</pallas_src>

<mosaic_0001>
#map = affine_map<(d0, d1) -> (0, 0, 0, 0)>
#map1 = affine_map<(d0, d1) -> (0, 0)>
#map2 = affine_map<(d0, d1) -> (0, 0, 0, 0, 0)>
module attributes {stable_mosaic.version = 14 : i64} {
  func.func @gather_kernel(%arg0: i32, %arg1: i32, %arg2: memref<25x128x8x128xi32, #tpu.memory_space<hbm>>, %arg3: memref<1000000x32xf32, #tpu.memory_space<hbm>>, %arg4: memref<200x4x128x8x128xf32, #tpu.memory_space<hbm>>, %arg5: memref<3x4x128xi32, #tpu.memory_space<vmem>>, %arg6: memref<3x4x128x32xf32, #tpu.memory_space<vmem>>, %arg7: memref<3x4x4x8x129xf32, #tpu.memory_space<vmem>>, %arg8: memref<3x!tpu.dma_semaphore, #tpu.memory_space<semaphore_mem>>, %arg9: memref<3x!tpu.dma_semaphore, #tpu.memory_space<semaphore_mem>>, %arg10: memref<3x!tpu.dma_semaphore, #tpu.memory_space<semaphore_mem>>) attributes {dimension_semantics = [#tpu.dimension_semantics<core_parallel>, #tpu.dimension_semantics<subcore_parallel>], iteration_bounds = array<i64: 2, 16>, scalar_prefetch = 0 : i64, scratch_operands = 6 : i64, tpu.core_type = #tpu.core_type<sc_vector_subcore>, window_params = [{transform_indices = #map}, {transform_indices = #map1}, {transform_indices = #map2}]} {
    %mul3A = arith.constant 2 : i32
    %mul3A_0 = arith.muli %arg1, %mul3A : i32
    %add3A = arith.addi %mul3A_0, %arg0 : i32
    %add3A_1 = arith.constant 0 : i32
    %add3A_2 = arith.addi %add3A, %add3A_1 : i32
    %jit3A = arith.constant 128 : i32
    %div3A = arith.divsi %add3A_2, %jit3A : i32
    %sign3A = arith.constant 0 : i32
    %sign3A_3 = arith.cmpi sgt, %add3A_2, %sign3A : i32
    %sign3A_4 = arith.extui %sign3A_3 : i1 to i32
    %sign3A_5 = arith.constant 0 : i32
    %sign3A_6 = arith.cmpi slt, %add3A_2, %sign3A_5 : i32
    %sign3A_7 = arith.extui %sign3A_6 : i1 to i32
    %sign3A_8 = arith.subi %sign3A_4, %sign3A_7 : i32
    %sign3A_9 = arith.constant 0 : i32
    %sign3A_10 = arith.cmpi sgt, %jit3A, %sign3A_9 : i32
    %sign3A_11 = arith.extui %sign3A_10 : i1 to i32
    %sign3A_12 = arith.constant 0 : i32
    %sign3A_13 = arith.cmpi slt, %jit3A, %sign3A_12 : i32
    %sign3A_14 = arith.extui %sign3A_13 : i1 to i32
    %sign3A_15 = arith.subi %sign3A_11, %sign3A_14 : i32
    %ne3A = arith.cmpi ne, %sign3A_8, %sign3A_15 : i32
    %rem3A = arith.remsi %add3A_2, %jit3A : i32
    %ne3A_16 = arith.constant 0 : i32
    %ne3A_17 = arith.cmpi ne, %rem3A, %ne3A_16 : i32
    %and3A = arith.andi %ne3A, %ne3A_17 : i1
    %sub3A = arith.constant 1 : i32
    %sub3A_18 = arith.subi %div3A, %sub3A : i32
    %select_n3A = arith.select %and3A, %sub3A_18, %div3A : i32
    %jit3A_19 = arith.constant 128 : i32
    %eq3A = arith.constant 0 : i32
    %eq3A_20 = arith.cmpi eq, %jit3A_19, %eq3A : i32
    %jit3A_21 = arith.constant 1 : i32
    %select_n3A_22 = arith.select %eq3A_20, %jit3A_21, %jit3A_19 : i32
    %rem3A_23 = arith.remsi %add3A_2, %select_n3A_22 : i32
    %ne3A_24 = arith.constant 0 : i32
    %ne3A_25 = arith.cmpi ne, %rem3A_23, %ne3A_24 : i32
    %lt3A = arith.constant 0 : i32
    %lt3A_26 = arith.cmpi slt, %rem3A_23, %lt3A : i32
    %lt3A_27 = arith.constant 0 : i32
    %lt3A_28 = arith.cmpi slt, %select_n3A_22, %lt3A_27 : i32
    %ne3A_29 = arith.xori %lt3A_26, %lt3A_28 : i1
    %and3A_30 = arith.andi %ne3A_29, %ne3A_25 : i1
    %add3A_31 = arith.addi %rem3A_23, %select_n3A_22 : i32
    %select_n3A_32 = arith.select %and3A_30, %add3A_31, %rem3A_23 : i32
    %dma_start3A = arith.constant 0 : i32
    %dma_start3A_33 = arith.constant 0 : i32
    %dma_start3A_34 = arith.constant 0 : i32
    %dma_start3A_35 = arith.constant 0 : i32
    %dma_start3A_36 = tpu.memref_slice %arg5[%dma_start3A, %dma_start3A_34, %dma_start3A_35] : memref<3x4x128xi32, #tpu.memory_space<vmem>> -> memref<1x4x128xi32, #tpu.memory_space<vmem>>
    %dma_start3A_37 = tpu.memref_squeeze %dma_start3A_36 : memref<1x4x128xi32, #tpu.memory_space<vmem>> -> memref<4x128xi32, #tpu.memory_space<vmem>>
    %dma_start3A_38 = arith.constant 0 : i32
    %dma_start3A_39 = arith.constant 0 : i32
    %dma_start3A_40 = tpu.memref_slice %arg2[%select_n3A, %select_n3A_32, %dma_start3A_38, %dma_start3A_39] : memref<25x128x8x128xi32, #tpu.memory_space<hbm>> -> memref<1x1x4x128xi32, #tpu.memory_space<hbm>>
    %dma_start3A_41 = tpu.memref_squeeze %dma_start3A_40 : memref<1x1x4x128xi32, #tpu.memory_space<hbm>> -> memref<4x128xi32, #tpu.memory_space<hbm>>
    %dma_start3A_42 = tpu.memref_slice %arg8[%dma_start3A_33] : memref<3x!tpu.dma_semaphore, #tpu.memory_space<semaphore_mem>> -> memref<1x!tpu.dma_semaphore, #tpu.memory_space<semaphore_mem>>
    %dma_start3A_43 = tpu.memref_squeeze %dma_start3A_42 : memref<1x!tpu.dma_semaphore, #tpu.memory_space<semaphore_mem>> -> memref<!tpu.dma_semaphore, #tpu.memory_space<semaphore_mem>>
    %dma_start3A_44 = arith.constant 0 : i32
    %dma_start3A_45 = arith.constant 0 : i32
    %dma_start3A_46 = tpu.memref_slice %arg5[%dma_start3A, %dma_start3A_44, %dma_start3A_45] : memref<3x4x128xi32, #tpu.memory_space<vmem>> -> memref<1x4x128xi32, #tpu.memory_space<vmem>>
    %dma_start3A_47 = tpu.memref_squeeze %dma_start3A_46 : memref<1x4x128xi32, #tpu.memory_space<vmem>> -> memref<4x128xi32, #tpu.memory_space<vmem>>
    %dma_start3A_48 = arith.constant 0 : i32
    %dma_start3A_49 = arith.constant 0 : i32
    %dma_start3A_50 = tpu.memref_slice %arg2[%select_n3A, %select_n3A_32, %dma_start3A_48, %dma_start3A_49] : memref<25x128x8x128xi32, #tpu.memory_space<hbm>> -> memref<1x1x4x128xi32, #tpu.memory_space<hbm>>
    %dma_start3A_51 = tpu.memref_squeeze %dma_start3A_50 : memref<1x1x4x128xi32, #tpu.memory_space<hbm>> -> memref<4x128xi32, #tpu.memory_space<hbm>>
    tpu.enqueue_dma source(%dma_start3A_51 : memref<4x128xi32, #tpu.memory_space<hbm>>) target(%dma_start3A_47 : memref<4x128xi32, #tpu.memory_space<vmem>>) target_semaphore(%dma_start3A_43 : memref<!tpu.dma_semaphore, #tpu.memory_space<semaphore_mem>>)
    %dma_wait3A = arith.constant 0 : i32
    %dma_wait3A_52 = arith.constant 0 : i32
    %dma_wait3A_53 = arith.constant 0 : i32
    %dma_wait3A_54 = arith.constant 0 : i32
    %dma_wait3A_55 = arith.constant 0 : i32
    %dma_wait3A_56 = arith.constant 0 : i32
    %dma_wait3A_57 = tpu.memref_slice %arg5[%dma_wait3A_53, %dma_wait3A_55, %dma_wait3A_56] : memref<3x4x128xi32, #tpu.memory_space<vmem>> -> memref<1x4x128xi32, #tpu.memory_space<vmem>>
    %dma_wait3A_58 = tpu.memref_squeeze %dma_wait3A_57 : memref<1x4x128xi32, #tpu.memory_space<vmem>> -> memref<4x128xi32, #tpu.memory_space<vmem>>
    %dma_wait3A_59 = arith.constant 0 : i32
    %dma_wait3A_60 = arith.constant 0 : i32
    %dma_wait3A_61 = tpu.memref_slice %arg2[%dma_wait3A, %dma_wait3A_52, %dma_wait3A_59, %dma_wait3A_60] : memref<25x128x8x128xi32, #tpu.memory_space<hbm>> -> memref<1x1x4x128xi32, #tpu.memory_space<hbm>>
    %dma_wait3A_62 = tpu.memref_squeeze %dma_wait3A_61 : memref<1x1x4x128xi32, #tpu.memory_space<hbm>> -> memref<4x128xi32, #tpu.memory_space<hbm>>
    %dma_wait3A_63 = tpu.memref_slice %arg8[%dma_wait3A_54] : memref<3x!tpu.dma_semaphore, #tpu.memory_space<semaphore_mem>> -> memref<1x!tpu.dma_semaphore, #tpu.memory_space<semaphore_mem>>
    %dma_wait3A_64 = tpu.memref_squeeze %dma_wait3A_63 : memref<1x!tpu.dma_semaphore, #tpu.memory_space<semaphore_mem>> -> memref<!tpu.dma_semaphore, #tpu.memory_space<semaphore_mem>>
    %dma_wait3A_65 = arith.constant 0 : i32
    %dma_wait3A_66 = arith.constant 0 : i32
    %dma_wait3A_67 = tpu.memref_slice %arg5[%dma_wait3A_53, %dma_wait3A_65, %dma_wait3A_66] : memref<3x4x128xi32, #tpu.memory_space<vmem>> -> memref<1x4x128xi32, #tpu.memory_space<vmem>>
    %dma_wait3A_68 = tpu.memref_squeeze %dma_wait3A_67 : memref<1x4x128xi32, #tpu.memory_space<vmem>> -> memref<4x128xi32, #tpu.memory_space<vmem>>
    %dma_wait3A_69 = arith.constant 0 : i32
    %dma_wait3A_70 = arith.constant 0 : i32
    %dma_wait3A_71 = tpu.memref_slice %arg2[%dma_wait3A, %dma_wait3A_52, %dma_wait3A_69, %dma_wait3A_70] : memref<25x128x8x128xi32, #tpu.memory_space<hbm>> -> memref<1x1x4x128xi32, #tpu.memory_space<hbm>>
    %dma_wait3A_72 = tpu.memref_squeeze %dma_wait3A_71 : memref<1x1x4x128xi32, #tpu.memory_space<hbm>> -> memref<4x128xi32, #tpu.memory_space<hbm>>
    tpu.wait_dma2 semaphore(%dma_wait3A_64 : memref<!tpu.dma_semaphore, #tpu.memory_space<semaphore_mem>>) src(%dma_wait3A_72 : memref<4x128xi32, #tpu.memory_space<hbm>>) dst(%dma_wait3A_68 : memref<4x128xi32, #tpu.memory_space<vmem>>)
    %dma_start3A_73 = arith.constant 0 : i32
    %dma_start3A_74 = arith.constant 0 : i32
    %dma_start3A_75 = arith.constant 0 : i32
    %dma_start3A_76 = arith.constant 0 : i32
    %dma_start3A_77 = arith.constant 0 : i32
    %dma_start3A_78 = arith.constant 0 : i32
    %dma_start3A_79 = arith.constant 0 : i32
    %dma_start3A_80 = tpu.memref_slice %arg6[%dma_start3A_75, %dma_start3A_76, %dma_start3A_78, %dma_start3A_79] : memref<3x4x128x32xf32, #tpu.memory_space<vmem>> -> memref<1x1x128x32xf32, #tpu.memory_space<vmem>>
    %dma_start3A_81 = tpu.memref_squeeze %dma_start3A_80 : memref<1x1x128x32xf32, #tpu.memory_space<vmem>> -> memref<128x32xf32, #tpu.memory_space<vmem>>
    %dma_start3A_82 = arith.constant 0 : i32
    %dma_start3A_83 = tpu.memref_slice %arg5[%dma_start3A_73, %dma_start3A_74, %dma_start3A_82] : memref<3x4x128xi32, #tpu.memory_space<vmem>> -> memref<1x1x128xi32, #tpu.memory_space<vmem>>
    %dma_start3A_84 = tpu.memref_squeeze %dma_start3A_83 : memref<1x1x128xi32, #tpu.memory_space<vmem>> -> memref<128xi32, #tpu.memory_space<vmem>>
    %dma_start3A_85 = arith.constant 0 : i32
    %dma_start3A_86 = arith.constant 0 : i32
    %dma_start3A_87 = tpu.memref_slice %arg3[%dma_start3A_85, %dma_start3A_86] : memref<1000000x32xf32, #tpu.memory_space<hbm>> -> memref<1000000x32xf32, #tpu.memory_space<hbm>>
    %dma_start3A_88 = tpu.memref_slice %arg9[%dma_start3A_77] : memref<3x!tpu.dma_semaphore, #tpu.memory_space<semaphore_mem>> -> memref<1x!tpu.dma_semaphore, #tpu.memory_space<semaphore_mem>>
    %dma_start3A_89 = tpu.memref_squeeze %dma_start3A_88 : memref<1x!tpu.dma_semaphore, #tpu.memory_space<semaphore_mem>> -> memref<!tpu.dma_semaphore, #tpu.memory_space<semaphore_mem>>
    tpu.enqueue_indirect_dma source(%dma_start3A_87 : memref<1000000x32xf32, #tpu.memory_space<hbm>>) target(%dma_start3A_81 : memref<128x32xf32, #tpu.memory_space<vmem>>) offsets(%dma_start3A_84 : memref<128xi32, #tpu.memory_space<vmem>>) semaphore(%dma_start3A_89 : memref<!tpu.dma_semaphore, #tpu.memory_space<semaphore_mem>>)
    %dma_start3A_90 = arith.constant 0 : i32
    %dma_start3A_91 = arith.constant 1 : i32
    %dma_start3A_92 = arith.constant 0 : i32
    %dma_start3A_93 = arith.constant 1 : i32
    %dma_start3A_94 = arith.constant 0 : i32
    %dma_start3A_95 = arith.constant 0 : i32
    %dma_start3A_96 = arith.constant 0 : i32
    %dma_start3A_97 = tpu.memref_slice %arg6[%dma_start3A_92, %dma_start3A_93, %dma_start3A_95, %dma_start3A_96] : memref<3x4x128x32xf32, #tpu.memory_space<vmem>> -> memref<1x1x128x32xf32, #tpu.memory_space<vmem>>
    %dma_start3A_98 = tpu.memref_squeeze %dma_start3A_97 : memref<1x1x128x32xf32, #tpu.memory_space<vmem>> -> memref<128x32xf32, #tpu.memory_space<vmem>>
    %dma_start3A_99 = arith.constant 0 : i32
    %dma_start3A_100 = tpu.memref_slice %arg5[%dma_start3A_90, %dma_start3A_91, %dma_start3A_99] : memref<3x4x128xi32, #tpu.memory_space<vmem>> -> memref<1x1x128xi32, #tpu.memory_space<vmem>>
    %dma_start3A_101 = tpu.memref_squeeze %dma_start3A_100 : memref<1x1x128xi32, #tpu.memory_space<vmem>> -> memref<128xi32, #tpu.memory_space<vmem>>
    %dma_start3A_102 = arith.constant 0 : i32
    %dma_start3A_103 = arith.constant 0 : i32
    %dma_start3A_104 = tpu.memref_slice %arg3[%dma_start3A_102, %dma_start3A_103] : memref<1000000x32xf32, #tpu.memory_space<hbm>> -> memref<1000000x32xf32, #tpu.memory_space<hbm>>
    %dma_start3A_105 = tpu.memref_slice %arg9[%dma_start3A_94] : memref<3x!tpu.dma_semaphore, #tpu.memory_space<semaphore_mem>> -> memref<1x!tpu.dma_semaphore, #tpu.memory_space<semaphore_mem>>
    %dma_start3A_106 = tpu.memref_squeeze %dma_start3A_105 : memref<1x!tpu.dma_semaphore, #tpu.memory_space<semaphore_mem>> -> memref<!tpu.dma_semaphore, #tpu.memory_space<semaphore_mem>>
    tpu.enqueue_indirect_dma source(%dma_start3A_104 : memref<1000000x32xf32, #tpu.memory_space<hbm>>) target(%dma_start3A_98 : memref<128x32xf32, #tpu.memory_space<vmem>>) offsets(%dma_start3A_101 : memref<128xi32, #tpu.memory_space<vmem>>) semaphore(%dma_start3A_106 : memref<!tpu.dma_semaphore, #tpu.memory_space<semaphore_mem>>)
    %dma_start3A_107 = arith.constant 0 : i32
    %dma_start3A_108 = arith.constant 2 : i32
    %dma_start3A_109 = arith.constant 0 : i32
    %dma_start3A_110 = arith.constant 2 : i32
    %dma_start3A_111 = arith.constant 0 : i32
    %dma_start3A_112 = arith.constant 0 : i32
    %dma_start3A_113 = arith.constant 0 : i32
    %dma_start3A_114 = tpu.memref_slice %arg6[%dma_start3A_109, %dma_start3A_110, %dma_start3A_112, %dma_start3A_113] : memref<3x4x128x32xf32, #tpu.memory_space<vmem>> -> memref<1x1x128x32xf32, #tpu.memory_space<vmem>>
    %dma_start3A_115 = tpu.memref_squeeze %dma_start3A_114 : memref<1x1x128x32xf32, #tpu.memory_space<vmem>> -> memref<128x32xf32, #tpu.memory_space<vmem>>
    %dma_start3A_116 = arith.constant 0 : i32
    %dma_start3A_117 = tpu.memref_slice %arg5[%dma_start3A_107, %dma_start3A_108, %dma_start3A_116] : memref<3x4x128xi32, #tpu.memory_space<vmem>> -> memref<1x1x128xi32, #tpu.memory_space<vmem>>
    %dma_start3A_118 = tpu.memref_squeeze %dma_start3A_117 : memref<1x1x128xi32, #tpu.memory_space<vmem>> -> memref<128xi32, #tpu.memory_space<vmem>>
    %dma_start3A_119 = arith.constant 0 : i32
    %dma_start3A_120 = arith.constant 0 : i32
    %dma_start3A_121 = tpu.memref_slice %arg3[%dma_start3A_119, %dma_start3A_120] : memref<1000000x32xf32, #tpu.memory_space<hbm>> -> memref<1000000x32xf32, #tpu.memory_space<hbm>>
    %dma_start3A_122 = tpu.memref_slice %arg9[%dma_start3A_111] : memref<3x!tpu.dma_semaphore, #tpu.memory_space<semaphore_mem>> -> memref<1x!tpu.dma_semaphore, #tpu.memory_space<semaphore_mem>>
    %dma_start3A_123 = tpu.memref_squeeze %dma_start3A_122 : memref<1x!tpu.dma_semaphore, #tpu.memory_space<semaphore_mem>> -> memref<!tpu.dma_semaphore, #tpu.memory_space<semaphore_mem>>
    tpu.enqueue_indirect_dma source(%dma_start3A_121 : memref<1000000x32xf32, #tpu.memory_space<hbm>>) target(%dma_start3A_115 : memref<128x32xf32, #tpu.memory_space<vmem>>) offsets(%dma_start3A_118 : memref<128xi32, #tpu.memory_space<vmem>>) semaphore(%dma_start3A_123 : memref<!tpu.dma_semaphore, #tpu.memory_space<semaphore_mem>>)
    %dma_start3A_124 = arith.constant 0 : i32
    %dma_start3A_125 = arith.constant 3 : i32
    %dma_start3A_126 = arith.constant 0 : i32
    %dma_start3A_127 = arith.constant 3 : i32
    %dma_start3A_128 = arith.constant 0 : i32
    %dma_start3A_129 = arith.constant 0 : i32
    %dma_start3A_130 = arith.constant 0 : i32
    %dma_start3A_131 = tpu.memref_slice %arg6[%dma_start3A_126, %dma_start3A_127, %dma_start3A_129, %dma_start3A_130] : memref<3x4x128x32xf32, #tpu.memory_space<vmem>> -> memref<1x1x128x32xf32, #tpu.memory_space<vmem>>
    %dma_start3A_132 = tpu.memref_squeeze %dma_start3A_131 : memref<1x1x128x32xf32, #tpu.memory_space<vmem>> -> memref<128x32xf32, #tpu.memory_space<vmem>>
    %dma_start3A_133 = arith.constant 0 : i32
    %dma_start3A_134 = tpu.memref_slice %arg5[%dma_start3A_124, %dma_start3A_125, %dma_start3A_133] : memref<3x4x128xi32, #tpu.memory_space<vmem>> -> memref<1x1x128xi32, #tpu.memory_space<vmem>>
    %dma_start3A_135 = tpu.memref_squeeze %dma_start3A_134 : memref<1x1x128xi32, #tpu.memory_space<vmem>> -> memref<128xi32, #tpu.memory_space<vmem>>
    %dma_start3A_136 = arith.constant 0 : i32
    %dma_start3A_137 = arith.constant 0 : i32
    %dma_start3A_138 = tpu.memref_slice %arg3[%dma_start3A_136, %dma_start3A_137] : memref<1000000x32xf32, #tpu.memory_space<hbm>> -> memref<1000000x32xf32, #tpu.memory_space<hbm>>
    %dma_start3A_139 = tpu.memref_slice %arg9[%dma_start3A_128] : memref<3x!tpu.dma_semaphore, #tpu.memory_space<semaphore_mem>> -> memref<1x!tpu.dma_semaphore, #tpu.memory_space<semaphore_mem>>
    %dma_start3A_140 = tpu.memref_squeeze %dma_start3A_139 : memref<1x!tpu.dma_semaphore, #tpu.memory_space<semaphore_mem>> -> memref<!tpu.dma_semaphore, #tpu.memory_space<semaphore_mem>>
    tpu.enqueue_indirect_dma source(%dma_start3A_138 : memref<1000000x32xf32, #tpu.memory_space<hbm>>) target(%dma_start3A_132 : memref<128x32xf32, #tpu.memory_space<vmem>>) offsets(%dma_start3A_135 : memref<128xi32, #tpu.memory_space<vmem>>) semaphore(%dma_start3A_140 : memref<!tpu.dma_semaphore, #tpu.memory_space<semaphore_mem>>)
    %add3A_141 = arith.constant 0 : i32
    %add3A_142 = arith.addi %add3A, %add3A_141 : i32
    %jit3A_143 = arith.constant 128 : i32
    %div3A_144 = arith.divsi %add3A_142, %jit3A_143 : i32
    %sign3A_145 = arith.constant 0 : i32
    %sign3A_146 = arith.cmpi sgt, %add3A_142, %sign3A_145 : i32
    %sign3A_147 = arith.extui %sign3A_146 : i1 to i32
    %sign3A_148 = arith.constant 0 : i32
    %sign3A_149 = arith.cmpi slt, %add3A_142, %sign3A_148 : i32
    %sign3A_150 = arith.extui %sign3A_149 : i1 to i32
    %sign3A_151 = arith.subi %sign3A_147, %sign3A_150 : i32
    %sign3A_152 = arith.constant 0 : i32
    %sign3A_153 = arith.cmpi sgt, %jit3A_143, %sign3A_152 : i32
    %sign3A_154 = arith.extui %sign3A_153 : i1 to i32
    %sign3A_155 = arith.constant 0 : i32
    %sign3A_156 = arith.cmpi slt, %jit3A_143, %sign3A_155 : i32
    %sign3A_157 = arith.extui %sign3A_156 : i1 to i32
    %sign3A_158 = arith.subi %sign3A_154, %sign3A_157 : i32
    %ne3A_159 = arith.cmpi ne, %sign3A_151, %sign3A_158 : i32
    %rem3A_160 = arith.remsi %add3A_142, %jit3A_143 : i32
    %ne3A_161 = arith.constant 0 : i32
    %ne3A_162 = arith.cmpi ne, %rem3A_160, %ne3A_161 : i32
    %and3A_163 = arith.andi %ne3A_159, %ne3A_162 : i1
    %sub3A_164 = arith.constant 1 : i32
    %sub3A_165 = arith.subi %div3A_144, %sub3A_164 : i32
    %select_n3A_166 = arith.select %and3A_163, %sub3A_165, %div3A_144 : i32
    %jit3A_167 = arith.constant 128 : i32
    %eq3A_168 = arith.constant 0 : i32
    %eq3A_169 = arith.cmpi eq, %jit3A_167, %eq3A_168 : i32
    %jit3A_170 = arith.constant 1 : i32
    %select_n3A_171 = arith.select %eq3A_169, %jit3A_170, %jit3A_167 : i32
    %rem3A_172 = arith.remsi %add3A_142, %select_n3A_171 : i32
    %ne3A_173 = arith.constant 0 : i32
    %ne3A_174 = arith.cmpi ne, %rem3A_172, %ne3A_173 : i32
    %lt3A_175 = arith.constant 0 : i32
    %lt3A_176 = arith.cmpi slt, %rem3A_172, %lt3A_175 : i32
    %lt3A_177 = arith.constant 0 : i32
    %lt3A_178 = arith.cmpi slt, %select_n3A_171, %lt3A_177 : i32
    %ne3A_179 = arith.xori %lt3A_176, %lt3A_178 : i1
    %and3A_180 = arith.andi %ne3A_179, %ne3A_174 : i1
    %add3A_181 = arith.addi %rem3A_172, %select_n3A_171 : i32
    %select_n3A_182 = arith.select %and3A_180, %add3A_181, %rem3A_172 : i32
    %dma_start3A_183 = arith.constant 1 : i32
    %dma_start3A_184 = arith.constant 1 : i32
    %dma_start3A_185 = arith.constant 0 : i32
    %dma_start3A_186 = arith.constant 0 : i32
    %dma_start3A_187 = tpu.memref_slice %arg5[%dma_start3A_183, %dma_start3A_185, %dma_start3A_186] : memref<3x4x128xi32, #tpu.memory_space<vmem>> -> memref<1x4x128xi32, #tpu.memory_space<vmem>>
    %dma_start3A_188 = tpu.memref_squeeze %dma_start3A_187 : memref<1x4x128xi32, #tpu.memory_space<vmem>> -> memref<4x128xi32, #tpu.memory_space<vmem>>
    %dma_start3A_189 = arith.constant 4 : i32
    %dma_start3A_190 = arith.constant 0 : i32
    %dma_start3A_191 = tpu.memref_slice %arg2[%select_n3A_166, %select_n3A_182, %dma_start3A_189, %dma_start3A_190] : memref<25x128x8x128xi32, #tpu.memory_space<hbm>> -> memref<1x1x4x128xi32, #tpu.memory_space<hbm>>
    %dma_start3A_192 = tpu.memref_squeeze %dma_start3A_191 : memref<1x1x4x128xi32, #tpu.memory_space<hbm>> -> memref<4x128xi32, #tpu.memory_space<hbm>>
    %dma_start3A_193 = tpu.memref_slice %arg8[%dma_start3A_184] : memref<3x!tpu.dma_semaphore, #tpu.memory_space<semaphore_mem>> -> memref<1x!tpu.dma_semaphore, #tpu.memory_space<semaphore_mem>>
    %dma_start3A_194 = tpu.memref_squeeze %dma_start3A_193 : memref<1x!tpu.dma_semaphore, #tpu.memory_space<semaphore_mem>> -> memref<!tpu.dma_semaphore, #tpu.memory_space<semaphore_mem>>
    %dma_start3A_195 = arith.constant 0 : i32
    %dma_start3A_196 = arith.constant 0 : i32
    %dma_start3A_197 = tpu.memref_slice %arg5[%dma_start3A_183, %dma_start3A_195, %dma_start3A_196] : memref<3x4x128xi32, #tpu.memory_space<vmem>> -> memref<1x4x128xi32, #tpu.memory_space<vmem>>
    %dma_start3A_198 = tpu.memref_squeeze %dma_start3A_197 : memref<1x4x128xi32, #tpu.memory_space<vmem>> -> memref<4x128xi32, #tpu.memory_space<vmem>>
    %dma_start3A_199 = arith.constant 4 : i32
    %dma_start3A_200 = arith.constant 0 : i32
    %dma_start3A_201 = tpu.memref_slice %arg2[%select_n3A_166, %select_n3A_182, %dma_start3A_199, %dma_start3A_200] : memref<25x128x8x128xi32, #tpu.memory_space<hbm>> -> memref<1x1x4x128xi32, #tpu.memory_space<hbm>>
    %dma_start3A_202 = tpu.memref_squeeze %dma_start3A_201 : memref<1x1x4x128xi32, #tpu.memory_space<hbm>> -> memref<4x128xi32, #tpu.memory_space<hbm>>
    tpu.enqueue_dma source(%dma_start3A_202 : memref<4x128xi32, #tpu.memory_space<hbm>>) target(%dma_start3A_198 : memref<4x128xi32, #tpu.memory_space<vmem>>) target_semaphore(%dma_start3A_194 : memref<!tpu.dma_semaphore, #tpu.memory_space<semaphore_mem>>)
    %dma_wait3A_203 = arith.constant 0 : i32
    %dma_wait3A_204 = arith.constant 0 : i32
    %dma_wait3A_205 = arith.constant 1 : i32
    %dma_wait3A_206 = arith.constant 1 : i32
    %dma_wait3A_207 = arith.constant 0 : i32
    %dma_wait3A_208 = arith.constant 0 : i32
    %dma_wait3A_209 = tpu.memref_slice %arg5[%dma_wait3A_205, %dma_wait3A_207, %dma_wait3A_208] : memref<3x4x128xi32, #tpu.memory_space<vmem>> -> memref<1x4x128xi32, #tpu.memory_space<vmem>>
    %dma_wait3A_210 = tpu.memref_squeeze %dma_wait3A_209 : memref<1x4x128xi32, #tpu.memory_space<vmem>> -> memref<4x128xi32, #tpu.memory_space<vmem>>
    %dma_wait3A_211 = arith.constant 0 : i32
    %dma_wait3A_212 = arith.constant 0 : i32
    %dma_wait3A_213 = tpu.memref_slice %arg2[%dma_wait3A_203, %dma_wait3A_204, %dma_wait3A_211, %dma_wait3A_212] : memref<25x128x8x128xi32, #tpu.memory_space<hbm>> -> memref<1x1x4x128xi32, #tpu.memory_space<hbm>>
    %dma_wait3A_214 = tpu.memref_squeeze %dma_wait3A_213 : memref<1x1x4x128xi32, #tpu.memory_space<hbm>> -> memref<4x128xi32, #tpu.memory_space<hbm>>
    %dma_wait3A_215 = tpu.memref_slice %arg8[%dma_wait3A_206] : memref<3x!tpu.dma_semaphore, #tpu.memory_space<semaphore_mem>> -> memref<1x!tpu.dma_semaphore, #tpu.memory_space<semaphore_mem>>
    %dma_wait3A_216 = tpu.memref_squeeze %dma_wait3A_215 : memref<1x!tpu.dma_semaphore, #tpu.memory_space<semaphore_mem>> -> memref<!tpu.dma_semaphore, #tpu.memory_space<semaphore_mem>>
    %dma_wait3A_217 = arith.constant 0 : i32
    %dma_wait3A_218 = arith.constant 0 : i32
    %dma_wait3A_219 = tpu.memref_slice %arg5[%dma_wait3A_205, %dma_wait3A_217, %dma_wait3A_218] : memref<3x4x128xi32, #tpu.memory_space<vmem>> -> memref<1x4x128xi32, #tpu.memory_space<vmem>>
    %dma_wait3A_220 = tpu.memref_squeeze %dma_wait3A_219 : memref<1x4x128xi32, #tpu.memory_space<vmem>> -> memref<4x128xi32, #tpu.memory_space<vmem>>
    %dma_wait3A_221 = arith.constant 0 : i32
    %dma_wait3A_222 = arith.constant 0 : i32
    %dma_wait3A_223 = tpu.memref_slice %arg2[%dma_wait3A_203, %dma_wait3A_204, %dma_wait3A_221, %dma_wait3A_222] : memref<25x128x8x128xi32, #tpu.memory_space<hbm>> -> memref<1x1x4x128xi32, #tpu.memory_space<hbm>>
    %dma_wait3A_224 = tpu.memref_squeeze %dma_wait3A_223 : memref<1x1x4x128xi32, #tpu.memory_space<hbm>> -> memref<4x128xi32, #tpu.memory_space<hbm>>
    tpu.wait_dma2 semaphore(%dma_wait3A_216 : memref<!tpu.dma_semaphore, #tpu.memory_space<semaphore_mem>>) src(%dma_wait3A_224 : memref<4x128xi32, #tpu.memory_space<hbm>>) dst(%dma_wait3A_220 : memref<4x128xi32, #tpu.memory_space<vmem>>)
    %dma_start3A_225 = arith.constant 1 : i32
    %dma_start3A_226 = arith.constant 0 : i32
    %dma_start3A_227 = arith.constant 1 : i32
    %dma_start3A_228 = arith.constant 0 : i32
    %dma_start3A_229 = arith.constant 1 : i32
    %dma_start3A_230 = arith.constant 0 : i32
    %dma_start3A_231 = arith.constant 0 : i32
    %dma_start3A_232 = tpu.memref_slice %arg6[%dma_start3A_227, %dma_start3A_228, %dma_start3A_230, %dma_start3A_231] : memref<3x4x128x32xf32, #tpu.memory_space<vmem>> -> memref<1x1x128x32xf32, #tpu.memory_space<vmem>>
    %dma_start3A_233 = tpu.memref_squeeze %dma_start3A_232 : memref<1x1x128x32xf32, #tpu.memory_space<vmem>> -> memref<128x32xf32, #tpu.memory_space<vmem>>
    %dma_start3A_234 = arith.constant 0 : i32
    %dma_start3A_235 = tpu.memref_slice %arg5[%dma_start3A_225, %dma_start3A_226, %dma_start3A_234] : memref<3x4x128xi32, #tpu.memory_space<vmem>> -> memref<1x1x128xi32, #tpu.memory_space<vmem>>
    %dma_start3A_236 = tpu.memref_squeeze %dma_start3A_235 : memref<1x1x128xi32, #tpu.memory_space<vmem>> -> memref<128xi32, #tpu.memory_space<vmem>>
    %dma_start3A_237 = arith.constant 0 : i32
    %dma_start3A_238 = arith.constant 0 : i32
    %dma_start3A_239 = tpu.memref_slice %arg3[%dma_start3A_237, %dma_start3A_238] : memref<1000000x32xf32, #tpu.memory_space<hbm>> -> memref<1000000x32xf32, #tpu.memory_space<hbm>>
    %dma_start3A_240 = tpu.memref_slice %arg9[%dma_start3A_229] : memref<3x!tpu.dma_semaphore, #tpu.memory_space<semaphore_mem>> -> memref<1x!tpu.dma_semaphore, #tpu.memory_space<semaphore_mem>>
    %dma_start3A_241 = tpu.memref_squeeze %dma_start3A_240 : memref<1x!tpu.dma_semaphore, #tpu.memory_space<semaphore_mem>> -> memref<!tpu.dma_semaphore, #tpu.memory_space<semaphore_mem>>
    tpu.enqueue_indirect_dma source(%dma_start3A_239 : memref<1000000x32xf32, #tpu.memory_space<hbm>>) target(%dma_start3A_233 : memref<128x32xf32, #tpu.memory_space<vmem>>) offsets(%dma_start3A_236 : memref<128xi32, #tpu.memory_space<vmem>>) semaphore(%dma_start3A_241 : memref<!tpu.dma_semaphore, #tpu.memory_space<semaphore_mem>>)
    %dma_start3A_242 = arith.constant 1 : i32
    %dma_start3A_243 = arith.constant 1 : i32
    %dma_start3A_244 = arith.constant 1 : i32
    %dma_start3A_245 = arith.constant 1 : i32
    %dma_start3A_246 = arith.constant 1 : i32
    %dma_start3A_247 = arith.constant 0 : i32
    %dma_start3A_248 = arith.constant 0 : i32
    %dma_start3A_249 = tpu.memref_slice %arg6[%dma_start3A_244, %dma_start3A_245, %dma_start3A_247, %dma_start3A_248] : memref<3x4x128x32xf32, #tpu.memory_space<vmem>> -> memref<1x1x128x32xf32, #tpu.memory_space<vmem>>
    %dma_start3A_250 = tpu.memref_squeeze %dma_start3A_249 : memref<1x1x128x32xf32, #tpu.memory_space<vmem>> -> memref<128x32xf32, #tpu.memory_space<vmem>>
    %dma_start3A_251 = arith.constant 0 : i32
    %dma_start3A_252 = tpu.memref_slice %arg5[%dma_start3A_242, %dma_start3A_243, %dma_start3A_251] : memref<3x4x128xi32, #tpu.memory_space<vmem>> -> memref<1x1x128xi32, #tpu.memory_space<vmem>>
    %dma_start3A_253 = tpu.memref_squeeze %dma_start3A_252 : memref<1x1x128xi32, #tpu.memory_space<vmem>> -> memref<128xi32, #tpu.memory_space<vmem>>
    %dma_start3A_254 = arith.constant 0 : i32
    %dma_start3A_255 = arith.constant 0 : i32
    %dma_start3A_256 = tpu.memref_slice %arg3[%dma_start3A_254, %dma_start3A_255] : memref<1000000x32xf32, #tpu.memory_space<hbm>> -> memref<1000000x32xf32, #tpu.memory_space<hbm>>
    %dma_start3A_257 = tpu.memref_slice %arg9[%dma_start3A_246] : memref<3x!tpu.dma_semaphore, #tpu.memory_space<semaphore_mem>> -> memref<1x!tpu.dma_semaphore, #tpu.memory_space<semaphore_mem>>
    %dma_start3A_258 = tpu.memref_squeeze %dma_start3A_257 : memref<1x!tpu.dma_semaphore, #tpu.memory_space<semaphore_mem>> -> memref<!tpu.dma_semaphore, #tpu.memory_space<semaphore_mem>>
    tpu.enqueue_indirect_dma source(%dma_start3A_256 : memref<1000000x32xf32, #tpu.memory_space<hbm>>) target(%dma_start3A_250 : memref<128x32xf32, #tpu.memory_space<vmem>>) offsets(%dma_start3A_253 : memref<128xi32, #tpu.memory_space<vmem>>) semaphore(%dma_start3A_258 : memref<!tpu.dma_semaphore, #tpu.memory_space<semaphore_mem>>)
    %dma_start3A_259 = arith.constant 1 : i32
    %dma_start3A_260 = arith.constant 2 : i32
    %dma_start3A_261 = arith.constant 1 : i32
    %dma_start3A_262 = arith.constant 2 : i32
    %dma_start3A_263 = arith.constant 1 : i32
    %dma_start3A_264 = arith.constant 0 : i32
    %dma_start3A_265 = arith.constant 0 : i32
    %dma_start3A_266 = tpu.memref_slice %arg6[%dma_start3A_261, %dma_start3A_262, %dma_start3A_264, %dma_start3A_265] : memref<3x4x128x32xf32, #tpu.memory_space<vmem>> -> memref<1x1x128x32xf32, #tpu.memory_space<vmem>>
    %dma_start3A_267 = tpu.memref_squeeze %dma_start3A_266 : memref<1x1x128x32xf32, #tpu.memory_space<vmem>> -> memref<128x32xf32, #tpu.memory_space<vmem>>
    %dma_start3A_268 = arith.constant 0 : i32
    %dma_start3A_269 = tpu.memref_slice %arg5[%dma_start3A_259, %dma_start3A_260, %dma_start3A_268] : memref<3x4x128xi32, #tpu.memory_space<vmem>> -> memref<1x1x128xi32, #tpu.memory_space<vmem>>
    %dma_start3A_270 = tpu.memref_squeeze %dma_start3A_269 : memref<1x1x128xi32, #tpu.memory_space<vmem>> -> memref<128xi32, #tpu.memory_space<vmem>>
    %dma_start3A_271 = arith.constant 0 : i32
    %dma_start3A_272 = arith.constant 0 : i32
    %dma_start3A_273 = tpu.memref_slice %arg3[%dma_start3A_271, %dma_start3A_272] : memref<1000000x32xf32, #tpu.memory_space<hbm>> -> memref<1000000x32xf32, #tpu.memory_space<hbm>>
    %dma_start3A_274 = tpu.memref_slice %arg9[%dma_start3A_263] : memref<3x!tpu.dma_semaphore, #tpu.memory_space<semaphore_mem>> -> memref<1x!tpu.dma_semaphore, #tpu.memory_space<semaphore_mem>>
    %dma_start3A_275 = tpu.memref_squeeze %dma_start3A_274 : memref<1x!tpu.dma_semaphore, #tpu.memory_space<semaphore_mem>> -> memref<!tpu.dma_semaphore, #tpu.memory_space<semaphore_mem>>
    tpu.enqueue_indirect_dma source(%dma_start3A_273 : memref<1000000x32xf32, #tpu.memory_space<hbm>>) target(%dma_start3A_267 : memref<128x32xf32, #tpu.memory_space<vmem>>) offsets(%dma_start3A_270 : memref<128xi32, #tpu.memory_space<vmem>>) semaphore(%dma_start3A_275 : memref<!tpu.dma_semaphore, #tpu.memory_space<semaphore_mem>>)
    %dma_start3A_276 = arith.constant 1 : i32
    %dma_start3A_277 = arith.constant 3 : i32
    %dma_start3A_278 = arith.constant 1 : i32
    %dma_start3A_279 = arith.constant 3 : i32
    %dma_start3A_280 = arith.constant 1 : i32
    %dma_start3A_281 = arith.constant 0 : i32
    %dma_start3A_282 = arith.constant 0 : i32
    %dma_start3A_283 = tpu.memref_slice %arg6[%dma_start3A_278, %dma_start3A_279, %dma_start3A_281, %dma_start3A_282] : memref<3x4x128x32xf32, #tpu.memory_space<vmem>> -> memref<1x1x128x32xf32, #tpu.memory_space<vmem>>
    %dma_start3A_284 = tpu.memref_squeeze %dma_start3A_283 : memref<1x1x128x32xf32, #tpu.memory_space<vmem>> -> memref<128x32xf32, #tpu.memory_space<vmem>>
    %dma_start3A_285 = arith.constant 0 : i32
    %dma_start3A_286 = tpu.memref_slice %arg5[%dma_start3A_276, %dma_start3A_277, %dma_start3A_285] : memref<3x4x128xi32, #tpu.memory_space<vmem>> -> memref<1x1x128xi32, #tpu.memory_space<vmem>>
    %dma_start3A_287 = tpu.memref_squeeze %dma_start3A_286 : memref<1x1x128xi32, #tpu.memory_space<vmem>> -> memref<128xi32, #tpu.memory_space<vmem>>
    %dma_start3A_288 = arith.constant 0 : i32
    %dma_start3A_289 = arith.constant 0 : i32
    %dma_start3A_290 = tpu.memref_slice %arg3[%dma_start3A_288, %dma_start3A_289] : memref<1000000x32xf32, #tpu.memory_space<hbm>> -> memref<1000000x32xf32, #tpu.memory_space<hbm>>
    %dma_start3A_291 = tpu.memref_slice %arg9[%dma_start3A_280] : memref<3x!tpu.dma_semaphore, #tpu.memory_space<semaphore_mem>> -> memref<1x!tpu.dma_semaphore, #tpu.memory_space<semaphore_mem>>
    %dma_start3A_292 = tpu.memref_squeeze %dma_start3A_291 : memref<1x!tpu.dma_semaphore, #tpu.memory_space<semaphore_mem>> -> memref<!tpu.dma_semaphore, #tpu.memory_space<semaphore_mem>>
    tpu.enqueue_indirect_dma source(%dma_start3A_290 : memref<1000000x32xf32, #tpu.memory_space<hbm>>) target(%dma_start3A_284 : memref<128x32xf32, #tpu.memory_space<vmem>>) offsets(%dma_start3A_287 : memref<128xi32, #tpu.memory_space<vmem>>) semaphore(%dma_start3A_292 : memref<!tpu.dma_semaphore, #tpu.memory_space<semaphore_mem>>)
    %add3A_293 = arith.constant 32 : i32
    %add3A_294 = arith.addi %add3A, %add3A_293 : i32
    %jit3A_295 = arith.constant 128 : i32
    %div3A_296 = arith.divsi %add3A_294, %jit3A_295 : i32
    %sign3A_297 = arith.constant 0 : i32
    %sign3A_298 = arith.cmpi sgt, %add3A_294, %sign3A_297 : i32
    %sign3A_299 = arith.extui %sign3A_298 : i1 to i32
    %sign3A_300 = arith.constant 0 : i32
    %sign3A_301 = arith.cmpi slt, %add3A_294, %sign3A_300 : i32
    %sign3A_302 = arith.extui %sign3A_301 : i1 to i32
    %sign3A_303 = arith.subi %sign3A_299, %sign3A_302 : i32
    %sign3A_304 = arith.constant 0 : i32
    %sign3A_305 = arith.cmpi sgt, %jit3A_295, %sign3A_304 : i32
    %sign3A_306 = arith.extui %sign3A_305 : i1 to i32
    %sign3A_307 = arith.constant 0 : i32
    %sign3A_308 = arith.cmpi slt, %jit3A_295, %sign3A_307 : i32
    %sign3A_309 = arith.extui %sign3A_308 : i1 to i32
    %sign3A_310 = arith.subi %sign3A_306, %sign3A_309 : i32
    %ne3A_311 = arith.cmpi ne, %sign3A_303, %sign3A_310 : i32
    %rem3A_312 = arith.remsi %add3A_294, %jit3A_295 : i32
    %ne3A_313 = arith.constant 0 : i32
    %ne3A_314 = arith.cmpi ne, %rem3A_312, %ne3A_313 : i32
    %and3A_315 = arith.andi %ne3A_311, %ne3A_314 : i1
    %sub3A_316 = arith.constant 1 : i32
    %sub3A_317 = arith.subi %div3A_296, %sub3A_316 : i32
    %select_n3A_318 = arith.select %and3A_315, %sub3A_317, %div3A_296 : i32
    %jit3A_319 = arith.constant 128 : i32
    %eq3A_320 = arith.constant 0 : i32
    %eq3A_321 = arith.cmpi eq, %jit3A_319, %eq3A_320 : i32
    %jit3A_322 = arith.constant 1 : i32
    %select_n3A_323 = arith.select %eq3A_321, %jit3A_322, %jit3A_319 : i32
    %rem3A_324 = arith.remsi %add3A_294, %select_n3A_323 : i32
    %ne3A_325 = arith.constant 0 : i32
    %ne3A_326 = arith.cmpi ne, %rem3A_324, %ne3A_325 : i32
    %lt3A_327 = arith.constant 0 : i32
    %lt3A_328 = arith.cmpi slt, %rem3A_324, %lt3A_327 : i32
    %lt3A_329 = arith.constant 0 : i32
    %lt3A_330 = arith.cmpi slt, %select_n3A_323, %lt3A_329 : i32
    %ne3A_331 = arith.xori %lt3A_328, %lt3A_330 : i1
    %and3A_332 = arith.andi %ne3A_331, %ne3A_326 : i1
    %add3A_333 = arith.addi %rem3A_324, %select_n3A_323 : i32
    %select_n3A_334 = arith.select %and3A_332, %add3A_333, %rem3A_324 : i32
    %dma_start3A_335 = arith.constant 2 : i32
    %dma_start3A_336 = arith.constant 2 : i32
    %dma_start3A_337 = arith.constant 0 : i32
    %dma_start3A_338 = arith.constant 0 : i32
    %dma_start3A_339 = tpu.memref_slice %arg5[%dma_start3A_335, %dma_start3A_337, %dma_start3A_338] : memref<3x4x128xi32, #tpu.memory_space<vmem>> -> memref<1x4x128xi32, #tpu.memory_space<vmem>>
    %dma_start3A_340 = tpu.memref_squeeze %dma_start3A_339 : memref<1x4x128xi32, #tpu.memory_space<vmem>> -> memref<4x128xi32, #tpu.memory_space<vmem>>
    %dma_start3A_341 = arith.constant 0 : i32
    %dma_start3A_342 = arith.constant 0 : i32
    %dma_start3A_343 = tpu.memref_slice %arg2[%select_n3A_318, %select_n3A_334, %dma_start3A_341, %dma_start3A_342] : memref<25x128x8x128xi32, #tpu.memory_space<hbm>> -> memref<1x1x4x128xi32, #tpu.memory_space<hbm>>
    %dma_start3A_344 = tpu.memref_squeeze %dma_start3A_343 : memref<1x1x4x128xi32, #tpu.memory_space<hbm>> -> memref<4x128xi32, #tpu.memory_space<hbm>>
    %dma_start3A_345 = tpu.memref_slice %arg8[%dma_start3A_336] : memref<3x!tpu.dma_semaphore, #tpu.memory_space<semaphore_mem>> -> memref<1x!tpu.dma_semaphore, #tpu.memory_space<semaphore_mem>>
    %dma_start3A_346 = tpu.memref_squeeze %dma_start3A_345 : memref<1x!tpu.dma_semaphore, #tpu.memory_space<semaphore_mem>> -> memref<!tpu.dma_semaphore, #tpu.memory_space<semaphore_mem>>
    %dma_start3A_347 = arith.constant 0 : i32
    %dma_start3A_348 = arith.constant 0 : i32
    %dma_start3A_349 = tpu.memref_slice %arg5[%dma_start3A_335, %dma_start3A_347, %dma_start3A_348] : memref<3x4x128xi32, #tpu.memory_space<vmem>> -> memref<1x4x128xi32, #tpu.memory_space<vmem>>
    %dma_start3A_350 = tpu.memref_squeeze %dma_start3A_349 : memref<1x4x128xi32, #tpu.memory_space<vmem>> -> memref<4x128xi32, #tpu.memory_space<vmem>>
    %dma_start3A_351 = arith.constant 0 : i32
    %dma_start3A_352 = arith.constant 0 : i32
    %dma_start3A_353 = tpu.memref_slice %arg2[%select_n3A_318, %select_n3A_334, %dma_start3A_351, %dma_start3A_352] : memref<25x128x8x128xi32, #tpu.memory_space<hbm>> -> memref<1x1x4x128xi32, #tpu.memory_space<hbm>>
    %dma_start3A_354 = tpu.memref_squeeze %dma_start3A_353 : memref<1x1x4x128xi32, #tpu.memory_space<hbm>> -> memref<4x128xi32, #tpu.memory_space<hbm>>
    tpu.enqueue_dma source(%dma_start3A_354 : memref<4x128xi32, #tpu.memory_space<hbm>>) target(%dma_start3A_350 : memref<4x128xi32, #tpu.memory_space<vmem>>) target_semaphore(%dma_start3A_346 : memref<!tpu.dma_semaphore, #tpu.memory_space<semaphore_mem>>)
    %scan3A = arith.constant 0 : i32
    %scan3A_355 = arith.constant 0 : i32
    %scan3A_356 = arith.constant 200 : i32
    %scan3A_357 = arith.addi %scan3A_355, %scan3A_356 : i32
    %scan3A_358 = arith.constant 1 : i32
    scf.for %scan3A_684 = %scan3A_355 to %scan3A_357 step %scan3A_358  : i32 {
      %jit3A_685 = arith.constant 3 : i32
      %eq3A_686 = arith.constant 0 : i32
      %eq3A_687 = arith.cmpi eq, %jit3A_685, %eq3A_686 : i32
      %jit3A_688 = arith.constant 1 : i32
      %select_n3A_689 = arith.select %eq3A_687, %jit3A_688, %jit3A_685 : i32
      %rem3A_690 = arith.remsi %scan3A_684, %select_n3A_689 : i32
      %ne3A_691 = arith.constant 0 : i32
      %ne3A_692 = arith.cmpi ne, %rem3A_690, %ne3A_691 : i32
      %lt3A_693 = arith.constant 0 : i32
      %lt3A_694 = arith.cmpi slt, %rem3A_690, %lt3A_693 : i32
      %lt3A_695 = arith.constant 0 : i32
      %lt3A_696 = arith.cmpi slt, %select_n3A_689, %lt3A_695 : i32
      %ne3A_697 = arith.xori %lt3A_694, %lt3A_696 : i1
      %and3A_698 = arith.andi %ne3A_697, %ne3A_692 : i1
      %add3A_699 = arith.addi %rem3A_690, %select_n3A_689 : i32
      %select_n3A_700 = arith.select %and3A_698, %add3A_699, %rem3A_690 : i32
      %add3A_701 = arith.constant 2 : i32
      %add3A_702 = arith.addi %scan3A_684, %add3A_701 : i32
      %jit3A_703 = arith.constant 3 : i32
      %eq3A_704 = arith.constant 0 : i32
      %eq3A_705 = arith.cmpi eq, %jit3A_703, %eq3A_704 : i32
      %jit3A_706 = arith.constant 1 : i32
      %select_n3A_707 = arith.select %eq3A_705, %jit3A_706, %jit3A_703 : i32
      %rem3A_708 = arith.remsi %add3A_702, %select_n3A_707 : i32
      %ne3A_709 = arith.constant 0 : i32
      %ne3A_710 = arith.cmpi ne, %rem3A_708, %ne3A_709 : i32
      %lt3A_711 = arith.constant 0 : i32
      %lt3A_712 = arith.cmpi slt, %rem3A_708, %lt3A_711 : i32
      %lt3A_713 = arith.constant 0 : i32
      %lt3A_714 = arith.cmpi slt, %select_n3A_707, %lt3A_713 : i32
      %ne3A_715 = arith.xori %lt3A_712, %lt3A_714 : i1
      %and3A_716 = arith.andi %ne3A_715, %ne3A_710 : i1
      %add3A_717 = arith.addi %rem3A_708, %select_n3A_707 : i32
      %select_n3A_718 = arith.select %and3A_716, %add3A_717, %rem3A_708 : i32
      %lt3A_719 = arith.constant 198 : i32
      %lt3A_720 = arith.cmpi slt, %scan3A_684, %lt3A_719 : i32
      %convert_element_type3A = arith.extui %lt3A_720 : i1 to i32
      %cond3A = arith.constant 0 : i32
      %cond3A_721 = arith.cmpi ne, %convert_element_type3A, %cond3A : i32
      scf.if %cond3A_721 {
        %dma_wait3A_986 = arith.constant 0 : i32
        %dma_wait3A_987 = arith.constant 0 : i32
        %dma_wait3A_988 = arith.constant 0 : i32
        %dma_wait3A_989 = arith.constant 0 : i32
        %dma_wait3A_990 = tpu.memref_slice %arg5[%select_n3A_718, %dma_wait3A_988, %dma_wait3A_989] : memref<3x4x128xi32, #tpu.memory_space<vmem>> -> memref<1x4x128xi32, #tpu.memory_space<vmem>>
        %dma_wait3A_991 = tpu.memref_squeeze %dma_wait3A_990 : memref<1x4x128xi32, #tpu.memory_space<vmem>> -> memref<4x128xi32, #tpu.memory_space<vmem>>
        %dma_wait3A_992 = arith.constant 0 : i32
        %dma_wait3A_993 = arith.constant 0 : i32
        %dma_wait3A_994 = tpu.memref_slice %arg2[%dma_wait3A_986, %dma_wait3A_987, %dma_wait3A_992, %dma_wait3A_993] : memref<25x128x8x128xi32, #tpu.memory_space<hbm>> -> memref<1x1x4x128xi32, #tpu.memory_space<hbm>>
        %dma_wait3A_995 = tpu.memref_squeeze %dma_wait3A_994 : memref<1x1x4x128xi32, #tpu.memory_space<hbm>> -> memref<4x128xi32, #tpu.memory_space<hbm>>
        %dma_wait3A_996 = tpu.memref_slice %arg8[%select_n3A_718] : memref<3x!tpu.dma_semaphore, #tpu.memory_space<semaphore_mem>> -> memref<1x!tpu.dma_semaphore, #tpu.memory_space<semaphore_mem>>
        %dma_wait3A_997 = tpu.memref_squeeze %dma_wait3A_996 : memref<1x!tpu.dma_semaphore, #tpu.memory_space<semaphore_mem>> -> memref<!tpu.dma_semaphore, #tpu.memory_space<semaphore_mem>>
        %dma_wait3A_998 = arith.constant 0 : i32
        %dma_wait3A_999 = arith.constant 0 : i32
        %dma_wait3A_1000 = tpu.memref_slice %arg5[%select_n3A_718, %dma_wait3A_998, %dma_wait3A_999] : memref<3x4x128xi32, #tpu.memory_space<vmem>> -> memref<1x4x128xi32, #tpu.memory_space<vmem>>
        %dma_wait3A_1001 = tpu.memref_squeeze %dma_wait3A_1000 : memref<1x4x128xi32, #tpu.memory_space<vmem>> -> memref<4x128xi32, #tpu.memory_space<vmem>>
        %dma_wait3A_1002 = arith.constant 0 : i32
        %dma_wait3A_1003 = arith.constant 0 : i32
        %dma_wait3A_1004 = tpu.memref_slice %arg2[%dma_wait3A_986, %dma_wait3A_987, %dma_wait3A_1002, %dma_wait3A_1003] : memref<25x128x8x128xi32, #tpu.memory_space<hbm>> -> memref<1x1x4x128xi32, #tpu.memory_space<hbm>>
        %dma_wait3A_1005 = tpu.memref_squeeze %dma_wait3A_1004 : memref<1x1x4x128xi32, #tpu.memory_space<hbm>> -> memref<4x128xi32, #tpu.memory_space<hbm>>
        tpu.wait_dma2 semaphore(%dma_wait3A_997 : memref<!tpu.dma_semaphore, #tpu.memory_space<semaphore_mem>>) src(%dma_wait3A_1005 : memref<4x128xi32, #tpu.memory_space<hbm>>) dst(%dma_wait3A_1001 : memref<4x128xi32, #tpu.memory_space<vmem>>)
        %dma_start3A_1006 = arith.constant 0 : i32
        %dma_start3A_1007 = arith.constant 0 : i32
        %dma_start3A_1008 = arith.constant 0 : i32
        %dma_start3A_1009 = arith.constant 0 : i32
        %dma_start3A_1010 = tpu.memref_slice %arg6[%select_n3A_718, %dma_start3A_1007, %dma_start3A_1008, %dma_start3A_1009] : memref<3x4x128x32xf32, #tpu.memory_space<vmem>> -> memref<1x1x128x32xf32, #tpu.memory_space<vmem>>
        %dma_start3A_1011 = tpu.memref_squeeze %dma_start3A_1010 : memref<1x1x128x32xf32, #tpu.memory_space<vmem>> -> memref<128x32xf32, #tpu.memory_space<vmem>>
        %dma_start3A_1012 = arith.constant 0 : i32
        %dma_start3A_1013 = tpu.memref_slice %arg5[%select_n3A_718, %dma_start3A_1006, %dma_start3A_1012] : memref<3x4x128xi32, #tpu.memory_space<vmem>> -> memref<1x1x128xi32, #tpu.memory_space<vmem>>
        %dma_start3A_1014 = tpu.memref_squeeze %dma_start3A_1013 : memref<1x1x128xi32, #tpu.memory_space<vmem>> -> memref<128xi32, #tpu.memory_space<vmem>>
        %dma_start3A_1015 = arith.constant 0 : i32
        %dma_start3A_1016 = arith.constant 0 : i32
        %dma_start3A_1017 = tpu.memref_slice %arg3[%dma_start3A_1015, %dma_start3A_1016] : memref<1000000x32xf32, #tpu.memory_space<hbm>> -> memref<1000000x32xf32, #tpu.memory_space<hbm>>
        %dma_start3A_1018 = tpu.memref_slice %arg9[%select_n3A_718] : memref<3x!tpu.dma_semaphore, #tpu.memory_space<semaphore_mem>> -> memref<1x!tpu.dma_semaphore, #tpu.memory_space<semaphore_mem>>
        %dma_start3A_1019 = tpu.memref_squeeze %dma_start3A_1018 : memref<1x!tpu.dma_semaphore, #tpu.memory_space<semaphore_mem>> -> memref<!tpu.dma_semaphore, #tpu.memory_space<semaphore_mem>>
        tpu.enqueue_indirect_dma source(%dma_start3A_1017 : memref<1000000x32xf32, #tpu.memory_space<hbm>>) target(%dma_start3A_1011 : memref<128x32xf32, #tpu.memory_space<vmem>>) offsets(%dma_start3A_1014 : memref<128xi32, #tpu.memory_space<vmem>>) semaphore(%dma_start3A_1019 : memref<!tpu.dma_semaphore, #tpu.memory_space<semaphore_mem>>)
        %dma_start3A_1020 = arith.constant 1 : i32
        %dma_start3A_1021 = arith.constant 1 : i32
        %dma_start3A_1022 = arith.constant 0 : i32
        %dma_start3A_1023 = arith.constant 0 : i32
        %dma_start3A_1024 = tpu.memref_slice %arg6[%select_n3A_718, %dma_start3A_1021, %dma_start3A_1022, %dma_start3A_1023] : memref<3x4x128x32xf32, #tpu.memory_space<vmem>> -> memref<1x1x128x32xf32, #tpu.memory_space<vmem>>
        %dma_start3A_1025 = tpu.memref_squeeze %dma_start3A_1024 : memref<1x1x128x32xf32, #tpu.memory_space<vmem>> -> memref<128x32xf32, #tpu.memory_space<vmem>>
        %dma_start3A_1026 = arith.constant 0 : i32
        %dma_start3A_1027 = tpu.memref_slice %arg5[%select_n3A_718, %dma_start3A_1020, %dma_start3A_1026] : memref<3x4x128xi32, #tpu.memory_space<vmem>> -> memref<1x1x128xi32, #tpu.memory_space<vmem>>
        %dma_start3A_1028 = tpu.memref_squeeze %dma_start3A_1027 : memref<1x1x128xi32, #tpu.memory_space<vmem>> -> memref<128xi32, #tpu.memory_space<vmem>>
        %dma_start3A_1029 = arith.constant 0 : i32
        %dma_start3A_1030 = arith.constant 0 : i32
        %dma_start3A_1031 = tpu.memref_slice %arg3[%dma_start3A_1029, %dma_start3A_1030] : memref<1000000x32xf32, #tpu.memory_space<hbm>> -> memref<1000000x32xf32, #tpu.memory_space<hbm>>
        %dma_start3A_1032 = tpu.memref_slice %arg9[%select_n3A_718] : memref<3x!tpu.dma_semaphore, #tpu.memory_space<semaphore_mem>> -> memref<1x!tpu.dma_semaphore, #tpu.memory_space<semaphore_mem>>
        %dma_start3A_1033 = tpu.memref_squeeze %dma_start3A_1032 : memref<1x!tpu.dma_semaphore, #tpu.memory_space<semaphore_mem>> -> memref<!tpu.dma_semaphore, #tpu.memory_space<semaphore_mem>>
        tpu.enqueue_indirect_dma source(%dma_start3A_1031 : memref<1000000x32xf32, #tpu.memory_space<hbm>>) target(%dma_start3A_1025 : memref<128x32xf32, #tpu.memory_space<vmem>>) offsets(%dma_start3A_1028 : memref<128xi32, #tpu.memory_space<vmem>>) semaphore(%dma_start3A_1033 : memref<!tpu.dma_semaphore, #tpu.memory_space<semaphore_mem>>)
        %dma_start3A_1034 = arith.constant 2 : i32
        %dma_start3A_1035 = arith.constant 2 : i32
        %dma_start3A_1036 = arith.constant 0 : i32
        %dma_start3A_1037 = arith.constant 0 : i32
        %dma_start3A_1038 = tpu.memref_slice %arg6[%select_n3A_718, %dma_start3A_1035, %dma_start3A_1036, %dma_start3A_1037] : memref<3x4x128x32xf32, #tpu.memory_space<vmem>> -> memref<1x1x128x32xf32, #tpu.memory_space<vmem>>
        %dma_start3A_1039 = tpu.memref_squeeze %dma_start3A_1038 : memref<1x1x128x32xf32, #tpu.memory_space<vmem>> -> memref<128x32xf32, #tpu.memory_space<vmem>>
        %dma_start3A_1040 = arith.constant 0 : i32
        %dma_start3A_1041 = tpu.memref_slice %arg5[%select_n3A_718, %dma_start3A_1034, %dma_start3A_1040] : memref<3x4x128xi32, #tpu.memory_space<vmem>> -> memref<1x1x128xi32, #tpu.memory_space<vmem>>
        %dma_start3A_1042 = tpu.memref_squeeze %dma_start3A_1041 : memref<1x1x128xi32, #tpu.memory_space<vmem>> -> memref<128xi32, #tpu.memory_space<vmem>>
        %dma_start3A_1043 = arith.constant 0 : i32
        %dma_start3A_1044 = arith.constant 0 : i32
        %dma_start3A_1045 = tpu.memref_slice %arg3[%dma_start3A_1043, %dma_start3A_1044] : memref<1000000x32xf32, #tpu.memory_space<hbm>> -> memref<1000000x32xf32, #tpu.memory_space<hbm>>
        %dma_start3A_1046 = tpu.memref_slice %arg9[%select_n3A_718] : memref<3x!tpu.dma_semaphore, #tpu.memory_space<semaphore_mem>> -> memref<1x!tpu.dma_semaphore, #tpu.memory_space<semaphore_mem>>
        %dma_start3A_1047 = tpu.memref_squeeze %dma_start3A_1046 : memref<1x!tpu.dma_semaphore, #tpu.memory_space<semaphore_mem>> -> memref<!tpu.dma_semaphore, #tpu.memory_space<semaphore_mem>>
        tpu.enqueue_indirect_dma source(%dma_start3A_1045 : memref<1000000x32xf32, #tpu.memory_space<hbm>>) target(%dma_start3A_1039 : memref<128x32xf32, #tpu.memory_space<vmem>>) offsets(%dma_start3A_1042 : memref<128xi32, #tpu.memory_space<vmem>>) semaphore(%dma_start3A_1047 : memref<!tpu.dma_semaphore, #tpu.memory_space<semaphore_mem>>)
        %dma_start3A_1048 = arith.constant 3 : i32
        %dma_start3A_1049 = arith.constant 3 : i32
        %dma_start3A_1050 = arith.constant 0 : i32
        %dma_start3A_1051 = arith.constant 0 : i32
        %dma_start3A_1052 = tpu.memref_slice %arg6[%select_n3A_718, %dma_start3A_1049, %dma_start3A_1050, %dma_start3A_1051] : memref<3x4x128x32xf32, #tpu.memory_space<vmem>> -> memref<1x1x128x32xf32, #tpu.memory_space<vmem>>
        %dma_start3A_1053 = tpu.memref_squeeze %dma_start3A_1052 : memref<1x1x128x32xf32, #tpu.memory_space<vmem>> -> memref<128x32xf32, #tpu.memory_space<vmem>>
        %dma_start3A_1054 = arith.constant 0 : i32
        %dma_start3A_1055 = tpu.memref_slice %arg5[%select_n3A_718, %dma_start3A_1048, %dma_start3A_1054] : memref<3x4x128xi32, #tpu.memory_space<vmem>> -> memref<1x1x128xi32, #tpu.memory_space<vmem>>
        %dma_start3A_1056 = tpu.memref_squeeze %dma_start3A_1055 : memref<1x1x128xi32, #tpu.memory_space<vmem>> -> memref<128xi32, #tpu.memory_space<vmem>>
        %dma_start3A_1057 = arith.constant 0 : i32
        %dma_start3A_1058 = arith.constant 0 : i32
        %dma_start3A_1059 = tpu.memref_slice %arg3[%dma_start3A_1057, %dma_start3A_1058] : memref<1000000x32xf32, #tpu.memory_space<hbm>> -> memref<1000000x32xf32, #tpu.memory_space<hbm>>
        %dma_start3A_1060 = tpu.memref_slice %arg9[%select_n3A_718] : memref<3x!tpu.dma_semaphore, #tpu.memory_space<semaphore_mem>> -> memref<1x!tpu.dma_semaphore, #tpu.memory_space<semaphore_mem>>
        %dma_start3A_1061 = tpu.memref_squeeze %dma_start3A_1060 : memref<1x!tpu.dma_semaphore, #tpu.memory_space<semaphore_mem>> -> memref<!tpu.dma_semaphore, #tpu.memory_space<semaphore_mem>>
        tpu.enqueue_indirect_dma source(%dma_start3A_1059 : memref<1000000x32xf32, #tpu.memory_space<hbm>>) target(%dma_start3A_1053 : memref<128x32xf32, #tpu.memory_space<vmem>>) offsets(%dma_start3A_1056 : memref<128xi32, #tpu.memory_space<vmem>>) semaphore(%dma_start3A_1061 : memref<!tpu.dma_semaphore, #tpu.memory_space<semaphore_mem>>)
      } else {
      }
      %dma_wait3A_722 = arith.constant 0 : i32
      %dma_wait3A_723 = arith.constant 0 : i32
      %dma_wait3A_724 = arith.constant 0 : i32
      %dma_wait3A_725 = arith.constant 0 : i32
      %dma_wait3A_726 = tpu.memref_slice %arg6[%select_n3A_700, %dma_wait3A_723, %dma_wait3A_724, %dma_wait3A_725] : memref<3x4x128x32xf32, #tpu.memory_space<vmem>> -> memref<1x1x128x32xf32, #tpu.memory_space<vmem>>
      %dma_wait3A_727 = tpu.memref_squeeze %dma_wait3A_726 : memref<1x1x128x32xf32, #tpu.memory_space<vmem>> -> memref<128x32xf32, #tpu.memory_space<vmem>>
      %dma_wait3A_728 = arith.constant 0 : i32
      %dma_wait3A_729 = tpu.memref_slice %arg5[%select_n3A_700, %dma_wait3A_722, %dma_wait3A_728] : memref<3x4x128xi32, #tpu.memory_space<vmem>> -> memref<1x1x128xi32, #tpu.memory_space<vmem>>
      %dma_wait3A_730 = tpu.memref_squeeze %dma_wait3A_729 : memref<1x1x128xi32, #tpu.memory_space<vmem>> -> memref<128xi32, #tpu.memory_space<vmem>>
      %dma_wait3A_731 = arith.constant 0 : i32
      %dma_wait3A_732 = arith.constant 0 : i32
      %dma_wait3A_733 = tpu.memref_slice %arg3[%dma_wait3A_731, %dma_wait3A_732] : memref<1000000x32xf32, #tpu.memory_space<hbm>> -> memref<1000000x32xf32, #tpu.memory_space<hbm>>
      %dma_wait3A_734 = tpu.memref_slice %arg9[%select_n3A_700] : memref<3x!tpu.dma_semaphore, #tpu.memory_space<semaphore_mem>> -> memref<1x!tpu.dma_semaphore, #tpu.memory_space<semaphore_mem>>
      %dma_wait3A_735 = tpu.memref_squeeze %dma_wait3A_734 : memref<1x!tpu.dma_semaphore, #tpu.memory_space<semaphore_mem>> -> memref<!tpu.dma_semaphore, #tpu.memory_space<semaphore_mem>>
      tpu.wait_indirect_dma semaphore(%dma_wait3A_735 : memref<!tpu.dma_semaphore, #tpu.memory_space<semaphore_mem>>) src(%dma_wait3A_733 : memref<1000000x32xf32, #tpu.memory_space<hbm>>) dst(%dma_wait3A_727 : memref<128x32xf32, #tpu.memory_space<vmem>>)
      %dma_wait3A_736 = arith.constant 1 : i32
      %dma_wait3A_737 = arith.constant 1 : i32
      %dma_wait3A_738 = arith.constant 0 : i32
      %dma_wait3A_739 = arith.constant 0 : i32
      %dma_wait3A_740 = tpu.memref_slice %arg6[%select_n3A_700, %dma_wait3A_737, %dma_wait3A_738, %dma_wait3A_739] : memref<3x4x128x32xf32, #tpu.memory_space<vmem>> -> memref<1x1x128x32xf32, #tpu.memory_space<vmem>>
      %dma_wait3A_741 = tpu.memref_squeeze %dma_wait3A_740 : memref<1x1x128x32xf32, #tpu.memory_space<vmem>> -> memref<128x32xf32, #tpu.memory_space<vmem>>
      %dma_wait3A_742 = arith.constant 0 : i32
      %dma_wait3A_743 = tpu.memref_slice %arg5[%select_n3A_700, %dma_wait3A_736, %dma_wait3A_742] : memref<3x4x128xi32, #tpu.memory_space<vmem>> -> memref<1x1x128xi32, #tpu.memory_space<vmem>>
      %dma_wait3A_744 = tpu.memref_squeeze %dma_wait3A_743 : memref<1x1x128xi32, #tpu.memory_space<vmem>> -> memref<128xi32, #tpu.memory_space<vmem>>
      %dma_wait3A_745 = arith.constant 0 : i32
      %dma_wait3A_746 = arith.constant 0 : i32
      %dma_wait3A_747 = tpu.memref_slice %arg3[%dma_wait3A_745, %dma_wait3A_746] : memref<1000000x32xf32, #tpu.memory_space<hbm>> -> memref<1000000x32xf32, #tpu.memory_space<hbm>>
      %dma_wait3A_748 = tpu.memref_slice %arg9[%select_n3A_700] : memref<3x!tpu.dma_semaphore, #tpu.memory_space<semaphore_mem>> -> memref<1x!tpu.dma_semaphore, #tpu.memory_space<semaphore_mem>>
      %dma_wait3A_749 = tpu.memref_squeeze %dma_wait3A_748 : memref<1x!tpu.dma_semaphore, #tpu.memory_space<semaphore_mem>> -> memref<!tpu.dma_semaphore, #tpu.memory_space<semaphore_mem>>
      tpu.wait_indirect_dma semaphore(%dma_wait3A_749 : memref<!tpu.dma_semaphore, #tpu.memory_space<semaphore_mem>>) src(%dma_wait3A_747 : memref<1000000x32xf32, #tpu.memory_space<hbm>>) dst(%dma_wait3A_741 : memref<128x32xf32, #tpu.memory_space<vmem>>)
      %dma_wait3A_750 = arith.constant 2 : i32
      %dma_wait3A_751 = arith.constant 2 : i32
      %dma_wait3A_752 = arith.constant 0 : i32
      %dma_wait3A_753 = arith.constant 0 : i32
      %dma_wait3A_754 = tpu.memref_slice %arg6[%select_n3A_700, %dma_wait3A_751, %dma_wait3A_752, %dma_wait3A_753] : memref<3x4x128x32xf32, #tpu.memory_space<vmem>> -> memref<1x1x128x32xf32, #tpu.memory_space<vmem>>
      %dma_wait3A_755 = tpu.memref_squeeze %dma_wait3A_754 : memref<1x1x128x32xf32, #tpu.memory_space<vmem>> -> memref<128x32xf32, #tpu.memory_space<vmem>>
      %dma_wait3A_756 = arith.constant 0 : i32
      %dma_wait3A_757 = tpu.memref_slice %arg5[%select_n3A_700, %dma_wait3A_750, %dma_wait3A_756] : memref<3x4x128xi32, #tpu.memory_space<vmem>> -> memref<1x1x128xi32, #tpu.memory_space<vmem>>
      %dma_wait3A_758 = tpu.memref_squeeze %dma_wait3A_757 : memref<1x1x128xi32, #tpu.memory_space<vmem>> -> memref<128xi32, #tpu.memory_space<vmem>>
      %dma_wait3A_759 = arith.constant 0 : i32
      %dma_wait3A_760 = arith.constant 0 : i32
      %dma_wait3A_761 = tpu.memref_slice %arg3[%dma_wait3A_759, %dma_wait3A_760] : memref<1000000x32xf32, #tpu.memory_space<hbm>> -> memref<1000000x32xf32, #tpu.memory_space<hbm>>
      %dma_wait3A_762 = tpu.memref_slice %arg9[%select_n3A_700] : memref<3x!tpu.dma_semaphore, #tpu.memory_space<semaphore_mem>> -> memref<1x!tpu.dma_semaphore, #tpu.memory_space<semaphore_mem>>
      %dma_wait3A_763 = tpu.memref_squeeze %dma_wait3A_762 : memref<1x!tpu.dma_semaphore, #tpu.memory_space<semaphore_mem>> -> memref<!tpu.dma_semaphore, #tpu.memory_space<semaphore_mem>>
      tpu.wait_indirect_dma semaphore(%dma_wait3A_763 : memref<!tpu.dma_semaphore, #tpu.memory_space<semaphore_mem>>) src(%dma_wait3A_761 : memref<1000000x32xf32, #tpu.memory_space<hbm>>) dst(%dma_wait3A_755 : memref<128x32xf32, #tpu.memory_space<vmem>>)
      %dma_wait3A_764 = arith.constant 3 : i32
      %dma_wait3A_765 = arith.constant 3 : i32
      %dma_wait3A_766 = arith.constant 0 : i32
      %dma_wait3A_767 = arith.constant 0 : i32
      %dma_wait3A_768 = tpu.memref_slice %arg6[%select_n3A_700, %dma_wait3A_765, %dma_wait3A_766, %dma_wait3A_767] : memref<3x4x128x32xf32, #tpu.memory_space<vmem>> -> memref<1x1x128x32xf32, #tpu.memory_space<vmem>>
      %dma_wait3A_769 = tpu.memref_squeeze %dma_wait3A_768 : memref<1x1x128x32xf32, #tpu.memory_space<vmem>> -> memref<128x32xf32, #tpu.memory_space<vmem>>
      %dma_wait3A_770 = arith.constant 0 : i32
      %dma_wait3A_771 = tpu.memref_slice %arg5[%select_n3A_700, %dma_wait3A_764, %dma_wait3A_770] : memref<3x4x128xi32, #tpu.memory_space<vmem>> -> memref<1x1x128xi32, #tpu.memory_space<vmem>>
      %dma_wait3A_772 = tpu.memref_squeeze %dma_wait3A_771 : memref<1x1x128xi32, #tpu.memory_space<vmem>> -> memref<128xi32, #tpu.memory_space<vmem>>
      %dma_wait3A_773 = arith.constant 0 : i32
      %dma_wait3A_774 = arith.constant 0 : i32
      %dma_wait3A_775 = tpu.memref_slice %arg3[%dma_wait3A_773, %dma_wait3A_774] : memref<1000000x32xf32, #tpu.memory_space<hbm>> -> memref<1000000x32xf32, #tpu.memory_space<hbm>>
      %dma_wait3A_776 = tpu.memref_slice %arg9[%select_n3A_700] : memref<3x!tpu.dma_semaphore, #tpu.memory_space<semaphore_mem>> -> memref<1x!tpu.dma_semaphore, #tpu.memory_space<semaphore_mem>>
      %dma_wait3A_777 = tpu.memref_squeeze %dma_wait3A_776 : memref<1x!tpu.dma_semaphore, #tpu.memory_space<semaphore_mem>> -> memref<!tpu.dma_semaphore, #tpu.memory_space<semaphore_mem>>
      tpu.wait_indirect_dma semaphore(%dma_wait3A_777 : memref<!tpu.dma_semaphore, #tpu.memory_space<semaphore_mem>>) src(%dma_wait3A_775 : memref<1000000x32xf32, #tpu.memory_space<hbm>>) dst(%dma_wait3A_769 : memref<128x32xf32, #tpu.memory_space<vmem>>)
      %lt3A_778 = arith.constant 197 : i32
      %lt3A_779 = arith.cmpi slt, %scan3A_684, %lt3A_778 : i32
      %convert_element_type3A_780 = arith.extui %lt3A_779 : i1 to i32
      %cond3A_781 = arith.constant 0 : i32
      %cond3A_782 = arith.cmpi ne, %convert_element_type3A_780, %cond3A_781 : i32
      scf.if %cond3A_782 {
        %add3A_986 = arith.constant 3 : i32
        %add3A_987 = arith.addi %scan3A_684, %add3A_986 : i32
        %jit3A_988 = arith.constant 2 : i32
        %div3A_989 = arith.divsi %add3A_987, %jit3A_988 : i32
        %sign3A_990 = arith.constant 0 : i32
        %sign3A_991 = arith.cmpi sgt, %add3A_987, %sign3A_990 : i32
        %sign3A_992 = arith.extui %sign3A_991 : i1 to i32
        %sign3A_993 = arith.constant 0 : i32
        %sign3A_994 = arith.cmpi slt, %add3A_987, %sign3A_993 : i32
        %sign3A_995 = arith.extui %sign3A_994 : i1 to i32
        %sign3A_996 = arith.subi %sign3A_992, %sign3A_995 : i32
        %sign3A_997 = arith.constant 0 : i32
        %sign3A_998 = arith.cmpi sgt, %jit3A_988, %sign3A_997 : i32
        %sign3A_999 = arith.extui %sign3A_998 : i1 to i32
        %sign3A_1000 = arith.constant 0 : i32
        %sign3A_1001 = arith.cmpi slt, %jit3A_988, %sign3A_1000 : i32
        %sign3A_1002 = arith.extui %sign3A_1001 : i1 to i32
        %sign3A_1003 = arith.subi %sign3A_999, %sign3A_1002 : i32
        %ne3A_1004 = arith.cmpi ne, %sign3A_996, %sign3A_1003 : i32
        %rem3A_1005 = arith.remsi %add3A_987, %jit3A_988 : i32
        %ne3A_1006 = arith.constant 0 : i32
        %ne3A_1007 = arith.cmpi ne, %rem3A_1005, %ne3A_1006 : i32
        %and3A_1008 = arith.andi %ne3A_1004, %ne3A_1007 : i1
        %sub3A_1009 = arith.constant 1 : i32
        %sub3A_1010 = arith.subi %div3A_989, %sub3A_1009 : i32
        %select_n3A_1011 = arith.select %and3A_1008, %sub3A_1010, %div3A_989 : i32
        %mul3A_1012 = arith.constant 32 : i32
        %mul3A_1013 = arith.muli %mul3A_1012, %select_n3A_1011 : i32
        %add3A_1014 = arith.addi %add3A, %mul3A_1013 : i32
        %jit3A_1015 = arith.constant 128 : i32
        %div3A_1016 = arith.divsi %add3A_1014, %jit3A_1015 : i32
        %sign3A_1017 = arith.constant 0 : i32
        %sign3A_1018 = arith.cmpi sgt, %add3A_1014, %sign3A_1017 : i32
        %sign3A_1019 = arith.extui %sign3A_1018 : i1 to i32
        %sign3A_1020 = arith.constant 0 : i32
        %sign3A_1021 = arith.cmpi slt, %add3A_1014, %sign3A_1020 : i32
        %sign3A_1022 = arith.extui %sign3A_1021 : i1 to i32
        %sign3A_1023 = arith.subi %sign3A_1019, %sign3A_1022 : i32
        %sign3A_1024 = arith.constant 0 : i32
        %sign3A_1025 = arith.cmpi sgt, %jit3A_1015, %sign3A_1024 : i32
        %sign3A_1026 = arith.extui %sign3A_1025 : i1 to i32
        %sign3A_1027 = arith.constant 0 : i32
        %sign3A_1028 = arith.cmpi slt, %jit3A_1015, %sign3A_1027 : i32
        %sign3A_1029 = arith.extui %sign3A_1028 : i1 to i32
        %sign3A_1030 = arith.subi %sign3A_1026, %sign3A_1029 : i32
        %ne3A_1031 = arith.cmpi ne, %sign3A_1023, %sign3A_1030 : i32
        %rem3A_1032 = arith.remsi %add3A_1014, %jit3A_1015 : i32
        %ne3A_1033 = arith.constant 0 : i32
        %ne3A_1034 = arith.cmpi ne, %rem3A_1032, %ne3A_1033 : i32
        %and3A_1035 = arith.andi %ne3A_1031, %ne3A_1034 : i1
        %sub3A_1036 = arith.constant 1 : i32
        %sub3A_1037 = arith.subi %div3A_1016, %sub3A_1036 : i32
        %select_n3A_1038 = arith.select %and3A_1035, %sub3A_1037, %div3A_1016 : i32
        %jit3A_1039 = arith.constant 128 : i32
        %eq3A_1040 = arith.constant 0 : i32
        %eq3A_1041 = arith.cmpi eq, %jit3A_1039, %eq3A_1040 : i32
        %jit3A_1042 = arith.constant 1 : i32
        %select_n3A_1043 = arith.select %eq3A_1041, %jit3A_1042, %jit3A_1039 : i32
        %rem3A_1044 = arith.remsi %add3A_1014, %select_n3A_1043 : i32
        %ne3A_1045 = arith.constant 0 : i32
        %ne3A_1046 = arith.cmpi ne, %rem3A_1044, %ne3A_1045 : i32
        %lt3A_1047 = arith.constant 0 : i32
        %lt3A_1048 = arith.cmpi slt, %rem3A_1044, %lt3A_1047 : i32
        %lt3A_1049 = arith.constant 0 : i32
        %lt3A_1050 = arith.cmpi slt, %select_n3A_1043, %lt3A_1049 : i32
        %ne3A_1051 = arith.xori %lt3A_1048, %lt3A_1050 : i1
        %and3A_1052 = arith.andi %ne3A_1051, %ne3A_1046 : i1
        %add3A_1053 = arith.addi %rem3A_1044, %select_n3A_1043 : i32
        %select_n3A_1054 = arith.select %and3A_1052, %add3A_1053, %rem3A_1044 : i32
        %jit3A_1055 = arith.constant 2 : i32
        %eq3A_1056 = arith.constant 0 : i32
        %eq3A_1057 = arith.cmpi eq, %jit3A_1055, %eq3A_1056 : i32
        %jit3A_1058 = arith.constant 1 : i32
        %select_n3A_1059 = arith.select %eq3A_1057, %jit3A_1058, %jit3A_1055 : i32
        %rem3A_1060 = arith.remsi %add3A_987, %select_n3A_1059 : i32
        %ne3A_1061 = arith.constant 0 : i32
        %ne3A_1062 = arith.cmpi ne, %rem3A_1060, %ne3A_1061 : i32
        %lt3A_1063 = arith.constant 0 : i32
        %lt3A_1064 = arith.cmpi slt, %rem3A_1060, %lt3A_1063 : i32
        %lt3A_1065 = arith.constant 0 : i32
        %lt3A_1066 = arith.cmpi slt, %select_n3A_1059, %lt3A_1065 : i32
        %ne3A_1067 = arith.xori %lt3A_1064, %lt3A_1066 : i1
        %and3A_1068 = arith.andi %ne3A_1067, %ne3A_1062 : i1
        %add3A_1069 = arith.addi %rem3A_1060, %select_n3A_1059 : i32
        %select_n3A_1070 = arith.select %and3A_1068, %add3A_1069, %rem3A_1060 : i32
        %mul3A_1071 = arith.constant 4 : i32
        %mul3A_1072 = arith.muli %select_n3A_1070, %mul3A_1071 : i32
        %dma_start3A_1073 = arith.constant 0 : i32
        %dma_start3A_1074 = arith.constant 0 : i32
        %dma_start3A_1075 = tpu.memref_slice %arg5[%select_n3A_700, %dma_start3A_1073, %dma_start3A_1074] : memref<3x4x128xi32, #tpu.memory_space<vmem>> -> memref<1x4x128xi32, #tpu.memory_space<vmem>>
        %dma_start3A_1076 = tpu.memref_squeeze %dma_start3A_1075 : memref<1x4x128xi32, #tpu.memory_space<vmem>> -> memref<4x128xi32, #tpu.memory_space<vmem>>
        %dma_start3A_1077 = arith.constant 0 : i32
        %dma_start3A_1078 = tpu.memref_slice %arg2[%select_n3A_1038, %select_n3A_1054, %mul3A_1072, %dma_start3A_1077] : memref<25x128x8x128xi32, #tpu.memory_space<hbm>> -> memref<1x1x4x128xi32, #tpu.memory_space<hbm>>
        %dma_start3A_1079 = tpu.memref_squeeze %dma_start3A_1078 : memref<1x1x4x128xi32, #tpu.memory_space<hbm>> -> memref<4x128xi32, #tpu.memory_space<hbm>>
        %dma_start3A_1080 = tpu.memref_slice %arg8[%select_n3A_700] : memref<3x!tpu.dma_semaphore, #tpu.memory_space<semaphore_mem>> -> memref<1x!tpu.dma_semaphore, #tpu.memory_space<semaphore_mem>>
        %dma_start3A_1081 = tpu.memref_squeeze %dma_start3A_1080 : memref<1x!tpu.dma_semaphore, #tpu.memory_space<semaphore_mem>> -> memref<!tpu.dma_semaphore, #tpu.memory_space<semaphore_mem>>
        %dma_start3A_1082 = arith.constant 0 : i32
        %dma_start3A_1083 = arith.constant 0 : i32
        %dma_start3A_1084 = tpu.memref_slice %arg5[%select_n3A_700, %dma_start3A_1082, %dma_start3A_1083] : memref<3x4x128xi32, #tpu.memory_space<vmem>> -> memref<1x4x128xi32, #tpu.memory_space<vmem>>
        %dma_start3A_1085 = tpu.memref_squeeze %dma_start3A_1084 : memref<1x4x128xi32, #tpu.memory_space<vmem>> -> memref<4x128xi32, #tpu.memory_space<vmem>>
        %dma_start3A_1086 = arith.constant 0 : i32
        %dma_start3A_1087 = tpu.memref_slice %arg2[%select_n3A_1038, %select_n3A_1054, %mul3A_1072, %dma_start3A_1086] : memref<25x128x8x128xi32, #tpu.memory_space<hbm>> -> memref<1x1x4x128xi32, #tpu.memory_space<hbm>>
        %dma_start3A_1088 = tpu.memref_squeeze %dma_start3A_1087 : memref<1x1x4x128xi32, #tpu.memory_space<hbm>> -> memref<4x128xi32, #tpu.memory_space<hbm>>
        tpu.enqueue_dma source(%dma_start3A_1088 : memref<4x128xi32, #tpu.memory_space<hbm>>) target(%dma_start3A_1085 : memref<4x128xi32, #tpu.memory_space<vmem>>) target_semaphore(%dma_start3A_1081 : memref<!tpu.dma_semaphore, #tpu.memory_space<semaphore_mem>>)
      } else {
      }
      %ge3A = arith.constant 3 : i32
      %ge3A_783 = arith.cmpi sge, %scan3A_684, %ge3A : i32
      %convert_element_type3A_784 = arith.extui %ge3A_783 : i1 to i32
      %cond3A_785 = arith.constant 0 : i32
      %cond3A_786 = arith.cmpi ne, %convert_element_type3A_784, %cond3A_785 : i32
      scf.if %cond3A_786 {
        %dma_wait3A_986 = arith.constant 0 : i32
        %dma_wait3A_987 = arith.constant 0 : i32
        %dma_wait3A_988 = arith.constant 0 : i32
        %dma_wait3A_989 = arith.constant 0 : i32
        %dma_wait3A_990 = arith.constant 0 : i32
        %dma_wait3A_991 = arith.constant 0 : i32
        %dma_wait3A_992 = arith.constant 0 : i32
        %dma_wait3A_993 = tpu.memref_slice %arg7[%dma_wait3A_986, %dma_wait3A_987, %dma_wait3A_990, %dma_wait3A_991, %dma_wait3A_992] : memref<3x4x4x8x129xf32, #tpu.memory_space<vmem>> -> memref<1x1x4x8x128xf32, #tpu.memory_space<vmem>>
        %dma_wait3A_994 = tpu.memref_squeeze %dma_wait3A_993 : memref<1x1x4x8x128xf32, #tpu.memory_space<vmem>> -> memref<4x8x128xf32, #tpu.memory_space<vmem>>
        %dma_wait3A_995 = arith.constant 0 : i32
        %dma_wait3A_996 = arith.constant 0 : i32
        %dma_wait3A_997 = arith.constant 0 : i32
        %dma_wait3A_998 = tpu.memref_slice %arg4[%dma_wait3A_988, %dma_wait3A_995, %dma_wait3A_989, %dma_wait3A_996, %dma_wait3A_997] : memref<200x4x128x8x128xf32, #tpu.memory_space<hbm>> -> memref<1x4x1x8x128xf32, #tpu.memory_space<hbm>>
        %dma_wait3A_999 = tpu.memref_squeeze %dma_wait3A_998 : memref<1x4x1x8x128xf32, #tpu.memory_space<hbm>> -> memref<4x8x128xf32, #tpu.memory_space<hbm>>
        %dma_wait3A_1000 = tpu.memref_slice %arg10[%select_n3A_700] : memref<3x!tpu.dma_semaphore, #tpu.memory_space<semaphore_mem>> -> memref<1x!tpu.dma_semaphore, #tpu.memory_space<semaphore_mem>>
        %dma_wait3A_1001 = tpu.memref_squeeze %dma_wait3A_1000 : memref<1x!tpu.dma_semaphore, #tpu.memory_space<semaphore_mem>> -> memref<!tpu.dma_semaphore, #tpu.memory_space<semaphore_mem>>
        %dma_wait3A_1002 = arith.constant 0 : i32
        %dma_wait3A_1003 = arith.constant 0 : i32
        %dma_wait3A_1004 = arith.constant 0 : i32
        %dma_wait3A_1005 = tpu.memref_slice %arg4[%dma_wait3A_988, %dma_wait3A_1002, %dma_wait3A_989, %dma_wait3A_1003, %dma_wait3A_1004] : memref<200x4x128x8x128xf32, #tpu.memory_space<hbm>> -> memref<1x4x1x8x128xf32, #tpu.memory_space<hbm>>
        %dma_wait3A_1006 = tpu.memref_squeeze %dma_wait3A_1005 : memref<1x4x1x8x128xf32, #tpu.memory_space<hbm>> -> memref<4x8x128xf32, #tpu.memory_space<hbm>>
        %dma_wait3A_1007 = arith.constant 0 : i32
        %dma_wait3A_1008 = arith.constant 0 : i32
        %dma_wait3A_1009 = arith.constant 0 : i32
        %dma_wait3A_1010 = tpu.memref_slice %arg7[%dma_wait3A_986, %dma_wait3A_987, %dma_wait3A_1007, %dma_wait3A_1008, %dma_wait3A_1009] : memref<3x4x4x8x129xf32, #tpu.memory_space<vmem>> -> memref<1x1x4x8x128xf32, #tpu.memory_space<vmem>>
        %dma_wait3A_1011 = tpu.memref_squeeze %dma_wait3A_1010 : memref<1x1x4x8x128xf32, #tpu.memory_space<vmem>> -> memref<4x8x128xf32, #tpu.memory_space<vmem>>
        tpu.wait_dma2 semaphore(%dma_wait3A_1001 : memref<!tpu.dma_semaphore, #tpu.memory_space<semaphore_mem>>) src(%dma_wait3A_1011 : memref<4x8x128xf32, #tpu.memory_space<vmem>>) dst(%dma_wait3A_1006 : memref<4x8x128xf32, #tpu.memory_space<hbm>>)
        %dma_wait3A_1012 = arith.constant 0 : i32
        %dma_wait3A_1013 = arith.constant 1 : i32
        %dma_wait3A_1014 = arith.constant 0 : i32
        %dma_wait3A_1015 = arith.constant 0 : i32
        %dma_wait3A_1016 = arith.constant 0 : i32
        %dma_wait3A_1017 = arith.constant 0 : i32
        %dma_wait3A_1018 = arith.constant 0 : i32
        %dma_wait3A_1019 = tpu.memref_slice %arg7[%dma_wait3A_1012, %dma_wait3A_1013, %dma_wait3A_1016, %dma_wait3A_1017, %dma_wait3A_1018] : memref<3x4x4x8x129xf32, #tpu.memory_space<vmem>> -> memref<1x1x4x8x128xf32, #tpu.memory_space<vmem>>
        %dma_wait3A_1020 = tpu.memref_squeeze %dma_wait3A_1019 : memref<1x1x4x8x128xf32, #tpu.memory_space<vmem>> -> memref<4x8x128xf32, #tpu.memory_space<vmem>>
        %dma_wait3A_1021 = arith.constant 0 : i32
        %dma_wait3A_1022 = arith.constant 0 : i32
        %dma_wait3A_1023 = arith.constant 0 : i32
        %dma_wait3A_1024 = tpu.memref_slice %arg4[%dma_wait3A_1014, %dma_wait3A_1021, %dma_wait3A_1015, %dma_wait3A_1022, %dma_wait3A_1023] : memref<200x4x128x8x128xf32, #tpu.memory_space<hbm>> -> memref<1x4x1x8x128xf32, #tpu.memory_space<hbm>>
        %dma_wait3A_1025 = tpu.memref_squeeze %dma_wait3A_1024 : memref<1x4x1x8x128xf32, #tpu.memory_space<hbm>> -> memref<4x8x128xf32, #tpu.memory_space<hbm>>
        %dma_wait3A_1026 = tpu.memref_slice %arg10[%select_n3A_700] : memref<3x!tpu.dma_semaphore, #tpu.memory_space<semaphore_mem>> -> memref<1x!tpu.dma_semaphore, #tpu.memory_space<semaphore_mem>>
        %dma_wait3A_1027 = tpu.memref_squeeze %dma_wait3A_1026 : memref<1x!tpu.dma_semaphore, #tpu.memory_space<semaphore_mem>> -> memref<!tpu.dma_semaphore, #tpu.memory_space<semaphore_mem>>
        %dma_wait3A_1028 = arith.constant 0 : i32
        %dma_wait3A_1029 = arith.constant 0 : i32
        %dma_wait3A_1030 = arith.constant 0 : i32
        %dma_wait3A_1031 = tpu.memref_slice %arg4[%dma_wait3A_1014, %dma_wait3A_1028, %dma_wait3A_1015, %dma_wait3A_1029, %dma_wait3A_1030] : memref<200x4x128x8x128xf32, #tpu.memory_space<hbm>> -> memref<1x4x1x8x128xf32, #tpu.memory_space<hbm>>
        %dma_wait3A_1032 = tpu.memref_squeeze %dma_wait3A_1031 : memref<1x4x1x8x128xf32, #tpu.memory_space<hbm>> -> memref<4x8x128xf32, #tpu.memory_space<hbm>>
        %dma_wait3A_1033 = arith.constant 0 : i32
        %dma_wait3A_1034 = arith.constant 0 : i32
        %dma_wait3A_1035 = arith.constant 0 : i32
        %dma_wait3A_1036 = tpu.memref_slice %arg7[%dma_wait3A_1012, %dma_wait3A_1013, %dma_wait3A_1033, %dma_wait3A_1034, %dma_wait3A_1035] : memref<3x4x4x8x129xf32, #tpu.memory_space<vmem>> -> memref<1x1x4x8x128xf32, #tpu.memory_space<vmem>>
        %dma_wait3A_1037 = tpu.memref_squeeze %dma_wait3A_1036 : memref<1x1x4x8x128xf32, #tpu.memory_space<vmem>> -> memref<4x8x128xf32, #tpu.memory_space<vmem>>
        tpu.wait_dma2 semaphore(%dma_wait3A_1027 : memref<!tpu.dma_semaphore, #tpu.memory_space<semaphore_mem>>) src(%dma_wait3A_1037 : memref<4x8x128xf32, #tpu.memory_space<vmem>>) dst(%dma_wait3A_1032 : memref<4x8x128xf32, #tpu.memory_space<hbm>>)
        %dma_wait3A_1038 = arith.constant 0 : i32
        %dma_wait3A_1039 = arith.constant 2 : i32
        %dma_wait3A_1040 = arith.constant 0 : i32
        %dma_wait3A_1041 = arith.constant 0 : i32
        %dma_wait3A_1042 = arith.constant 0 : i32
        %dma_wait3A_1043 = arith.constant 0 : i32
        %dma_wait3A_1044 = arith.constant 0 : i32
        %dma_wait3A_1045 = tpu.memref_slice %arg7[%dma_wait3A_1038, %dma_wait3A_1039, %dma_wait3A_1042, %dma_wait3A_1043, %dma_wait3A_1044] : memref<3x4x4x8x129xf32, #tpu.memory_space<vmem>> -> memref<1x1x4x8x128xf32, #tpu.memory_space<vmem>>
        %dma_wait3A_1046 = tpu.memref_squeeze %dma_wait3A_1045 : memref<1x1x4x8x128xf32, #tpu.memory_space<vmem>> -> memref<4x8x128xf32, #tpu.memory_space<vmem>>
        %dma_wait3A_1047 = arith.constant 0 : i32
        %dma_wait3A_1048 = arith.constant 0 : i32
        %dma_wait3A_1049 = arith.constant 0 : i32
        %dma_wait3A_1050 = tpu.memref_slice %arg4[%dma_wait3A_1040, %dma_wait3A_1047, %dma_wait3A_1041, %dma_wait3A_1048, %dma_wait3A_1049] : memref<200x4x128x8x128xf32, #tpu.memory_space<hbm>> -> memref<1x4x1x8x128xf32, #tpu.memory_space<hbm>>
        %dma_wait3A_1051 = tpu.memref_squeeze %dma_wait3A_1050 : memref<1x4x1x8x128xf32, #tpu.memory_space<hbm>> -> memref<4x8x128xf32, #tpu.memory_space<hbm>>
        %dma_wait3A_1052 = tpu.memref_slice %arg10[%select_n3A_700] : memref<3x!tpu.dma_semaphore, #tpu.memory_space<semaphore_mem>> -> memref<1x!tpu.dma_semaphore, #tpu.memory_space<semaphore_mem>>
        %dma_wait3A_1053 = tpu.memref_squeeze %dma_wait3A_1052 : memref<1x!tpu.dma_semaphore, #tpu.memory_space<semaphore_mem>> -> memref<!tpu.dma_semaphore, #tpu.memory_space<semaphore_mem>>
        %dma_wait3A_1054 = arith.constant 0 : i32
        %dma_wait3A_1055 = arith.constant 0 : i32
        %dma_wait3A_1056 = arith.constant 0 : i32
        %dma_wait3A_1057 = tpu.memref_slice %arg4[%dma_wait3A_1040, %dma_wait3A_1054, %dma_wait3A_1041, %dma_wait3A_1055, %dma_wait3A_1056] : memref<200x4x128x8x128xf32, #tpu.memory_space<hbm>> -> memref<1x4x1x8x128xf32, #tpu.memory_space<hbm>>
        %dma_wait3A_1058 = tpu.memref_squeeze %dma_wait3A_1057 : memref<1x4x1x8x128xf32, #tpu.memory_space<hbm>> -> memref<4x8x128xf32, #tpu.memory_space<hbm>>
        %dma_wait3A_1059 = arith.constant 0 : i32
        %dma_wait3A_1060 = arith.constant 0 : i32
        %dma_wait3A_1061 = arith.constant 0 : i32
        %dma_wait3A_1062 = tpu.memref_slice %arg7[%dma_wait3A_1038, %dma_wait3A_1039, %dma_wait3A_1059, %dma_wait3A_1060, %dma_wait3A_1061] : memref<3x4x4x8x129xf32, #tpu.memory_space<vmem>> -> memref<1x1x4x8x128xf32, #tpu.memory_space<vmem>>
        %dma_wait3A_1063 = tpu.memref_squeeze %dma_wait3A_1062 : memref<1x1x4x8x128xf32, #tpu.memory_space<vmem>> -> memref<4x8x128xf32, #tpu.memory_space<vmem>>
        tpu.wait_dma2 semaphore(%dma_wait3A_1053 : memref<!tpu.dma_semaphore, #tpu.memory_space<semaphore_mem>>) src(%dma_wait3A_1063 : memref<4x8x128xf32, #tpu.memory_space<vmem>>) dst(%dma_wait3A_1058 : memref<4x8x128xf32, #tpu.memory_space<hbm>>)
        %dma_wait3A_1064 = arith.constant 0 : i32
        %dma_wait3A_1065 = arith.constant 3 : i32
        %dma_wait3A_1066 = arith.constant 0 : i32
        %dma_wait3A_1067 = arith.constant 0 : i32
        %dma_wait3A_1068 = arith.constant 0 : i32
        %dma_wait3A_1069 = arith.constant 0 : i32
        %dma_wait3A_1070 = arith.constant 0 : i32
        %dma_wait3A_1071 = tpu.memref_slice %arg7[%dma_wait3A_1064, %dma_wait3A_1065, %dma_wait3A_1068, %dma_wait3A_1069, %dma_wait3A_1070] : memref<3x4x4x8x129xf32, #tpu.memory_space<vmem>> -> memref<1x1x4x8x128xf32, #tpu.memory_space<vmem>>
        %dma_wait3A_1072 = tpu.memref_squeeze %dma_wait3A_1071 : memref<1x1x4x8x128xf32, #tpu.memory_space<vmem>> -> memref<4x8x128xf32, #tpu.memory_space<vmem>>
        %dma_wait3A_1073 = arith.constant 0 : i32
        %dma_wait3A_1074 = arith.constant 0 : i32
        %dma_wait3A_1075 = arith.constant 0 : i32
        %dma_wait3A_1076 = tpu.memref_slice %arg4[%dma_wait3A_1066, %dma_wait3A_1073, %dma_wait3A_1067, %dma_wait3A_1074, %dma_wait3A_1075] : memref<200x4x128x8x128xf32, #tpu.memory_space<hbm>> -> memref<1x4x1x8x128xf32, #tpu.memory_space<hbm>>
        %dma_wait3A_1077 = tpu.memref_squeeze %dma_wait3A_1076 : memref<1x4x1x8x128xf32, #tpu.memory_space<hbm>> -> memref<4x8x128xf32, #tpu.memory_space<hbm>>
        %dma_wait3A_1078 = tpu.memref_slice %arg10[%select_n3A_700] : memref<3x!tpu.dma_semaphore, #tpu.memory_space<semaphore_mem>> -> memref<1x!tpu.dma_semaphore, #tpu.memory_space<semaphore_mem>>
        %dma_wait3A_1079 = tpu.memref_squeeze %dma_wait3A_1078 : memref<1x!tpu.dma_semaphore, #tpu.memory_space<semaphore_mem>> -> memref<!tpu.dma_semaphore, #tpu.memory_space<semaphore_mem>>
        %dma_wait3A_1080 = arith.constant 0 : i32
        %dma_wait3A_1081 = arith.constant 0 : i32
        %dma_wait3A_1082 = arith.constant 0 : i32
        %dma_wait3A_1083 = tpu.memref_slice %arg4[%dma_wait3A_1066, %dma_wait3A_1080, %dma_wait3A_1067, %dma_wait3A_1081, %dma_wait3A_1082] : memref<200x4x128x8x128xf32, #tpu.memory_space<hbm>> -> memref<1x4x1x8x128xf32, #tpu.memory_space<hbm>>
        %dma_wait3A_1084 = tpu.memref_squeeze %dma_wait3A_1083 : memref<1x4x1x8x128xf32, #tpu.memory_space<hbm>> -> memref<4x8x128xf32, #tpu.memory_space<hbm>>
        %dma_wait3A_1085 = arith.constant 0 : i32
        %dma_wait3A_1086 = arith.constant 0 : i32
        %dma_wait3A_1087 = arith.constant 0 : i32
        %dma_wait3A_1088 = tpu.memref_slice %arg7[%dma_wait3A_1064, %dma_wait3A_1065, %dma_wait3A_1085, %dma_wait3A_1086, %dma_wait3A_1087] : memref<3x4x4x8x129xf32, #tpu.memory_space<vmem>> -> memref<1x1x4x8x128xf32, #tpu.memory_space<vmem>>
        %dma_wait3A_1089 = tpu.memref_squeeze %dma_wait3A_1088 : memref<1x1x4x8x128xf32, #tpu.memory_space<vmem>> -> memref<4x8x128xf32, #tpu.memory_space<vmem>>
        tpu.wait_dma2 semaphore(%dma_wait3A_1079 : memref<!tpu.dma_semaphore, #tpu.memory_space<semaphore_mem>>) src(%dma_wait3A_1089 : memref<4x8x128xf32, #tpu.memory_space<vmem>>) dst(%dma_wait3A_1084 : memref<4x8x128xf32, #tpu.memory_space<hbm>>)
      } else {
      }
      %parallel_loop3A = arith.constant 0 : i32
      %parallel_loop3A_787 = arith.constant 512 : i32
      %parallel_loop3A_788 = arith.constant 1 : i32
      scf.for %parallel_loop3A_986 = %parallel_loop3A to %parallel_loop3A_787 step %parallel_loop3A_788  : i32 {
        %parallel_loop3A_987 = arith.constant 128 : i32
        %parallel_loop3A_988 = arith.divsi %parallel_loop3A_986, %parallel_loop3A_987 : i32
        %parallel_loop3A_989 = arith.constant 0 : i32
        %parallel_loop3A_990 = arith.cmpi sgt, %parallel_loop3A_986, %parallel_loop3A_989 : i32
        %parallel_loop3A_991 = arith.extui %parallel_loop3A_990 : i1 to i32
        %parallel_loop3A_992 = arith.constant 0 : i32
        %parallel_loop3A_993 = arith.cmpi slt, %parallel_loop3A_986, %parallel_loop3A_992 : i32
        %parallel_loop3A_994 = arith.extui %parallel_loop3A_993 : i1 to i32
        %parallel_loop3A_995 = arith.subi %parallel_loop3A_991, %parallel_loop3A_994 : i32
        %parallel_loop3A_996 = arith.constant 0 : i32
        %parallel_loop3A_997 = arith.cmpi sgt, %parallel_loop3A_987, %parallel_loop3A_996 : i32
        %parallel_loop3A_998 = arith.extui %parallel_loop3A_997 : i1 to i32
        %parallel_loop3A_999 = arith.constant 0 : i32
        %parallel_loop3A_1000 = arith.cmpi slt, %parallel_loop3A_987, %parallel_loop3A_999 : i32
        %parallel_loop3A_1001 = arith.extui %parallel_loop3A_1000 : i1 to i32
        %parallel_loop3A_1002 = arith.subi %parallel_loop3A_998, %parallel_loop3A_1001 : i32
        %parallel_loop3A_1003 = arith.cmpi ne, %parallel_loop3A_995, %parallel_loop3A_1002 : i32
        %parallel_loop3A_1004 = arith.remsi %parallel_loop3A_986, %parallel_loop3A_987 : i32
        %parallel_loop3A_1005 = arith.constant 0 : i32
        %parallel_loop3A_1006 = arith.cmpi ne, %parallel_loop3A_1004, %parallel_loop3A_1005 : i32
        %parallel_loop3A_1007 = arith.andi %parallel_loop3A_1003, %parallel_loop3A_1006 : i1
        %parallel_loop3A_1008 = arith.constant 1 : i32
        %parallel_loop3A_1009 = arith.subi %parallel_loop3A_988, %parallel_loop3A_1008 : i32
        %parallel_loop3A_1010 = arith.select %parallel_loop3A_1007, %parallel_loop3A_1009, %parallel_loop3A_988 : i32
        %parallel_loop3A_1011 = arith.constant 128 : i32
        %parallel_loop3A_1012 = arith.constant 0 : i32
        %parallel_loop3A_1013 = arith.cmpi eq, %parallel_loop3A_1011, %parallel_loop3A_1012 : i32
        %parallel_loop3A_1014 = arith.constant 1 : i32
        %parallel_loop3A_1015 = arith.select %parallel_loop3A_1013, %parallel_loop3A_1014, %parallel_loop3A_1011 : i32
        %parallel_loop3A_1016 = arith.remsi %parallel_loop3A_986, %parallel_loop3A_1015 : i32
        %parallel_loop3A_1017 = arith.constant 0 : i32
        %parallel_loop3A_1018 = arith.cmpi ne, %parallel_loop3A_1016, %parallel_loop3A_1017 : i32
        %parallel_loop3A_1019 = arith.constant 0 : i32
        %parallel_loop3A_1020 = arith.cmpi slt, %parallel_loop3A_1016, %parallel_loop3A_1019 : i32
        %parallel_loop3A_1021 = arith.constant 0 : i32
        %parallel_loop3A_1022 = arith.cmpi slt, %parallel_loop3A_1015, %parallel_loop3A_1021 : i32
        %parallel_loop3A_1023 = arith.xori %parallel_loop3A_1020, %parallel_loop3A_1022 : i1
        %parallel_loop3A_1024 = arith.andi %parallel_loop3A_1023, %parallel_loop3A_1018 : i1
        %parallel_loop3A_1025 = arith.addi %parallel_loop3A_1016, %parallel_loop3A_1015 : i32
        %parallel_loop3A_1026 = arith.select %parallel_loop3A_1024, %parallel_loop3A_1025, %parallel_loop3A_1016 : i32
        %parallel_loop3A_1027 = vector.broadcast %parallel_loop3A_1026 : i32 to vector<16xi32>
        %parallel_loop3A_1028 = arith.index_cast %select_n3A_700 : i32 to index
        %parallel_loop3A_1029 = arith.index_cast %parallel_loop3A_1010 : i32 to index
        %parallel_loop3A_1030 = arith.index_cast %parallel_loop3A_1026 : i32 to index
        %parallel_loop3A_1031 = arith.constant 0 : index
        %parallel_loop3A_1032 = tpu.vector_load %arg6[%parallel_loop3A_1028, %parallel_loop3A_1029, %parallel_loop3A_1030, %parallel_loop3A_1031] {strides = array<i32>} : memref<3x4x128x32xf32, #tpu.memory_space<vmem>>, vector<16xf32>,
        %parallel_loop3A_1033 = tpu.iota {dimensions = array<i32: 0>} : vector<16xi32>
        %parallel_loop3A_1034 = arith.constant 8 : i32
        %parallel_loop3A_1035 = vector.broadcast %parallel_loop3A_1034 : i32 to vector<16xi32>
        %parallel_loop3A_1036 = arith.divsi %parallel_loop3A_1033, %parallel_loop3A_1035 : vector<16xi32>
        %parallel_loop3A_1037 = arith.constant 0 : i32
        %parallel_loop3A_1038 = vector.broadcast %parallel_loop3A_1037 : i32 to vector<16xi32>
        %parallel_loop3A_1039 = arith.cmpi sgt, %parallel_loop3A_1033, %parallel_loop3A_1038 : vector<16xi32>
        %parallel_loop3A_1040 = arith.extui %parallel_loop3A_1039 : vector<16xi1> to vector<16xi32>
        %parallel_loop3A_1041 = arith.constant 0 : i32
        %parallel_loop3A_1042 = vector.broadcast %parallel_loop3A_1041 : i32 to vector<16xi32>
        %parallel_loop3A_1043 = arith.cmpi slt, %parallel_loop3A_1033, %parallel_loop3A_1042 : vector<16xi32>
        %parallel_loop3A_1044 = arith.extui %parallel_loop3A_1043 : vector<16xi1> to vector<16xi32>
        %parallel_loop3A_1045 = arith.subi %parallel_loop3A_1040, %parallel_loop3A_1044 : vector<16xi32>
        %parallel_loop3A_1046 = arith.constant 0 : i32
        %parallel_loop3A_1047 = arith.cmpi sgt, %parallel_loop3A_1034, %parallel_loop3A_1046 : i32
        %parallel_loop3A_1048 = arith.extui %parallel_loop3A_1047 : i1 to i32
        %parallel_loop3A_1049 = arith.constant 0 : i32
        %parallel_loop3A_1050 = arith.cmpi slt, %parallel_loop3A_1034, %parallel_loop3A_1049 : i32
        %parallel_loop3A_1051 = arith.extui %parallel_loop3A_1050 : i1 to i32
        %parallel_loop3A_1052 = arith.subi %parallel_loop3A_1048, %parallel_loop3A_1051 : i32
        %parallel_loop3A_1053 = vector.broadcast %parallel_loop3A_1052 : i32 to vector<16xi32>
        %parallel_loop3A_1054 = arith.cmpi ne, %parallel_loop3A_1045, %parallel_loop3A_1053 : vector<16xi32>
        %parallel_loop3A_1055 = vector.broadcast %parallel_loop3A_1034 : i32 to vector<16xi32>
        %parallel_loop3A_1056 = arith.remsi %parallel_loop3A_1033, %parallel_loop3A_1055 : vector<16xi32>
        %parallel_loop3A_1057 = arith.constant 0 : i32
        %parallel_loop3A_1058 = vector.broadcast %parallel_loop3A_1057 : i32 to vector<16xi32>
        %parallel_loop3A_1059 = arith.cmpi ne, %parallel_loop3A_1056, %parallel_loop3A_1058 : vector<16xi32>
        %parallel_loop3A_1060 = arith.andi %parallel_loop3A_1054, %parallel_loop3A_1059 : vector<16xi1>
        %parallel_loop3A_1061 = arith.constant 1 : i32
        %parallel_loop3A_1062 = vector.broadcast %parallel_loop3A_1061 : i32 to vector<16xi32>
        %parallel_loop3A_1063 = arith.subi %parallel_loop3A_1036, %parallel_loop3A_1062 : vector<16xi32>
        %parallel_loop3A_1064 = arith.select %parallel_loop3A_1060, %parallel_loop3A_1063, %parallel_loop3A_1036 : vector<16xi1>, vector<16xi32>
        %parallel_loop3A_1065 = arith.constant 0 : i32
        %parallel_loop3A_1066 = vector.broadcast %parallel_loop3A_1065 : i32 to vector<16xi32>
        %parallel_loop3A_1067 = arith.addi %parallel_loop3A_1064, %parallel_loop3A_1066 : vector<16xi32>
        %parallel_loop3A_1068 = arith.constant 8 : i32
        %parallel_loop3A_1069 = arith.constant 0 : i32
        %parallel_loop3A_1070 = arith.cmpi eq, %parallel_loop3A_1068, %parallel_loop3A_1069 : i32
        %parallel_loop3A_1071 = arith.constant 1 : i32
        %parallel_loop3A_1072 = arith.select %parallel_loop3A_1070, %parallel_loop3A_1071, %parallel_loop3A_1068 : i32
        %parallel_loop3A_1073 = vector.broadcast %parallel_loop3A_1072 : i32 to vector<16xi32>
        %parallel_loop3A_1074 = arith.remsi %parallel_loop3A_1033, %parallel_loop3A_1073 : vector<16xi32>
        %parallel_loop3A_1075 = arith.constant 0 : i32
        %parallel_loop3A_1076 = vector.broadcast %parallel_loop3A_1075 : i32 to vector<16xi32>
        %parallel_loop3A_1077 = arith.cmpi ne, %parallel_loop3A_1074, %parallel_loop3A_1076 : vector<16xi32>
        %parallel_loop3A_1078 = arith.constant 0 : i32
        %parallel_loop3A_1079 = vector.broadcast %parallel_loop3A_1078 : i32 to vector<16xi32>
        %parallel_loop3A_1080 = arith.cmpi slt, %parallel_loop3A_1074, %parallel_loop3A_1079 : vector<16xi32>
        %parallel_loop3A_1081 = arith.constant 0 : i32
        %parallel_loop3A_1082 = arith.cmpi slt, %parallel_loop3A_1072, %parallel_loop3A_1081 : i32
        %parallel_loop3A_1083 = vector.broadcast %parallel_loop3A_1082 : i1 to vector<16xi1>
        %parallel_loop3A_1084 = vector.broadcast %parallel_loop3A_1083 : vector<16xi1> to vector<16xi1>
        %parallel_loop3A_1085 = arith.xori %parallel_loop3A_1080, %parallel_loop3A_1084 : vector<16xi1>
        %parallel_loop3A_1086 = arith.andi %parallel_loop3A_1085, %parallel_loop3A_1077 : vector<16xi1>
        %parallel_loop3A_1087 = vector.broadcast %parallel_loop3A_1072 : i32 to vector<16xi32>
        %parallel_loop3A_1088 = arith.addi %parallel_loop3A_1074, %parallel_loop3A_1087 : vector<16xi32>
        %parallel_loop3A_1089 = arith.select %parallel_loop3A_1086, %parallel_loop3A_1088, %parallel_loop3A_1074 : vector<16xi1>, vector<16xi32>
        %parallel_loop3A_1090 = arith.constant 0 : i32
        %parallel_loop3A_1091 = arith.constant 0 : i32
        %parallel_loop3A_1092 = arith.constant 0 : i32
        %parallel_loop3A_1093 = tpu.memref_slice %arg7[%select_n3A_700, %parallel_loop3A_1010, %parallel_loop3A_1090, %parallel_loop3A_1091, %parallel_loop3A_1092] : memref<3x4x4x8x129xf32, #tpu.memory_space<vmem>> -> memref<1x1x4x8x129xf32, #tpu.memory_space<vmem>>
        %parallel_loop3A_1094 = tpu.memref_squeeze %parallel_loop3A_1093 : memref<1x1x4x8x129xf32, #tpu.memory_space<vmem>> -> memref<4x8x129xf32, #tpu.memory_space<vmem>>
        tpu.vector_store_idx %parallel_loop3A_1094[%parallel_loop3A_1067, %parallel_loop3A_1089, %parallel_loop3A_1027], %parallel_loop3A_1032 : memref<4x8x129xf32, #tpu.memory_space<vmem>>[vector<16xi32>, vector<16xi32>, vector<16xi32>], vector<16xf32>,
        %parallel_loop3A_1095 = arith.index_cast %select_n3A_700 : i32 to index
        %parallel_loop3A_1096 = arith.index_cast %parallel_loop3A_1010 : i32 to index
        %parallel_loop3A_1097 = arith.index_cast %parallel_loop3A_1026 : i32 to index
        %parallel_loop3A_1098 = arith.constant 16 : index
        %parallel_loop3A_1099 = tpu.vector_load %arg6[%parallel_loop3A_1095, %parallel_loop3A_1096, %parallel_loop3A_1097, %parallel_loop3A_1098] {strides = array<i32>} : memref<3x4x128x32xf32, #tpu.memory_space<vmem>>, vector<16xf32>,
        %parallel_loop3A_1100 = tpu.iota {dimensions = array<i32: 0>} : vector<16xi32>
        %parallel_loop3A_1101 = arith.constant 8 : i32
        %parallel_loop3A_1102 = vector.broadcast %parallel_loop3A_1101 : i32 to vector<16xi32>
        %parallel_loop3A_1103 = arith.divsi %parallel_loop3A_1100, %parallel_loop3A_1102 : vector<16xi32>
        %parallel_loop3A_1104 = arith.constant 0 : i32
        %parallel_loop3A_1105 = vector.broadcast %parallel_loop3A_1104 : i32 to vector<16xi32>
        %parallel_loop3A_1106 = arith.cmpi sgt, %parallel_loop3A_1100, %parallel_loop3A_1105 : vector<16xi32>
        %parallel_loop3A_1107 = arith.extui %parallel_loop3A_1106 : vector<16xi1> to vector<16xi32>
        %parallel_loop3A_1108 = arith.constant 0 : i32
        %parallel_loop3A_1109 = vector.broadcast %parallel_loop3A_1108 : i32 to vector<16xi32>
        %parallel_loop3A_1110 = arith.cmpi slt, %parallel_loop3A_1100, %parallel_loop3A_1109 : vector<16xi32>
        %parallel_loop3A_1111 = arith.extui %parallel_loop3A_1110 : vector<16xi1> to vector<16xi32>
        %parallel_loop3A_1112 = arith.subi %parallel_loop3A_1107, %parallel_loop3A_1111 : vector<16xi32>
        %parallel_loop3A_1113 = arith.constant 0 : i32
        %parallel_loop3A_1114 = arith.cmpi sgt, %parallel_loop3A_1101, %parallel_loop3A_1113 : i32
        %parallel_loop3A_1115 = arith.extui %parallel_loop3A_1114 : i1 to i32
        %parallel_loop3A_1116 = arith.constant 0 : i32
        %parallel_loop3A_1117 = arith.cmpi slt, %parallel_loop3A_1101, %parallel_loop3A_1116 : i32
        %parallel_loop3A_1118 = arith.extui %parallel_loop3A_1117 : i1 to i32
        %parallel_loop3A_1119 = arith.subi %parallel_loop3A_1115, %parallel_loop3A_1118 : i32
        %parallel_loop3A_1120 = vector.broadcast %parallel_loop3A_1119 : i32 to vector<16xi32>
        %parallel_loop3A_1121 = arith.cmpi ne, %parallel_loop3A_1112, %parallel_loop3A_1120 : vector<16xi32>
        %parallel_loop3A_1122 = vector.broadcast %parallel_loop3A_1101 : i32 to vector<16xi32>
        %parallel_loop3A_1123 = arith.remsi %parallel_loop3A_1100, %parallel_loop3A_1122 : vector<16xi32>
        %parallel_loop3A_1124 = arith.constant 0 : i32
        %parallel_loop3A_1125 = vector.broadcast %parallel_loop3A_1124 : i32 to vector<16xi32>
        %parallel_loop3A_1126 = arith.cmpi ne, %parallel_loop3A_1123, %parallel_loop3A_1125 : vector<16xi32>
        %parallel_loop3A_1127 = arith.andi %parallel_loop3A_1121, %parallel_loop3A_1126 : vector<16xi1>
        %parallel_loop3A_1128 = arith.constant 1 : i32
        %parallel_loop3A_1129 = vector.broadcast %parallel_loop3A_1128 : i32 to vector<16xi32>
        %parallel_loop3A_1130 = arith.subi %parallel_loop3A_1103, %parallel_loop3A_1129 : vector<16xi32>
        %parallel_loop3A_1131 = arith.select %parallel_loop3A_1127, %parallel_loop3A_1130, %parallel_loop3A_1103 : vector<16xi1>, vector<16xi32>
        %parallel_loop3A_1132 = arith.constant 2 : i32
        %parallel_loop3A_1133 = vector.broadcast %parallel_loop3A_1132 : i32 to vector<16xi32>
        %parallel_loop3A_1134 = arith.addi %parallel_loop3A_1131, %parallel_loop3A_1133 : vector<16xi32>
        %parallel_loop3A_1135 = arith.constant 8 : i32
        %parallel_loop3A_1136 = arith.constant 0 : i32
        %parallel_loop3A_1137 = arith.cmpi eq, %parallel_loop3A_1135, %parallel_loop3A_1136 : i32
        %parallel_loop3A_1138 = arith.constant 1 : i32
        %parallel_loop3A_1139 = arith.select %parallel_loop3A_1137, %parallel_loop3A_1138, %parallel_loop3A_1135 : i32
        %parallel_loop3A_1140 = vector.broadcast %parallel_loop3A_1139 : i32 to vector<16xi32>
        %parallel_loop3A_1141 = arith.remsi %parallel_loop3A_1100, %parallel_loop3A_1140 : vector<16xi32>
        %parallel_loop3A_1142 = arith.constant 0 : i32
        %parallel_loop3A_1143 = vector.broadcast %parallel_loop3A_1142 : i32 to vector<16xi32>
        %parallel_loop3A_1144 = arith.cmpi ne, %parallel_loop3A_1141, %parallel_loop3A_1143 : vector<16xi32>
        %parallel_loop3A_1145 = arith.constant 0 : i32
        %parallel_loop3A_1146 = vector.broadcast %parallel_loop3A_1145 : i32 to vector<16xi32>
        %parallel_loop3A_1147 = arith.cmpi slt, %parallel_loop3A_1141, %parallel_loop3A_1146 : vector<16xi32>
        %parallel_loop3A_1148 = arith.constant 0 : i32
        %parallel_loop3A_1149 = arith.cmpi slt, %parallel_loop3A_1139, %parallel_loop3A_1148 : i32
        %parallel_loop3A_1150 = vector.broadcast %parallel_loop3A_1149 : i1 to vector<16xi1>
        %parallel_loop3A_1151 = vector.broadcast %parallel_loop3A_1150 : vector<16xi1> to vector<16xi1>
        %parallel_loop3A_1152 = arith.xori %parallel_loop3A_1147, %parallel_loop3A_1151 : vector<16xi1>
        %parallel_loop3A_1153 = arith.andi %parallel_loop3A_1152, %parallel_loop3A_1144 : vector<16xi1>
        %parallel_loop3A_1154 = vector.broadcast %parallel_loop3A_1139 : i32 to vector<16xi32>
        %parallel_loop3A_1155 = arith.addi %parallel_loop3A_1141, %parallel_loop3A_1154 : vector<16xi32>
        %parallel_loop3A_1156 = arith.select %parallel_loop3A_1153, %parallel_loop3A_1155, %parallel_loop3A_1141 : vector<16xi1>, vector<16xi32>
        %parallel_loop3A_1157 = arith.constant 0 : i32
        %parallel_loop3A_1158 = arith.constant 0 : i32
        %parallel_loop3A_1159 = arith.constant 0 : i32
        %parallel_loop3A_1160 = tpu.memref_slice %arg7[%select_n3A_700, %parallel_loop3A_1010, %parallel_loop3A_1157, %parallel_loop3A_1158, %parallel_loop3A_1159] : memref<3x4x4x8x129xf32, #tpu.memory_space<vmem>> -> memref<1x1x4x8x129xf32, #tpu.memory_space<vmem>>
        %parallel_loop3A_1161 = tpu.memref_squeeze %parallel_loop3A_1160 : memref<1x1x4x8x129xf32, #tpu.memory_space<vmem>> -> memref<4x8x129xf32, #tpu.memory_space<vmem>>
        tpu.vector_store_idx %parallel_loop3A_1161[%parallel_loop3A_1134, %parallel_loop3A_1156, %parallel_loop3A_1027], %parallel_loop3A_1099 : memref<4x8x129xf32, #tpu.memory_space<vmem>>[vector<16xi32>, vector<16xi32>, vector<16xi32>], vector<16xf32>,
      } {sc.loop_unroll_factor = 8 : i64, sc.parallel_access}
      %jit3A_789 = arith.constant 2 : i32
      %div3A_790 = arith.divsi %scan3A_684, %jit3A_789 : i32
      %sign3A_791 = arith.constant 0 : i32
      %sign3A_792 = arith.cmpi sgt, %scan3A_684, %sign3A_791 : i32
      %sign3A_793 = arith.extui %sign3A_792 : i1 to i32
      %sign3A_794 = arith.constant 0 : i32
      %sign3A_795 = arith.cmpi slt, %scan3A_684, %sign3A_794 : i32
      %sign3A_796 = arith.extui %sign3A_795 : i1 to i32
      %sign3A_797 = arith.subi %sign3A_793, %sign3A_796 : i32
      %sign3A_798 = arith.constant 0 : i32
      %sign3A_799 = arith.cmpi sgt, %jit3A_789, %sign3A_798 : i32
      %sign3A_800 = arith.extui %sign3A_799 : i1 to i32
      %sign3A_801 = arith.constant 0 : i32
      %sign3A_802 = arith.cmpi slt, %jit3A_789, %sign3A_801 : i32
      %sign3A_803 = arith.extui %sign3A_802 : i1 to i32
      %sign3A_804 = arith.subi %sign3A_800, %sign3A_803 : i32
      %ne3A_805 = arith.cmpi ne, %sign3A_797, %sign3A_804 : i32
      %rem3A_806 = arith.remsi %scan3A_684, %jit3A_789 : i32
      %ne3A_807 = arith.constant 0 : i32
      %ne3A_808 = arith.cmpi ne, %rem3A_806, %ne3A_807 : i32
      %and3A_809 = arith.andi %ne3A_805, %ne3A_808 : i1
      %sub3A_810 = arith.constant 1 : i32
      %sub3A_811 = arith.subi %div3A_790, %sub3A_810 : i32
      %select_n3A_812 = arith.select %and3A_809, %sub3A_811, %div3A_790 : i32
      %mul3A_813 = arith.constant 32 : i32
      %mul3A_814 = arith.muli %mul3A_813, %select_n3A_812 : i32
      %add3A_815 = arith.addi %add3A, %mul3A_814 : i32
      %jit3A_816 = arith.constant 128 : i32
      %div3A_817 = arith.divsi %add3A_815, %jit3A_816 : i32
      %sign3A_818 = arith.constant 0 : i32
      %sign3A_819 = arith.cmpi sgt, %add3A_815, %sign3A_818 : i32
      %sign3A_820 = arith.extui %sign3A_819 : i1 to i32
      %sign3A_821 = arith.constant 0 : i32
      %sign3A_822 = arith.cmpi slt, %add3A_815, %sign3A_821 : i32
      %sign3A_823 = arith.extui %sign3A_822 : i1 to i32
      %sign3A_824 = arith.subi %sign3A_820, %sign3A_823 : i32
      %sign3A_825 = arith.constant 0 : i32
      %sign3A_826 = arith.cmpi sgt, %jit3A_816, %sign3A_825 : i32
      %sign3A_827 = arith.extui %sign3A_826 : i1 to i32
      %sign3A_828 = arith.constant 0 : i32
      %sign3A_829 = arith.cmpi slt, %jit3A_816, %sign3A_828 : i32
      %sign3A_830 = arith.extui %sign3A_829 : i1 to i32
      %sign3A_831 = arith.subi %sign3A_827, %sign3A_830 : i32
      %ne3A_832 = arith.cmpi ne, %sign3A_824, %sign3A_831 : i32
      %rem3A_833 = arith.remsi %add3A_815, %jit3A_816 : i32
      %ne3A_834 = arith.constant 0 : i32
      %ne3A_835 = arith.cmpi ne, %rem3A_833, %ne3A_834 : i32
      %and3A_836 = arith.andi %ne3A_832, %ne3A_835 : i1
      %sub3A_837 = arith.constant 1 : i32
      %sub3A_838 = arith.subi %div3A_817, %sub3A_837 : i32
      %select_n3A_839 = arith.select %and3A_836, %sub3A_838, %div3A_817 : i32
      %jit3A_840 = arith.constant 128 : i32
      %eq3A_841 = arith.constant 0 : i32
      %eq3A_842 = arith.cmpi eq, %jit3A_840, %eq3A_841 : i32
      %jit3A_843 = arith.constant 1 : i32
      %select_n3A_844 = arith.select %eq3A_842, %jit3A_843, %jit3A_840 : i32
      %rem3A_845 = arith.remsi %add3A_815, %select_n3A_844 : i32
      %ne3A_846 = arith.constant 0 : i32
      %ne3A_847 = arith.cmpi ne, %rem3A_845, %ne3A_846 : i32
      %lt3A_848 = arith.constant 0 : i32
      %lt3A_849 = arith.cmpi slt, %rem3A_845, %lt3A_848 : i32
      %lt3A_850 = arith.constant 0 : i32
      %lt3A_851 = arith.cmpi slt, %select_n3A_844, %lt3A_850 : i32
      %ne3A_852 = arith.xori %lt3A_849, %lt3A_851 : i1
      %and3A_853 = arith.andi %ne3A_852, %ne3A_847 : i1
      %add3A_854 = arith.addi %rem3A_845, %select_n3A_844 : i32
      %select_n3A_855 = arith.select %and3A_853, %add3A_854, %rem3A_845 : i32
      %jit3A_856 = arith.constant 2 : i32
      %eq3A_857 = arith.constant 0 : i32
      %eq3A_858 = arith.cmpi eq, %jit3A_856, %eq3A_857 : i32
      %jit3A_859 = arith.constant 1 : i32
      %select_n3A_860 = arith.select %eq3A_858, %jit3A_859, %jit3A_856 : i32
      %rem3A_861 = arith.remsi %scan3A_684, %select_n3A_860 : i32
      %ne3A_862 = arith.constant 0 : i32
      %ne3A_863 = arith.cmpi ne, %rem3A_861, %ne3A_862 : i32
      %lt3A_864 = arith.constant 0 : i32
      %lt3A_865 = arith.cmpi slt, %rem3A_861, %lt3A_864 : i32
      %lt3A_866 = arith.constant 0 : i32
      %lt3A_867 = arith.cmpi slt, %select_n3A_860, %lt3A_866 : i32
      %ne3A_868 = arith.xori %lt3A_865, %lt3A_867 : i1
      %and3A_869 = arith.andi %ne3A_868, %ne3A_863 : i1
      %add3A_870 = arith.addi %rem3A_861, %select_n3A_860 : i32
      %select_n3A_871 = arith.select %and3A_869, %add3A_870, %rem3A_861 : i32
      %mul3A_872 = arith.constant 4 : i32
      %mul3A_873 = arith.muli %select_n3A_871, %mul3A_872 : i32
      %mul3A_874 = arith.constant 8 : i32
      %mul3A_875 = arith.muli %select_n3A_839, %mul3A_874 : i32
      %add3A_876 = arith.addi %mul3A_875, %mul3A_873 : i32
      %add3A_877 = arith.constant 0 : i32
      %add3A_878 = arith.addi %add3A_876, %add3A_877 : i32
      %dma_start3A_879 = arith.constant 0 : i32
      %dma_start3A_880 = arith.constant 0 : i32
      %dma_start3A_881 = arith.constant 0 : i32
      %dma_start3A_882 = arith.constant 0 : i32
      %dma_start3A_883 = tpu.memref_slice %arg7[%select_n3A_700, %dma_start3A_879, %dma_start3A_880, %dma_start3A_881, %dma_start3A_882] : memref<3x4x4x8x129xf32, #tpu.memory_space<vmem>> -> memref<1x1x4x8x128xf32, #tpu.memory_space<vmem>>
      %dma_start3A_884 = tpu.memref_squeeze %dma_start3A_883 : memref<1x1x4x8x128xf32, #tpu.memory_space<vmem>> -> memref<4x8x128xf32, #tpu.memory_space<vmem>>
      %dma_start3A_885 = arith.constant 0 : i32
      %dma_start3A_886 = arith.constant 0 : i32
      %dma_start3A_887 = arith.constant 0 : i32
      %dma_start3A_888 = tpu.memref_slice %arg4[%add3A_878, %dma_start3A_885, %select_n3A_855, %dma_start3A_886, %dma_start3A_887] : memref<200x4x128x8x128xf32, #tpu.memory_space<hbm>> -> memref<1x4x1x8x128xf32, #tpu.memory_space<hbm>>
      %dma_start3A_889 = tpu.memref_squeeze %dma_start3A_888 : memref<1x4x1x8x128xf32, #tpu.memory_space<hbm>> -> memref<4x8x128xf32, #tpu.memory_space<hbm>>
      %dma_start3A_890 = tpu.memref_slice %arg10[%select_n3A_700] : memref<3x!tpu.dma_semaphore, #tpu.memory_space<semaphore_mem>> -> memref<1x!tpu.dma_semaphore, #tpu.memory_space<semaphore_mem>>
      %dma_start3A_891 = tpu.memref_squeeze %dma_start3A_890 : memref<1x!tpu.dma_semaphore, #tpu.memory_space<semaphore_mem>> -> memref<!tpu.dma_semaphore, #tpu.memory_space<semaphore_mem>>
      %dma_start3A_892 = arith.constant 0 : i32
      %dma_start3A_893 = arith.constant 0 : i32
      %dma_start3A_894 = arith.constant 0 : i32
      %dma_start3A_895 = tpu.memref_slice %arg4[%add3A_878, %dma_start3A_892, %select_n3A_855, %dma_start3A_893, %dma_start3A_894] : memref<200x4x128x8x128xf32, #tpu.memory_space<hbm>> -> memref<1x4x1x8x128xf32, #tpu.memory_space<hbm>>
      %dma_start3A_896 = tpu.memref_squeeze %dma_start3A_895 : memref<1x4x1x8x128xf32, #tpu.memory_space<hbm>> -> memref<4x8x128xf32, #tpu.memory_space<hbm>>
      %dma_start3A_897 = arith.constant 0 : i32
      %dma_start3A_898 = arith.constant 0 : i32
      %dma_start3A_899 = arith.constant 0 : i32
      %dma_start3A_900 = tpu.memref_slice %arg7[%select_n3A_700, %dma_start3A_879, %dma_start3A_897, %dma_start3A_898, %dma_start3A_899] : memref<3x4x4x8x129xf32, #tpu.memory_space<vmem>> -> memref<1x1x4x8x128xf32, #tpu.memory_space<vmem>>
      %dma_start3A_901 = tpu.memref_squeeze %dma_start3A_900 : memref<1x1x4x8x128xf32, #tpu.memory_space<vmem>> -> memref<4x8x128xf32, #tpu.memory_space<vmem>>
      tpu.enqueue_dma source(%dma_start3A_901 : memref<4x8x128xf32, #tpu.memory_space<vmem>>) target(%dma_start3A_896 : memref<4x8x128xf32, #tpu.memory_space<hbm>>) target_semaphore(%dma_start3A_891 : memref<!tpu.dma_semaphore, #tpu.memory_space<semaphore_mem>>)
      %mul3A_902 = arith.constant 8 : i32
      %mul3A_903 = arith.muli %select_n3A_839, %mul3A_902 : i32
      %add3A_904 = arith.addi %mul3A_903, %mul3A_873 : i32
      %add3A_905 = arith.constant 1 : i32
      %add3A_906 = arith.addi %add3A_904, %add3A_905 : i32
      %dma_start3A_907 = arith.constant 1 : i32
      %dma_start3A_908 = arith.constant 0 : i32
      %dma_start3A_909 = arith.constant 0 : i32
      %dma_start3A_910 = arith.constant 0 : i32
      %dma_start3A_911 = tpu.memref_slice %arg7[%select_n3A_700, %dma_start3A_907, %dma_start3A_908, %dma_start3A_909, %dma_start3A_910] : memref<3x4x4x8x129xf32, #tpu.memory_space<vmem>> -> memref<1x1x4x8x128xf32, #tpu.memory_space<vmem>>
      %dma_start3A_912 = tpu.memref_squeeze %dma_start3A_911 : memref<1x1x4x8x128xf32, #tpu.memory_space<vmem>> -> memref<4x8x128xf32, #tpu.memory_space<vmem>>
      %dma_start3A_913 = arith.constant 0 : i32
      %dma_start3A_914 = arith.constant 0 : i32
      %dma_start3A_915 = arith.constant 0 : i32
      %dma_start3A_916 = tpu.memref_slice %arg4[%add3A_906, %dma_start3A_913, %select_n3A_855, %dma_start3A_914, %dma_start3A_915] : memref<200x4x128x8x128xf32, #tpu.memory_space<hbm>> -> memref<1x4x1x8x128xf32, #tpu.memory_space<hbm>>
      %dma_start3A_917 = tpu.memref_squeeze %dma_start3A_916 : memref<1x4x1x8x128xf32, #tpu.memory_space<hbm>> -> memref<4x8x128xf32, #tpu.memory_space<hbm>>
      %dma_start3A_918 = tpu.memref_slice %arg10[%select_n3A_700] : memref<3x!tpu.dma_semaphore, #tpu.memory_space<semaphore_mem>> -> memref<1x!tpu.dma_semaphore, #tpu.memory_space<semaphore_mem>>
      %dma_start3A_919 = tpu.memref_squeeze %dma_start3A_918 : memref<1x!tpu.dma_semaphore, #tpu.memory_space<semaphore_mem>> -> memref<!tpu.dma_semaphore, #tpu.memory_space<semaphore_mem>>
      %dma_start3A_920 = arith.constant 0 : i32
      %dma_start3A_921 = arith.constant 0 : i32
      %dma_start3A_922 = arith.constant 0 : i32
      %dma_start3A_923 = tpu.memref_slice %arg4[%add3A_906, %dma_start3A_920, %select_n3A_855, %dma_start3A_921, %dma_start3A_922] : memref<200x4x128x8x128xf32, #tpu.memory_space<hbm>> -> memref<1x4x1x8x128xf32, #tpu.memory_space<hbm>>
      %dma_start3A_924 = tpu.memref_squeeze %dma_start3A_923 : memref<1x4x1x8x128xf32, #tpu.memory_space<hbm>> -> memref<4x8x128xf32, #tpu.memory_space<hbm>>
      %dma_start3A_925 = arith.constant 0 : i32
      %dma_start3A_926 = arith.constant 0 : i32
      %dma_start3A_927 = arith.constant 0 : i32
      %dma_start3A_928 = tpu.memref_slice %arg7[%select_n3A_700, %dma_start3A_907, %dma_start3A_925, %dma_start3A_926, %dma_start3A_927] : memref<3x4x4x8x129xf32, #tpu.memory_space<vmem>> -> memref<1x1x4x8x128xf32, #tpu.memory_space<vmem>>
      %dma_start3A_929 = tpu.memref_squeeze %dma_start3A_928 : memref<1x1x4x8x128xf32, #tpu.memory_space<vmem>> -> memref<4x8x128xf32, #tpu.memory_space<vmem>>
      tpu.enqueue_dma source(%dma_start3A_929 : memref<4x8x128xf32, #tpu.memory_space<vmem>>) target(%dma_start3A_924 : memref<4x8x128xf32, #tpu.memory_space<hbm>>) target_semaphore(%dma_start3A_919 : memref<!tpu.dma_semaphore, #tpu.memory_space<semaphore_mem>>)
      %mul3A_930 = arith.constant 8 : i32
      %mul3A_931 = arith.muli %select_n3A_839, %mul3A_930 : i32
      %add3A_932 = arith.addi %mul3A_931, %mul3A_873 : i32
      %add3A_933 = arith.constant 2 : i32
      %add3A_934 = arith.addi %add3A_932, %add3A_933 : i32
      %dma_start3A_935 = arith.constant 2 : i32
      %dma_start3A_936 = arith.constant 0 : i32
      %dma_start3A_937 = arith.constant 0 : i32
      %dma_start3A_938 = arith.constant 0 : i32
      %dma_start3A_939 = tpu.memref_slice %arg7[%select_n3A_700, %dma_start3A_935, %dma_start3A_936, %dma_start3A_937, %dma_start3A_938] : memref<3x4x4x8x129xf32, #tpu.memory_space<vmem>> -> memref<1x1x4x8x128xf32, #tpu.memory_space<vmem>>
      %dma_start3A_940 = tpu.memref_squeeze %dma_start3A_939 : memref<1x1x4x8x128xf32, #tpu.memory_space<vmem>> -> memref<4x8x128xf32, #tpu.memory_space<vmem>>
      %dma_start3A_941 = arith.constant 0 : i32
      %dma_start3A_942 = arith.constant 0 : i32
      %dma_start3A_943 = arith.constant 0 : i32
      %dma_start3A_944 = tpu.memref_slice %arg4[%add3A_934, %dma_start3A_941, %select_n3A_855, %dma_start3A_942, %dma_start3A_943] : memref<200x4x128x8x128xf32, #tpu.memory_space<hbm>> -> memref<1x4x1x8x128xf32, #tpu.memory_space<hbm>>
      %dma_start3A_945 = tpu.memref_squeeze %dma_start3A_944 : memref<1x4x1x8x128xf32, #tpu.memory_space<hbm>> -> memref<4x8x128xf32, #tpu.memory_space<hbm>>
      %dma_start3A_946 = tpu.memref_slice %arg10[%select_n3A_700] : memref<3x!tpu.dma_semaphore, #tpu.memory_space<semaphore_mem>> -> memref<1x!tpu.dma_semaphore, #tpu.memory_space<semaphore_mem>>
      %dma_start3A_947 = tpu.memref_squeeze %dma_start3A_946 : memref<1x!tpu.dma_semaphore, #tpu.memory_space<semaphore_mem>> -> memref<!tpu.dma_semaphore, #tpu.memory_space<semaphore_mem>>
      %dma_start3A_948 = arith.constant 0 : i32
      %dma_start3A_949 = arith.constant 0 : i32
      %dma_start3A_950 = arith.constant 0 : i32
      %dma_start3A_951 = tpu.memref_slice %arg4[%add3A_934, %dma_start3A_948, %select_n3A_855, %dma_start3A_949, %dma_start3A_950] : memref<200x4x128x8x128xf32, #tpu.memory_space<hbm>> -> memref<1x4x1x8x128xf32, #tpu.memory_space<hbm>>
      %dma_start3A_952 = tpu.memref_squeeze %dma_start3A_951 : memref<1x4x1x8x128xf32, #tpu.memory_space<hbm>> -> memref<4x8x128xf32, #tpu.memory_space<hbm>>
      %dma_start3A_953 = arith.constant 0 : i32
      %dma_start3A_954 = arith.constant 0 : i32
      %dma_start3A_955 = arith.constant 0 : i32
      %dma_start3A_956 = tpu.memref_slice %arg7[%select_n3A_700, %dma_start3A_935, %dma_start3A_953, %dma_start3A_954, %dma_start3A_955] : memref<3x4x4x8x129xf32, #tpu.memory_space<vmem>> -> memref<1x1x4x8x128xf32, #tpu.memory_space<vmem>>
      %dma_start3A_957 = tpu.memref_squeeze %dma_start3A_956 : memref<1x1x4x8x128xf32, #tpu.memory_space<vmem>> -> memref<4x8x128xf32, #tpu.memory_space<vmem>>
      tpu.enqueue_dma source(%dma_start3A_957 : memref<4x8x128xf32, #tpu.memory_space<vmem>>) target(%dma_start3A_952 : memref<4x8x128xf32, #tpu.memory_space<hbm>>) target_semaphore(%dma_start3A_947 : memref<!tpu.dma_semaphore, #tpu.memory_space<semaphore_mem>>)
      %mul3A_958 = arith.constant 8 : i32
      %mul3A_959 = arith.muli %select_n3A_839, %mul3A_958 : i32
      %add3A_960 = arith.addi %mul3A_959, %mul3A_873 : i32
      %add3A_961 = arith.constant 3 : i32
      %add3A_962 = arith.addi %add3A_960, %add3A_961 : i32
      %dma_start3A_963 = arith.constant 3 : i32
      %dma_start3A_964 = arith.constant 0 : i32
      %dma_start3A_965 = arith.constant 0 : i32
      %dma_start3A_966 = arith.constant 0 : i32
      %dma_start3A_967 = tpu.memref_slice %arg7[%select_n3A_700, %dma_start3A_963, %dma_start3A_964, %dma_start3A_965, %dma_start3A_966] : memref<3x4x4x8x129xf32, #tpu.memory_space<vmem>> -> memref<1x1x4x8x128xf32, #tpu.memory_space<vmem>>
      %dma_start3A_968 = tpu.memref_squeeze %dma_start3A_967 : memref<1x1x4x8x128xf32, #tpu.memory_space<vmem>> -> memref<4x8x128xf32, #tpu.memory_space<vmem>>
      %dma_start3A_969 = arith.constant 0 : i32
      %dma_start3A_970 = arith.constant 0 : i32
      %dma_start3A_971 = arith.constant 0 : i32
      %dma_start3A_972 = tpu.memref_slice %arg4[%add3A_962, %dma_start3A_969, %select_n3A_855, %dma_start3A_970, %dma_start3A_971] : memref<200x4x128x8x128xf32, #tpu.memory_space<hbm>> -> memref<1x4x1x8x128xf32, #tpu.memory_space<hbm>>
      %dma_start3A_973 = tpu.memref_squeeze %dma_start3A_972 : memref<1x4x1x8x128xf32, #tpu.memory_space<hbm>> -> memref<4x8x128xf32, #tpu.memory_space<hbm>>
      %dma_start3A_974 = tpu.memref_slice %arg10[%select_n3A_700] : memref<3x!tpu.dma_semaphore, #tpu.memory_space<semaphore_mem>> -> memref<1x!tpu.dma_semaphore, #tpu.memory_space<semaphore_mem>>
      %dma_start3A_975 = tpu.memref_squeeze %dma_start3A_974 : memref<1x!tpu.dma_semaphore, #tpu.memory_space<semaphore_mem>> -> memref<!tpu.dma_semaphore, #tpu.memory_space<semaphore_mem>>
      %dma_start3A_976 = arith.constant 0 : i32
      %dma_start3A_977 = arith.constant 0 : i32
      %dma_start3A_978 = arith.constant 0 : i32
      %dma_start3A_979 = tpu.memref_slice %arg4[%add3A_962, %dma_start3A_976, %select_n3A_855, %dma_start3A_977, %dma_start3A_978] : memref<200x4x128x8x128xf32, #tpu.memory_space<hbm>> -> memref<1x4x1x8x128xf32, #tpu.memory_space<hbm>>
      %dma_start3A_980 = tpu.memref_squeeze %dma_start3A_979 : memref<1x4x1x8x128xf32, #tpu.memory_space<hbm>> -> memref<4x8x128xf32, #tpu.memory_space<hbm>>
      %dma_start3A_981 = arith.constant 0 : i32
      %dma_start3A_982 = arith.constant 0 : i32
      %dma_start3A_983 = arith.constant 0 : i32
      %dma_start3A_984 = tpu.memref_slice %arg7[%select_n3A_700, %dma_start3A_963, %dma_start3A_981, %dma_start3A_982, %dma_start3A_983] : memref<3x4x4x8x129xf32, #tpu.memory_space<vmem>> -> memref<1x1x4x8x128xf32, #tpu.memory_space<vmem>>
      %dma_start3A_985 = tpu.memref_squeeze %dma_start3A_984 : memref<1x1x4x8x128xf32, #tpu.memory_space<vmem>> -> memref<4x8x128xf32, #tpu.memory_space<vmem>>
      tpu.enqueue_dma source(%dma_start3A_985 : memref<4x8x128xf32, #tpu.memory_space<vmem>>) target(%dma_start3A_980 : memref<4x8x128xf32, #tpu.memory_space<hbm>>) target_semaphore(%dma_start3A_975 : memref<!tpu.dma_semaphore, #tpu.memory_space<semaphore_mem>>)
    }
    %scan3A_359 = arith.constant 200 : i32
    %dma_wait3A_360 = arith.constant 0 : i32
    %dma_wait3A_361 = arith.constant 0 : i32
    %dma_wait3A_362 = arith.constant 0 : i32
    %dma_wait3A_363 = arith.constant 0 : i32
    %dma_wait3A_364 = arith.constant 0 : i32
    %dma_wait3A_365 = arith.constant 0 : i32
    %dma_wait3A_366 = arith.constant 0 : i32
    %dma_wait3A_367 = arith.constant 0 : i32
    %dma_wait3A_368 = tpu.memref_slice %arg7[%dma_wait3A_360, %dma_wait3A_361, %dma_wait3A_365, %dma_wait3A_366, %dma_wait3A_367] : memref<3x4x4x8x129xf32, #tpu.memory_space<vmem>> -> memref<1x1x4x8x128xf32, #tpu.memory_space<vmem>>
    %dma_wait3A_369 = tpu.memref_squeeze %dma_wait3A_368 : memref<1x1x4x8x128xf32, #tpu.memory_space<vmem>> -> memref<4x8x128xf32, #tpu.memory_space<vmem>>
    %dma_wait3A_370 = arith.constant 0 : i32
    %dma_wait3A_371 = arith.constant 0 : i32
    %dma_wait3A_372 = arith.constant 0 : i32
    %dma_wait3A_373 = tpu.memref_slice %arg4[%dma_wait3A_362, %dma_wait3A_370, %dma_wait3A_363, %dma_wait3A_371, %dma_wait3A_372] : memref<200x4x128x8x128xf32, #tpu.memory_space<hbm>> -> memref<1x4x1x8x128xf32, #tpu.memory_space<hbm>>
    %dma_wait3A_374 = tpu.memref_squeeze %dma_wait3A_373 : memref<1x4x1x8x128xf32, #tpu.memory_space<hbm>> -> memref<4x8x128xf32, #tpu.memory_space<hbm>>
    %dma_wait3A_375 = tpu.memref_slice %arg10[%dma_wait3A_364] : memref<3x!tpu.dma_semaphore, #tpu.memory_space<semaphore_mem>> -> memref<1x!tpu.dma_semaphore, #tpu.memory_space<semaphore_mem>>
    %dma_wait3A_376 = tpu.memref_squeeze %dma_wait3A_375 : memref<1x!tpu.dma_semaphore, #tpu.memory_space<semaphore_mem>> -> memref<!tpu.dma_semaphore, #tpu.memory_space<semaphore_mem>>
    %dma_wait3A_377 = arith.constant 0 : i32
    %dma_wait3A_378 = arith.constant 0 : i32
    %dma_wait3A_379 = arith.constant 0 : i32
    %dma_wait3A_380 = tpu.memref_slice %arg4[%dma_wait3A_362, %dma_wait3A_377, %dma_wait3A_363, %dma_wait3A_378, %dma_wait3A_379] : memref<200x4x128x8x128xf32, #tpu.memory_space<hbm>> -> memref<1x4x1x8x128xf32, #tpu.memory_space<hbm>>
    %dma_wait3A_381 = tpu.memref_squeeze %dma_wait3A_380 : memref<1x4x1x8x128xf32, #tpu.memory_space<hbm>> -> memref<4x8x128xf32, #tpu.memory_space<hbm>>
    %dma_wait3A_382 = arith.constant 0 : i32
    %dma_wait3A_383 = arith.constant 0 : i32
    %dma_wait3A_384 = arith.constant 0 : i32
    %dma_wait3A_385 = tpu.memref_slice %arg7[%dma_wait3A_360, %dma_wait3A_361, %dma_wait3A_382, %dma_wait3A_383, %dma_wait3A_384] : memref<3x4x4x8x129xf32, #tpu.memory_space<vmem>> -> memref<1x1x4x8x128xf32, #tpu.memory_space<vmem>>
    %dma_wait3A_386 = tpu.memref_squeeze %dma_wait3A_385 : memref<1x1x4x8x128xf32, #tpu.memory_space<vmem>> -> memref<4x8x128xf32, #tpu.memory_space<vmem>>
    tpu.wait_dma2 semaphore(%dma_wait3A_376 : memref<!tpu.dma_semaphore, #tpu.memory_space<semaphore_mem>>) src(%dma_wait3A_386 : memref<4x8x128xf32, #tpu.memory_space<vmem>>) dst(%dma_wait3A_381 : memref<4x8x128xf32, #tpu.memory_space<hbm>>)
    %dma_wait3A_387 = arith.constant 0 : i32
    %dma_wait3A_388 = arith.constant 1 : i32
    %dma_wait3A_389 = arith.constant 0 : i32
    %dma_wait3A_390 = arith.constant 0 : i32
    %dma_wait3A_391 = arith.constant 0 : i32
    %dma_wait3A_392 = arith.constant 0 : i32
    %dma_wait3A_393 = arith.constant 0 : i32
    %dma_wait3A_394 = arith.constant 0 : i32
    %dma_wait3A_395 = tpu.memref_slice %arg7[%dma_wait3A_387, %dma_wait3A_388, %dma_wait3A_392, %dma_wait3A_393, %dma_wait3A_394] : memref<3x4x4x8x129xf32, #tpu.memory_space<vmem>> -> memref<1x1x4x8x128xf32, #tpu.memory_space<vmem>>
    %dma_wait3A_396 = tpu.memref_squeeze %dma_wait3A_395 : memref<1x1x4x8x128xf32, #tpu.memory_space<vmem>> -> memref<4x8x128xf32, #tpu.memory_space<vmem>>
    %dma_wait3A_397 = arith.constant 0 : i32
    %dma_wait3A_398 = arith.constant 0 : i32
    %dma_wait3A_399 = arith.constant 0 : i32
    %dma_wait3A_400 = tpu.memref_slice %arg4[%dma_wait3A_389, %dma_wait3A_397, %dma_wait3A_390, %dma_wait3A_398, %dma_wait3A_399] : memref<200x4x128x8x128xf32, #tpu.memory_space<hbm>> -> memref<1x4x1x8x128xf32, #tpu.memory_space<hbm>>
    %dma_wait3A_401 = tpu.memref_squeeze %dma_wait3A_400 : memref<1x4x1x8x128xf32, #tpu.memory_space<hbm>> -> memref<4x8x128xf32, #tpu.memory_space<hbm>>
    %dma_wait3A_402 = tpu.memref_slice %arg10[%dma_wait3A_391] : memref<3x!tpu.dma_semaphore, #tpu.memory_space<semaphore_mem>> -> memref<1x!tpu.dma_semaphore, #tpu.memory_space<semaphore_mem>>
    %dma_wait3A_403 = tpu.memref_squeeze %dma_wait3A_402 : memref<1x!tpu.dma_semaphore, #tpu.memory_space<semaphore_mem>> -> memref<!tpu.dma_semaphore, #tpu.memory_space<semaphore_mem>>
    %dma_wait3A_404 = arith.constant 0 : i32
    %dma_wait3A_405 = arith.constant 0 : i32
    %dma_wait3A_406 = arith.constant 0 : i32
    %dma_wait3A_407 = tpu.memref_slice %arg4[%dma_wait3A_389, %dma_wait3A_404, %dma_wait3A_390, %dma_wait3A_405, %dma_wait3A_406] : memref<200x4x128x8x128xf32, #tpu.memory_space<hbm>> -> memref<1x4x1x8x128xf32, #tpu.memory_space<hbm>>
    %dma_wait3A_408 = tpu.memref_squeeze %dma_wait3A_407 : memref<1x4x1x8x128xf32, #tpu.memory_space<hbm>> -> memref<4x8x128xf32, #tpu.memory_space<hbm>>
    %dma_wait3A_409 = arith.constant 0 : i32
    %dma_wait3A_410 = arith.constant 0 : i32
    %dma_wait3A_411 = arith.constant 0 : i32
    %dma_wait3A_412 = tpu.memref_slice %arg7[%dma_wait3A_387, %dma_wait3A_388, %dma_wait3A_409, %dma_wait3A_410, %dma_wait3A_411] : memref<3x4x4x8x129xf32, #tpu.memory_space<vmem>> -> memref<1x1x4x8x128xf32, #tpu.memory_space<vmem>>
    %dma_wait3A_413 = tpu.memref_squeeze %dma_wait3A_412 : memref<1x1x4x8x128xf32, #tpu.memory_space<vmem>> -> memref<4x8x128xf32, #tpu.memory_space<vmem>>
    tpu.wait_dma2 semaphore(%dma_wait3A_403 : memref<!tpu.dma_semaphore, #tpu.memory_space<semaphore_mem>>) src(%dma_wait3A_413 : memref<4x8x128xf32, #tpu.memory_space<vmem>>) dst(%dma_wait3A_408 : memref<4x8x128xf32, #tpu.memory_space<hbm>>)
    %dma_wait3A_414 = arith.constant 0 : i32
    %dma_wait3A_415 = arith.constant 2 : i32
    %dma_wait3A_416 = arith.constant 0 : i32
    %dma_wait3A_417 = arith.constant 0 : i32
    %dma_wait3A_418 = arith.constant 0 : i32
    %dma_wait3A_419 = arith.constant 0 : i32
    %dma_wait3A_420 = arith.constant 0 : i32
    %dma_wait3A_421 = arith.constant 0 : i32
    %dma_wait3A_422 = tpu.memref_slice %arg7[%dma_wait3A_414, %dma_wait3A_415, %dma_wait3A_419, %dma_wait3A_420, %dma_wait3A_421] : memref<3x4x4x8x129xf32, #tpu.memory_space<vmem>> -> memref<1x1x4x8x128xf32, #tpu.memory_space<vmem>>
    %dma_wait3A_423 = tpu.memref_squeeze %dma_wait3A_422 : memref<1x1x4x8x128xf32, #tpu.memory_space<vmem>> -> memref<4x8x128xf32, #tpu.memory_space<vmem>>
    %dma_wait3A_424 = arith.constant 0 : i32
    %dma_wait3A_425 = arith.constant 0 : i32
    %dma_wait3A_426 = arith.constant 0 : i32
    %dma_wait3A_427 = tpu.memref_slice %arg4[%dma_wait3A_416, %dma_wait3A_424, %dma_wait3A_417, %dma_wait3A_425, %dma_wait3A_426] : memref<200x4x128x8x128xf32, #tpu.memory_space<hbm>> -> memref<1x4x1x8x128xf32, #tpu.memory_space<hbm>>
    %dma_wait3A_428 = tpu.memref_squeeze %dma_wait3A_427 : memref<1x4x1x8x128xf32, #tpu.memory_space<hbm>> -> memref<4x8x128xf32, #tpu.memory_space<hbm>>
    %dma_wait3A_429 = tpu.memref_slice %arg10[%dma_wait3A_418] : memref<3x!tpu.dma_semaphore, #tpu.memory_space<semaphore_mem>> -> memref<1x!tpu.dma_semaphore, #tpu.memory_space<semaphore_mem>>
    %dma_wait3A_430 = tpu.memref_squeeze %dma_wait3A_429 : memref<1x!tpu.dma_semaphore, #tpu.memory_space<semaphore_mem>> -> memref<!tpu.dma_semaphore, #tpu.memory_space<semaphore_mem>>
    %dma_wait3A_431 = arith.constant 0 : i32
    %dma_wait3A_432 = arith.constant 0 : i32
    %dma_wait3A_433 = arith.constant 0 : i32
    %dma_wait3A_434 = tpu.memref_slice %arg4[%dma_wait3A_416, %dma_wait3A_431, %dma_wait3A_417, %dma_wait3A_432, %dma_wait3A_433] : memref<200x4x128x8x128xf32, #tpu.memory_space<hbm>> -> memref<1x4x1x8x128xf32, #tpu.memory_space<hbm>>
    %dma_wait3A_435 = tpu.memref_squeeze %dma_wait3A_434 : memref<1x4x1x8x128xf32, #tpu.memory_space<hbm>> -> memref<4x8x128xf32, #tpu.memory_space<hbm>>
    %dma_wait3A_436 = arith.constant 0 : i32
    %dma_wait3A_437 = arith.constant 0 : i32
    %dma_wait3A_438 = arith.constant 0 : i32
    %dma_wait3A_439 = tpu.memref_slice %arg7[%dma_wait3A_414, %dma_wait3A_415, %dma_wait3A_436, %dma_wait3A_437, %dma_wait3A_438] : memref<3x4x4x8x129xf32, #tpu.memory_space<vmem>> -> memref<1x1x4x8x128xf32, #tpu.memory_space<vmem>>
    %dma_wait3A_440 = tpu.memref_squeeze %dma_wait3A_439 : memref<1x1x4x8x128xf32, #tpu.memory_space<vmem>> -> memref<4x8x128xf32, #tpu.memory_space<vmem>>
    tpu.wait_dma2 semaphore(%dma_wait3A_430 : memref<!tpu.dma_semaphore, #tpu.memory_space<semaphore_mem>>) src(%dma_wait3A_440 : memref<4x8x128xf32, #tpu.memory_space<vmem>>) dst(%dma_wait3A_435 : memref<4x8x128xf32, #tpu.memory_space<hbm>>)
    %dma_wait3A_441 = arith.constant 0 : i32
    %dma_wait3A_442 = arith.constant 3 : i32
    %dma_wait3A_443 = arith.constant 0 : i32
    %dma_wait3A_444 = arith.constant 0 : i32
    %dma_wait3A_445 = arith.constant 0 : i32
    %dma_wait3A_446 = arith.constant 0 : i32
    %dma_wait3A_447 = arith.constant 0 : i32
    %dma_wait3A_448 = arith.constant 0 : i32
    %dma_wait3A_449 = tpu.memref_slice %arg7[%dma_wait3A_441, %dma_wait3A_442, %dma_wait3A_446, %dma_wait3A_447, %dma_wait3A_448] : memref<3x4x4x8x129xf32, #tpu.memory_space<vmem>> -> memref<1x1x4x8x128xf32, #tpu.memory_space<vmem>>
    %dma_wait3A_450 = tpu.memref_squeeze %dma_wait3A_449 : memref<1x1x4x8x128xf32, #tpu.memory_space<vmem>> -> memref<4x8x128xf32, #tpu.memory_space<vmem>>
    %dma_wait3A_451 = arith.constant 0 : i32
    %dma_wait3A_452 = arith.constant 0 : i32
    %dma_wait3A_453 = arith.constant 0 : i32
    %dma_wait3A_454 = tpu.memref_slice %arg4[%dma_wait3A_443, %dma_wait3A_451, %dma_wait3A_444, %dma_wait3A_452, %dma_wait3A_453] : memref<200x4x128x8x128xf32, #tpu.memory_space<hbm>> -> memref<1x4x1x8x128xf32, #tpu.memory_space<hbm>>
    %dma_wait3A_455 = tpu.memref_squeeze %dma_wait3A_454 : memref<1x4x1x8x128xf32, #tpu.memory_space<hbm>> -> memref<4x8x128xf32, #tpu.memory_space<hbm>>
    %dma_wait3A_456 = tpu.memref_slice %arg10[%dma_wait3A_445] : memref<3x!tpu.dma_semaphore, #tpu.memory_space<semaphore_mem>> -> memref<1x!tpu.dma_semaphore, #tpu.memory_space<semaphore_mem>>
    %dma_wait3A_457 = tpu.memref_squeeze %dma_wait3A_456 : memref<1x!tpu.dma_semaphore, #tpu.memory_space<semaphore_mem>> -> memref<!tpu.dma_semaphore, #tpu.memory_space<semaphore_mem>>
    %dma_wait3A_458 = arith.constant 0 : i32
    %dma_wait3A_459 = arith.constant 0 : i32
    %dma_wait3A_460 = arith.constant 0 : i32
    %dma_wait3A_461 = tpu.memref_slice %arg4[%dma_wait3A_443, %dma_wait3A_458, %dma_wait3A_444, %dma_wait3A_459, %dma_wait3A_460] : memref<200x4x128x8x128xf32, #tpu.memory_space<hbm>> -> memref<1x4x1x8x128xf32, #tpu.memory_space<hbm>>
    %dma_wait3A_462 = tpu.memref_squeeze %dma_wait3A_461 : memref<1x4x1x8x128xf32, #tpu.memory_space<hbm>> -> memref<4x8x128xf32, #tpu.memory_space<hbm>>
    %dma_wait3A_463 = arith.constant 0 : i32
    %dma_wait3A_464 = arith.constant 0 : i32
    %dma_wait3A_465 = arith.constant 0 : i32
    %dma_wait3A_466 = tpu.memref_slice %arg7[%dma_wait3A_441, %dma_wait3A_442, %dma_wait3A_463, %dma_wait3A_464, %dma_wait3A_465] : memref<3x4x4x8x129xf32, #tpu.memory_space<vmem>> -> memref<1x1x4x8x128xf32, #tpu.memory_space<vmem>>
    %dma_wait3A_467 = tpu.memref_squeeze %dma_wait3A_466 : memref<1x1x4x8x128xf32, #tpu.memory_space<vmem>> -> memref<4x8x128xf32, #tpu.memory_space<vmem>>
    tpu.wait_dma2 semaphore(%dma_wait3A_457 : memref<!tpu.dma_semaphore, #tpu.memory_space<semaphore_mem>>) src(%dma_wait3A_467 : memref<4x8x128xf32, #tpu.memory_space<vmem>>) dst(%dma_wait3A_462 : memref<4x8x128xf32, #tpu.memory_space<hbm>>)
    %dma_wait3A_468 = arith.constant 0 : i32
    %dma_wait3A_469 = arith.constant 0 : i32
    %dma_wait3A_470 = arith.constant 0 : i32
    %dma_wait3A_471 = arith.constant 0 : i32
    %dma_wait3A_472 = arith.constant 1 : i32
    %dma_wait3A_473 = arith.constant 0 : i32
    %dma_wait3A_474 = arith.constant 0 : i32
    %dma_wait3A_475 = arith.constant 0 : i32
    %dma_wait3A_476 = tpu.memref_slice %arg7[%dma_wait3A_468, %dma_wait3A_469, %dma_wait3A_473, %dma_wait3A_474, %dma_wait3A_475] : memref<3x4x4x8x129xf32, #tpu.memory_space<vmem>> -> memref<1x1x4x8x128xf32, #tpu.memory_space<vmem>>
    %dma_wait3A_477 = tpu.memref_squeeze %dma_wait3A_476 : memref<1x1x4x8x128xf32, #tpu.memory_space<vmem>> -> memref<4x8x128xf32, #tpu.memory_space<vmem>>
    %dma_wait3A_478 = arith.constant 0 : i32
    %dma_wait3A_479 = arith.constant 0 : i32
    %dma_wait3A_480 = arith.constant 0 : i32
    %dma_wait3A_481 = tpu.memref_slice %arg4[%dma_wait3A_470, %dma_wait3A_478, %dma_wait3A_471, %dma_wait3A_479, %dma_wait3A_480] : memref<200x4x128x8x128xf32, #tpu.memory_space<hbm>> -> memref<1x4x1x8x128xf32, #tpu.memory_space<hbm>>
    %dma_wait3A_482 = tpu.memref_squeeze %dma_wait3A_481 : memref<1x4x1x8x128xf32, #tpu.memory_space<hbm>> -> memref<4x8x128xf32, #tpu.memory_space<hbm>>
    %dma_wait3A_483 = tpu.memref_slice %arg10[%dma_wait3A_472] : memref<3x!tpu.dma_semaphore, #tpu.memory_space<semaphore_mem>> -> memref<1x!tpu.dma_semaphore, #tpu.memory_space<semaphore_mem>>
    %dma_wait3A_484 = tpu.memref_squeeze %dma_wait3A_483 : memref<1x!tpu.dma_semaphore, #tpu.memory_space<semaphore_mem>> -> memref<!tpu.dma_semaphore, #tpu.memory_space<semaphore_mem>>
    %dma_wait3A_485 = arith.constant 0 : i32
    %dma_wait3A_486 = arith.constant 0 : i32
    %dma_wait3A_487 = arith.constant 0 : i32
    %dma_wait3A_488 = tpu.memref_slice %arg4[%dma_wait3A_470, %dma_wait3A_485, %dma_wait3A_471, %dma_wait3A_486, %dma_wait3A_487] : memref<200x4x128x8x128xf32, #tpu.memory_space<hbm>> -> memref<1x4x1x8x128xf32, #tpu.memory_space<hbm>>
    %dma_wait3A_489 = tpu.memref_squeeze %dma_wait3A_488 : memref<1x4x1x8x128xf32, #tpu.memory_space<hbm>> -> memref<4x8x128xf32, #tpu.memory_space<hbm>>
    %dma_wait3A_490 = arith.constant 0 : i32
    %dma_wait3A_491 = arith.constant 0 : i32
    %dma_wait3A_492 = arith.constant 0 : i32
    %dma_wait3A_493 = tpu.memref_slice %arg7[%dma_wait3A_468, %dma_wait3A_469, %dma_wait3A_490, %dma_wait3A_491, %dma_wait3A_492] : memref<3x4x4x8x129xf32, #tpu.memory_space<vmem>> -> memref<1x1x4x8x128xf32, #tpu.memory_space<vmem>>
    %dma_wait3A_494 = tpu.memref_squeeze %dma_wait3A_493 : memref<1x1x4x8x128xf32, #tpu.memory_space<vmem>> -> memref<4x8x128xf32, #tpu.memory_space<vmem>>
    tpu.wait_dma2 semaphore(%dma_wait3A_484 : memref<!tpu.dma_semaphore, #tpu.memory_space<semaphore_mem>>) src(%dma_wait3A_494 : memref<4x8x128xf32, #tpu.memory_space<vmem>>) dst(%dma_wait3A_489 : memref<4x8x128xf32, #tpu.memory_space<hbm>>)
    %dma_wait3A_495 = arith.constant 0 : i32
    %dma_wait3A_496 = arith.constant 1 : i32
    %dma_wait3A_497 = arith.constant 0 : i32
    %dma_wait3A_498 = arith.constant 0 : i32
    %dma_wait3A_499 = arith.constant 1 : i32
    %dma_wait3A_500 = arith.constant 0 : i32
    %dma_wait3A_501 = arith.constant 0 : i32
    %dma_wait3A_502 = arith.constant 0 : i32
    %dma_wait3A_503 = tpu.memref_slice %arg7[%dma_wait3A_495, %dma_wait3A_496, %dma_wait3A_500, %dma_wait3A_501, %dma_wait3A_502] : memref<3x4x4x8x129xf32, #tpu.memory_space<vmem>> -> memref<1x1x4x8x128xf32, #tpu.memory_space<vmem>>
    %dma_wait3A_504 = tpu.memref_squeeze %dma_wait3A_503 : memref<1x1x4x8x128xf32, #tpu.memory_space<vmem>> -> memref<4x8x128xf32, #tpu.memory_space<vmem>>
    %dma_wait3A_505 = arith.constant 0 : i32
    %dma_wait3A_506 = arith.constant 0 : i32
    %dma_wait3A_507 = arith.constant 0 : i32
    %dma_wait3A_508 = tpu.memref_slice %arg4[%dma_wait3A_497, %dma_wait3A_505, %dma_wait3A_498, %dma_wait3A_506, %dma_wait3A_507] : memref<200x4x128x8x128xf32, #tpu.memory_space<hbm>> -> memref<1x4x1x8x128xf32, #tpu.memory_space<hbm>>
    %dma_wait3A_509 = tpu.memref_squeeze %dma_wait3A_508 : memref<1x4x1x8x128xf32, #tpu.memory_space<hbm>> -> memref<4x8x128xf32, #tpu.memory_space<hbm>>
    %dma_wait3A_510 = tpu.memref_slice %arg10[%dma_wait3A_499] : memref<3x!tpu.dma_semaphore, #tpu.memory_space<semaphore_mem>> -> memref<1x!tpu.dma_semaphore, #tpu.memory_space<semaphore_mem>>
    %dma_wait3A_511 = tpu.memref_squeeze %dma_wait3A_510 : memref<1x!tpu.dma_semaphore, #tpu.memory_space<semaphore_mem>> -> memref<!tpu.dma_semaphore, #tpu.memory_space<semaphore_mem>>
    %dma_wait3A_512 = arith.constant 0 : i32
    %dma_wait3A_513 = arith.constant 0 : i32
    %dma_wait3A_514 = arith.constant 0 : i32
    %dma_wait3A_515 = tpu.memref_slice %arg4[%dma_wait3A_497, %dma_wait3A_512, %dma_wait3A_498, %dma_wait3A_513, %dma_wait3A_514] : memref<200x4x128x8x128xf32, #tpu.memory_space<hbm>> -> memref<1x4x1x8x128xf32, #tpu.memory_space<hbm>>
    %dma_wait3A_516 = tpu.memref_squeeze %dma_wait3A_515 : memref<1x4x1x8x128xf32, #tpu.memory_space<hbm>> -> memref<4x8x128xf32, #tpu.memory_space<hbm>>
    %dma_wait3A_517 = arith.constant 0 : i32
    %dma_wait3A_518 = arith.constant 0 : i32
    %dma_wait3A_519 = arith.constant 0 : i32
    %dma_wait3A_520 = tpu.memref_slice %arg7[%dma_wait3A_495, %dma_wait3A_496, %dma_wait3A_517, %dma_wait3A_518, %dma_wait3A_519] : memref<3x4x4x8x129xf32, #tpu.memory_space<vmem>> -> memref<1x1x4x8x128xf32, #tpu.memory_space<vmem>>
    %dma_wait3A_521 = tpu.memref_squeeze %dma_wait3A_520 : memref<1x1x4x8x128xf32, #tpu.memory_space<vmem>> -> memref<4x8x128xf32, #tpu.memory_space<vmem>>
    tpu.wait_dma2 semaphore(%dma_wait3A_511 : memref<!tpu.dma_semaphore, #tpu.memory_space<semaphore_mem>>) src(%dma_wait3A_521 : memref<4x8x128xf32, #tpu.memory_space<vmem>>) dst(%dma_wait3A_516 : memref<4x8x128xf32, #tpu.memory_space<hbm>>)
    %dma_wait3A_522 = arith.constant 0 : i32
    %dma_wait3A_523 = arith.constant 2 : i32
    %dma_wait3A_524 = arith.constant 0 : i32
    %dma_wait3A_525 = arith.constant 0 : i32
    %dma_wait3A_526 = arith.constant 1 : i32
    %dma_wait3A_527 = arith.constant 0 : i32
    %dma_wait3A_528 = arith.constant 0 : i32
    %dma_wait3A_529 = arith.constant 0 : i32
    %dma_wait3A_530 = tpu.memref_slice %arg7[%dma_wait3A_522, %dma_wait3A_523, %dma_wait3A_527, %dma_wait3A_528, %dma_wait3A_529] : memref<3x4x4x8x129xf32, #tpu.memory_space<vmem>> -> memref<1x1x4x8x128xf32, #tpu.memory_space<vmem>>
    %dma_wait3A_531 = tpu.memref_squeeze %dma_wait3A_530 : memref<1x1x4x8x128xf32, #tpu.memory_space<vmem>> -> memref<4x8x128xf32, #tpu.memory_space<vmem>>
    %dma_wait3A_532 = arith.constant 0 : i32
    %dma_wait3A_533 = arith.constant 0 : i32
    %dma_wait3A_534 = arith.constant 0 : i32
    %dma_wait3A_535 = tpu.memref_slice %arg4[%dma_wait3A_524, %dma_wait3A_532, %dma_wait3A_525, %dma_wait3A_533, %dma_wait3A_534] : memref<200x4x128x8x128xf32, #tpu.memory_space<hbm>> -> memref<1x4x1x8x128xf32, #tpu.memory_space<hbm>>
    %dma_wait3A_536 = tpu.memref_squeeze %dma_wait3A_535 : memref<1x4x1x8x128xf32, #tpu.memory_space<hbm>> -> memref<4x8x128xf32, #tpu.memory_space<hbm>>
    %dma_wait3A_537 = tpu.memref_slice %arg10[%dma_wait3A_526] : memref<3x!tpu.dma_semaphore, #tpu.memory_space<semaphore_mem>> -> memref<1x!tpu.dma_semaphore, #tpu.memory_space<semaphore_mem>>
    %dma_wait3A_538 = tpu.memref_squeeze %dma_wait3A_537 : memref<1x!tpu.dma_semaphore, #tpu.memory_space<semaphore_mem>> -> memref<!tpu.dma_semaphore, #tpu.memory_space<semaphore_mem>>
    %dma_wait3A_539 = arith.constant 0 : i32
    %dma_wait3A_540 = arith.constant 0 : i32
    %dma_wait3A_541 = arith.constant 0 : i32
    %dma_wait3A_542 = tpu.memref_slice %arg4[%dma_wait3A_524, %dma_wait3A_539, %dma_wait3A_525, %dma_wait3A_540, %dma_wait3A_541] : memref<200x4x128x8x128xf32, #tpu.memory_space<hbm>> -> memref<1x4x1x8x128xf32, #tpu.memory_space<hbm>>
    %dma_wait3A_543 = tpu.memref_squeeze %dma_wait3A_542 : memref<1x4x1x8x128xf32, #tpu.memory_space<hbm>> -> memref<4x8x128xf32, #tpu.memory_space<hbm>>
    %dma_wait3A_544 = arith.constant 0 : i32
    %dma_wait3A_545 = arith.constant 0 : i32
    %dma_wait3A_546 = arith.constant 0 : i32
    %dma_wait3A_547 = tpu.memref_slice %arg7[%dma_wait3A_522, %dma_wait3A_523, %dma_wait3A_544, %dma_wait3A_545, %dma_wait3A_546] : memref<3x4x4x8x129xf32, #tpu.memory_space<vmem>> -> memref<1x1x4x8x128xf32, #tpu.memory_space<vmem>>
    %dma_wait3A_548 = tpu.memref_squeeze %dma_wait3A_547 : memref<1x1x4x8x128xf32, #tpu.memory_space<vmem>> -> memref<4x8x128xf32, #tpu.memory_space<vmem>>
    tpu.wait_dma2 semaphore(%dma_wait3A_538 : memref<!tpu.dma_semaphore, #tpu.memory_space<semaphore_mem>>) src(%dma_wait3A_548 : memref<4x8x128xf32, #tpu.memory_space<vmem>>) dst(%dma_wait3A_543 : memref<4x8x128xf32, #tpu.memory_space<hbm>>)
    %dma_wait3A_549 = arith.constant 0 : i32
    %dma_wait3A_550 = arith.constant 3 : i32
    %dma_wait3A_551 = arith.constant 0 : i32
    %dma_wait3A_552 = arith.constant 0 : i32
    %dma_wait3A_553 = arith.constant 1 : i32
    %dma_wait3A_554 = arith.constant 0 : i32
    %dma_wait3A_555 = arith.constant 0 : i32
    %dma_wait3A_556 = arith.constant 0 : i32
    %dma_wait3A_557 = tpu.memref_slice %arg7[%dma_wait3A_549, %dma_wait3A_550, %dma_wait3A_554, %dma_wait3A_555, %dma_wait3A_556] : memref<3x4x4x8x129xf32, #tpu.memory_space<vmem>> -> memref<1x1x4x8x128xf32, #tpu.memory_space<vmem>>
    %dma_wait3A_558 = tpu.memref_squeeze %dma_wait3A_557 : memref<1x1x4x8x128xf32, #tpu.memory_space<vmem>> -> memref<4x8x128xf32, #tpu.memory_space<vmem>>
    %dma_wait3A_559 = arith.constant 0 : i32
    %dma_wait3A_560 = arith.constant 0 : i32
    %dma_wait3A_561 = arith.constant 0 : i32
    %dma_wait3A_562 = tpu.memref_slice %arg4[%dma_wait3A_551, %dma_wait3A_559, %dma_wait3A_552, %dma_wait3A_560, %dma_wait3A_561] : memref<200x4x128x8x128xf32, #tpu.memory_space<hbm>> -> memref<1x4x1x8x128xf32, #tpu.memory_space<hbm>>
    %dma_wait3A_563 = tpu.memref_squeeze %dma_wait3A_562 : memref<1x4x1x8x128xf32, #tpu.memory_space<hbm>> -> memref<4x8x128xf32, #tpu.memory_space<hbm>>
    %dma_wait3A_564 = tpu.memref_slice %arg10[%dma_wait3A_553] : memref<3x!tpu.dma_semaphore, #tpu.memory_space<semaphore_mem>> -> memref<1x!tpu.dma_semaphore, #tpu.memory_space<semaphore_mem>>
    %dma_wait3A_565 = tpu.memref_squeeze %dma_wait3A_564 : memref<1x!tpu.dma_semaphore, #tpu.memory_space<semaphore_mem>> -> memref<!tpu.dma_semaphore, #tpu.memory_space<semaphore_mem>>
    %dma_wait3A_566 = arith.constant 0 : i32
    %dma_wait3A_567 = arith.constant 0 : i32
    %dma_wait3A_568 = arith.constant 0 : i32
    %dma_wait3A_569 = tpu.memref_slice %arg4[%dma_wait3A_551, %dma_wait3A_566, %dma_wait3A_552, %dma_wait3A_567, %dma_wait3A_568] : memref<200x4x128x8x128xf32, #tpu.memory_space<hbm>> -> memref<1x4x1x8x128xf32, #tpu.memory_space<hbm>>
    %dma_wait3A_570 = tpu.memref_squeeze %dma_wait3A_569 : memref<1x4x1x8x128xf32, #tpu.memory_space<hbm>> -> memref<4x8x128xf32, #tpu.memory_space<hbm>>
    %dma_wait3A_571 = arith.constant 0 : i32
    %dma_wait3A_572 = arith.constant 0 : i32
    %dma_wait3A_573 = arith.constant 0 : i32
    %dma_wait3A_574 = tpu.memref_slice %arg7[%dma_wait3A_549, %dma_wait3A_550, %dma_wait3A_571, %dma_wait3A_572, %dma_wait3A_573] : memref<3x4x4x8x129xf32, #tpu.memory_space<vmem>> -> memref<1x1x4x8x128xf32, #tpu.memory_space<vmem>>
    %dma_wait3A_575 = tpu.memref_squeeze %dma_wait3A_574 : memref<1x1x4x8x128xf32, #tpu.memory_space<vmem>> -> memref<4x8x128xf32, #tpu.memory_space<vmem>>
    tpu.wait_dma2 semaphore(%dma_wait3A_565 : memref<!tpu.dma_semaphore, #tpu.memory_space<semaphore_mem>>) src(%dma_wait3A_575 : memref<4x8x128xf32, #tpu.memory_space<vmem>>) dst(%dma_wait3A_570 : memref<4x8x128xf32, #tpu.memory_space<hbm>>)
    %dma_wait3A_576 = arith.constant 0 : i32
    %dma_wait3A_577 = arith.constant 0 : i32
    %dma_wait3A_578 = arith.constant 0 : i32
    %dma_wait3A_579 = arith.constant 0 : i32
    %dma_wait3A_580 = arith.constant 2 : i32
    %dma_wait3A_581 = arith.constant 0 : i32
    %dma_wait3A_582 = arith.constant 0 : i32
    %dma_wait3A_583 = arith.constant 0 : i32
    %dma_wait3A_584 = tpu.memref_slice %arg7[%dma_wait3A_576, %dma_wait3A_577, %dma_wait3A_581, %dma_wait3A_582, %dma_wait3A_583] : memref<3x4x4x8x129xf32, #tpu.memory_space<vmem>> -> memref<1x1x4x8x128xf32, #tpu.memory_space<vmem>>
    %dma_wait3A_585 = tpu.memref_squeeze %dma_wait3A_584 : memref<1x1x4x8x128xf32, #tpu.memory_space<vmem>> -> memref<4x8x128xf32, #tpu.memory_space<vmem>>
    %dma_wait3A_586 = arith.constant 0 : i32
    %dma_wait3A_587 = arith.constant 0 : i32
    %dma_wait3A_588 = arith.constant 0 : i32
    %dma_wait3A_589 = tpu.memref_slice %arg4[%dma_wait3A_578, %dma_wait3A_586, %dma_wait3A_579, %dma_wait3A_587, %dma_wait3A_588] : memref<200x4x128x8x128xf32, #tpu.memory_space<hbm>> -> memref<1x4x1x8x128xf32, #tpu.memory_space<hbm>>
    %dma_wait3A_590 = tpu.memref_squeeze %dma_wait3A_589 : memref<1x4x1x8x128xf32, #tpu.memory_space<hbm>> -> memref<4x8x128xf32, #tpu.memory_space<hbm>>
    %dma_wait3A_591 = tpu.memref_slice %arg10[%dma_wait3A_580] : memref<3x!tpu.dma_semaphore, #tpu.memory_space<semaphore_mem>> -> memref<1x!tpu.dma_semaphore, #tpu.memory_space<semaphore_mem>>
    %dma_wait3A_592 = tpu.memref_squeeze %dma_wait3A_591 : memref<1x!tpu.dma_semaphore, #tpu.memory_space<semaphore_mem>> -> memref<!tpu.dma_semaphore, #tpu.memory_space<semaphore_mem>>
    %dma_wait3A_593 = arith.constant 0 : i32
    %dma_wait3A_594 = arith.constant 0 : i32
    %dma_wait3A_595 = arith.constant 0 : i32
    %dma_wait3A_596 = tpu.memref_slice %arg4[%dma_wait3A_578, %dma_wait3A_593, %dma_wait3A_579, %dma_wait3A_594, %dma_wait3A_595] : memref<200x4x128x8x128xf32, #tpu.memory_space<hbm>> -> memref<1x4x1x8x128xf32, #tpu.memory_space<hbm>>
    %dma_wait3A_597 = tpu.memref_squeeze %dma_wait3A_596 : memref<1x4x1x8x128xf32, #tpu.memory_space<hbm>> -> memref<4x8x128xf32, #tpu.memory_space<hbm>>
    %dma_wait3A_598 = arith.constant 0 : i32
    %dma_wait3A_599 = arith.constant 0 : i32
    %dma_wait3A_600 = arith.constant 0 : i32
    %dma_wait3A_601 = tpu.memref_slice %arg7[%dma_wait3A_576, %dma_wait3A_577, %dma_wait3A_598, %dma_wait3A_599, %dma_wait3A_600] : memref<3x4x4x8x129xf32, #tpu.memory_space<vmem>> -> memref<1x1x4x8x128xf32, #tpu.memory_space<vmem>>
    %dma_wait3A_602 = tpu.memref_squeeze %dma_wait3A_601 : memref<1x1x4x8x128xf32, #tpu.memory_space<vmem>> -> memref<4x8x128xf32, #tpu.memory_space<vmem>>
    tpu.wait_dma2 semaphore(%dma_wait3A_592 : memref<!tpu.dma_semaphore, #tpu.memory_space<semaphore_mem>>) src(%dma_wait3A_602 : memref<4x8x128xf32, #tpu.memory_space<vmem>>) dst(%dma_wait3A_597 : memref<4x8x128xf32, #tpu.memory_space<hbm>>)
    %dma_wait3A_603 = arith.constant 0 : i32
    %dma_wait3A_604 = arith.constant 1 : i32
    %dma_wait3A_605 = arith.constant 0 : i32
    %dma_wait3A_606 = arith.constant 0 : i32
    %dma_wait3A_607 = arith.constant 2 : i32
    %dma_wait3A_608 = arith.constant 0 : i32
    %dma_wait3A_609 = arith.constant 0 : i32
    %dma_wait3A_610 = arith.constant 0 : i32
    %dma_wait3A_611 = tpu.memref_slice %arg7[%dma_wait3A_603, %dma_wait3A_604, %dma_wait3A_608, %dma_wait3A_609, %dma_wait3A_610] : memref<3x4x4x8x129xf32, #tpu.memory_space<vmem>> -> memref<1x1x4x8x128xf32, #tpu.memory_space<vmem>>
    %dma_wait3A_612 = tpu.memref_squeeze %dma_wait3A_611 : memref<1x1x4x8x128xf32, #tpu.memory_space<vmem>> -> memref<4x8x128xf32, #tpu.memory_space<vmem>>
    %dma_wait3A_613 = arith.constant 0 : i32
    %dma_wait3A_614 = arith.constant 0 : i32
    %dma_wait3A_615 = arith.constant 0 : i32
    %dma_wait3A_616 = tpu.memref_slice %arg4[%dma_wait3A_605, %dma_wait3A_613, %dma_wait3A_606, %dma_wait3A_614, %dma_wait3A_615] : memref<200x4x128x8x128xf32, #tpu.memory_space<hbm>> -> memref<1x4x1x8x128xf32, #tpu.memory_space<hbm>>
    %dma_wait3A_617 = tpu.memref_squeeze %dma_wait3A_616 : memref<1x4x1x8x128xf32, #tpu.memory_space<hbm>> -> memref<4x8x128xf32, #tpu.memory_space<hbm>>
    %dma_wait3A_618 = tpu.memref_slice %arg10[%dma_wait3A_607] : memref<3x!tpu.dma_semaphore, #tpu.memory_space<semaphore_mem>> -> memref<1x!tpu.dma_semaphore, #tpu.memory_space<semaphore_mem>>
    %dma_wait3A_619 = tpu.memref_squeeze %dma_wait3A_618 : memref<1x!tpu.dma_semaphore, #tpu.memory_space<semaphore_mem>> -> memref<!tpu.dma_semaphore, #tpu.memory_space<semaphore_mem>>
    %dma_wait3A_620 = arith.constant 0 : i32
    %dma_wait3A_621 = arith.constant 0 : i32
    %dma_wait3A_622 = arith.constant 0 : i32
    %dma_wait3A_623 = tpu.memref_slice %arg4[%dma_wait3A_605, %dma_wait3A_620, %dma_wait3A_606, %dma_wait3A_621, %dma_wait3A_622] : memref<200x4x128x8x128xf32, #tpu.memory_space<hbm>> -> memref<1x4x1x8x128xf32, #tpu.memory_space<hbm>>
    %dma_wait3A_624 = tpu.memref_squeeze %dma_wait3A_623 : memref<1x4x1x8x128xf32, #tpu.memory_space<hbm>> -> memref<4x8x128xf32, #tpu.memory_space<hbm>>
    %dma_wait3A_625 = arith.constant 0 : i32
    %dma_wait3A_626 = arith.constant 0 : i32
    %dma_wait3A_627 = arith.constant 0 : i32
    %dma_wait3A_628 = tpu.memref_slice %arg7[%dma_wait3A_603, %dma_wait3A_604, %dma_wait3A_625, %dma_wait3A_626, %dma_wait3A_627] : memref<3x4x4x8x129xf32, #tpu.memory_space<vmem>> -> memref<1x1x4x8x128xf32, #tpu.memory_space<vmem>>
    %dma_wait3A_629 = tpu.memref_squeeze %dma_wait3A_628 : memref<1x1x4x8x128xf32, #tpu.memory_space<vmem>> -> memref<4x8x128xf32, #tpu.memory_space<vmem>>
    tpu.wait_dma2 semaphore(%dma_wait3A_619 : memref<!tpu.dma_semaphore, #tpu.memory_space<semaphore_mem>>) src(%dma_wait3A_629 : memref<4x8x128xf32, #tpu.memory_space<vmem>>) dst(%dma_wait3A_624 : memref<4x8x128xf32, #tpu.memory_space<hbm>>)
    %dma_wait3A_630 = arith.constant 0 : i32
    %dma_wait3A_631 = arith.constant 2 : i32
    %dma_wait3A_632 = arith.constant 0 : i32
    %dma_wait3A_633 = arith.constant 0 : i32
    %dma_wait3A_634 = arith.constant 2 : i32
    %dma_wait3A_635 = arith.constant 0 : i32
    %dma_wait3A_636 = arith.constant 0 : i32
    %dma_wait3A_637 = arith.constant 0 : i32
    %dma_wait3A_638 = tpu.memref_slice %arg7[%dma_wait3A_630, %dma_wait3A_631, %dma_wait3A_635, %dma_wait3A_636, %dma_wait3A_637] : memref<3x4x4x8x129xf32, #tpu.memory_space<vmem>> -> memref<1x1x4x8x128xf32, #tpu.memory_space<vmem>>
    %dma_wait3A_639 = tpu.memref_squeeze %dma_wait3A_638 : memref<1x1x4x8x128xf32, #tpu.memory_space<vmem>> -> memref<4x8x128xf32, #tpu.memory_space<vmem>>
    %dma_wait3A_640 = arith.constant 0 : i32
    %dma_wait3A_641 = arith.constant 0 : i32
    %dma_wait3A_642 = arith.constant 0 : i32
    %dma_wait3A_643 = tpu.memref_slice %arg4[%dma_wait3A_632, %dma_wait3A_640, %dma_wait3A_633, %dma_wait3A_641, %dma_wait3A_642] : memref<200x4x128x8x128xf32, #tpu.memory_space<hbm>> -> memref<1x4x1x8x128xf32, #tpu.memory_space<hbm>>
    %dma_wait3A_644 = tpu.memref_squeeze %dma_wait3A_643 : memref<1x4x1x8x128xf32, #tpu.memory_space<hbm>> -> memref<4x8x128xf32, #tpu.memory_space<hbm>>
    %dma_wait3A_645 = tpu.memref_slice %arg10[%dma_wait3A_634] : memref<3x!tpu.dma_semaphore, #tpu.memory_space<semaphore_mem>> -> memref<1x!tpu.dma_semaphore, #tpu.memory_space<semaphore_mem>>
    %dma_wait3A_646 = tpu.memref_squeeze %dma_wait3A_645 : memref<1x!tpu.dma_semaphore, #tpu.memory_space<semaphore_mem>> -> memref<!tpu.dma_semaphore, #tpu.memory_space<semaphore_mem>>
    %dma_wait3A_647 = arith.constant 0 : i32
    %dma_wait3A_648 = arith.constant 0 : i32
    %dma_wait3A_649 = arith.constant 0 : i32
    %dma_wait3A_650 = tpu.memref_slice %arg4[%dma_wait3A_632, %dma_wait3A_647, %dma_wait3A_633, %dma_wait3A_648, %dma_wait3A_649] : memref<200x4x128x8x128xf32, #tpu.memory_space<hbm>> -> memref<1x4x1x8x128xf32, #tpu.memory_space<hbm>>
    %dma_wait3A_651 = tpu.memref_squeeze %dma_wait3A_650 : memref<1x4x1x8x128xf32, #tpu.memory_space<hbm>> -> memref<4x8x128xf32, #tpu.memory_space<hbm>>
    %dma_wait3A_652 = arith.constant 0 : i32
    %dma_wait3A_653 = arith.constant 0 : i32
    %dma_wait3A_654 = arith.constant 0 : i32
    %dma_wait3A_655 = tpu.memref_slice %arg7[%dma_wait3A_630, %dma_wait3A_631, %dma_wait3A_652, %dma_wait3A_653, %dma_wait3A_654] : memref<3x4x4x8x129xf32, #tpu.memory_space<vmem>> -> memref<1x1x4x8x128xf32, #tpu.memory_space<vmem>>
    %dma_wait3A_656 = tpu.memref_squeeze %dma_wait3A_655 : memref<1x1x4x8x128xf32, #tpu.memory_space<vmem>> -> memref<4x8x128xf32, #tpu.memory_space<vmem>>
    tpu.wait_dma2 semaphore(%dma_wait3A_646 : memref<!tpu.dma_semaphore, #tpu.memory_space<semaphore_mem>>) src(%dma_wait3A_656 : memref<4x8x128xf32, #tpu.memory_space<vmem>>) dst(%dma_wait3A_651 : memref<4x8x128xf32, #tpu.memory_space<hbm>>)
    %dma_wait3A_657 = arith.constant 0 : i32
    %dma_wait3A_658 = arith.constant 3 : i32
    %dma_wait3A_659 = arith.constant 0 : i32
    %dma_wait3A_660 = arith.constant 0 : i32
    %dma_wait3A_661 = arith.constant 2 : i32
    %dma_wait3A_662 = arith.constant 0 : i32
    %dma_wait3A_663 = arith.constant 0 : i32
    %dma_wait3A_664 = arith.constant 0 : i32
    %dma_wait3A_665 = tpu.memref_slice %arg7[%dma_wait3A_657, %dma_wait3A_658, %dma_wait3A_662, %dma_wait3A_663, %dma_wait3A_664] : memref<3x4x4x8x129xf32, #tpu.memory_space<vmem>> -> memref<1x1x4x8x128xf32, #tpu.memory_space<vmem>>
    %dma_wait3A_666 = tpu.memref_squeeze %dma_wait3A_665 : memref<1x1x4x8x128xf32, #tpu.memory_space<vmem>> -> memref<4x8x128xf32, #tpu.memory_space<vmem>>
    %dma_wait3A_667 = arith.constant 0 : i32
    %dma_wait3A_668 = arith.constant 0 : i32
    %dma_wait3A_669 = arith.constant 0 : i32
    %dma_wait3A_670 = tpu.memref_slice %arg4[%dma_wait3A_659, %dma_wait3A_667, %dma_wait3A_660, %dma_wait3A_668, %dma_wait3A_669] : memref<200x4x128x8x128xf32, #tpu.memory_space<hbm>> -> memref<1x4x1x8x128xf32, #tpu.memory_space<hbm>>
    %dma_wait3A_671 = tpu.memref_squeeze %dma_wait3A_670 : memref<1x4x1x8x128xf32, #tpu.memory_space<hbm>> -> memref<4x8x128xf32, #tpu.memory_space<hbm>>
    %dma_wait3A_672 = tpu.memref_slice %arg10[%dma_wait3A_661] : memref<3x!tpu.dma_semaphore, #tpu.memory_space<semaphore_mem>> -> memref<1x!tpu.dma_semaphore, #tpu.memory_space<semaphore_mem>>
    %dma_wait3A_673 = tpu.memref_squeeze %dma_wait3A_672 : memref<1x!tpu.dma_semaphore, #tpu.memory_space<semaphore_mem>> -> memref<!tpu.dma_semaphore, #tpu.memory_space<semaphore_mem>>
    %dma_wait3A_674 = arith.constant 0 : i32
    %dma_wait3A_675 = arith.constant 0 : i32
    %dma_wait3A_676 = arith.constant 0 : i32
    %dma_wait3A_677 = tpu.memref_slice %arg4[%dma_wait3A_659, %dma_wait3A_674, %dma_wait3A_660, %dma_wait3A_675, %dma_wait3A_676] : memref<200x4x128x8x128xf32, #tpu.memory_space<hbm>> -> memref<1x4x1x8x128xf32, #tpu.memory_space<hbm>>
    %dma_wait3A_678 = tpu.memref_squeeze %dma_wait3A_677 : memref<1x4x1x8x128xf32, #tpu.memory_space<hbm>> -> memref<4x8x128xf32, #tpu.memory_space<hbm>>
    %dma_wait3A_679 = arith.constant 0 : i32
    %dma_wait3A_680 = arith.constant 0 : i32
    %dma_wait3A_681 = arith.constant 0 : i32
    %dma_wait3A_682 = tpu.memref_slice %arg7[%dma_wait3A_657, %dma_wait3A_658, %dma_wait3A_679, %dma_wait3A_680, %dma_wait3A_681] : memref<3x4x4x8x129xf32, #tpu.memory_space<vmem>> -> memref<1x1x4x8x128xf32, #tpu.memory_space<vmem>>
    %dma_wait3A_683 = tpu.memref_squeeze %dma_wait3A_682 : memref<1x1x4x8x128xf32, #tpu.memory_space<vmem>> -> memref<4x8x128xf32, #tpu.memory_space<vmem>>
    tpu.wait_dma2 semaphore(%dma_wait3A_673 : memref<!tpu.dma_semaphore, #tpu.memory_space<semaphore_mem>>) src(%dma_wait3A_683 : memref<4x8x128xf32, #tpu.memory_space<vmem>>) dst(%dma_wait3A_678 : memref<4x8x128xf32, #tpu.memory_space<hbm>>)
    return
  }
}

</mosaic_0001>

<sc_bundles>
// kernel: kernel.3.cloned.1.call-start
scs
__scs_entry_jumppad:
0x0: {  	(pc) =	sbr.rel $0x88, $3  }
0x1: {  	(tag) =	ssettag $0x0;
	lr =	simm.s32 $0x1  }
0x2: {  	[smem:$0x3F9F] =	sst lr;
	_ =	strace $0xD0000000  }
0x3: {  	_ = 	snop  }
0x4: {  	_ = 	snop  }
0x5: {  	_ = 	snop  }
0x6: {  	_ = 	snop  }
0x7: {  	_ = 	snop  }
__scs_overlays_trampoline_lowered:
0x8: {  	[smem:$0x3FAE] =	sst s0  }
0x9: {  	[smem:$0x3FAF] =	sst s1  }
0xa: {  	[smem:$0x3FB0] =	sst s2  }
0xb: {  	[smem:$0x3FB1] =	sst s3  }
0xc: {  	[smem:$0x3FB2] =	sst s4  }
0xd: {  	[smem:$0x3FB3] =	sst s5  }
0xe: {  	[smem:$0x3FB4] =	sst s6  }
0xf: {  	[smem:$0x3FB5] =	sst s7  }
0x10: {  	[smem:$0x3FB6] =	sst s8  }
0x11: {  	[smem:$0x3FB7] =	sst s9;
	s0 =	simm.s32 @!p0 $0x0  }
0x12: {  	s1 =	sld [smem:$0x3F9D];
	s0 =	simm.s32 @p0 $0x1  }
0x13: {  	[smem:$0x3FB8] =	sst s0;
	s0 =	simm.s32 @!p1 $0x0  }
0x14: {  	s2 =	sld [smem:$0x3F9C];
	s0 =	simm.s32 @p1 $0x1  }
0x15: {  	[smem:$0x3FB9] =	sst s0;
	s0 =	simm.s32 @!p2 $0x0  }
0x16: {  	s3 =	sld [smem:$0x3FDB];
	s0 =	simm.s32 @p2 $0x1  }
0x17: {  	s4 =	simm.s32 $0x1BF5;
	[smem:$0x3FBB] =	sst s0  }
0x18: {  	s0 =	sld [smem:$0x3F9E];
	_ =	swait.ge [sflag:s4], $0x0  }
0x19: {  	s7 =	sld [smem:$0x3F9F]  }
0x1a: {  	s8 =	sadd.s32 $0xFFFFE003, lr  }
0x1b: {  	s9 =	sadd.s32 $0xFFFFFEF7, lr;
	s5 =	simm.s32 $0xFFFFFFFF;
	p2 =	slt.u32 s8, $0xFFFFF086  }
0x1c: {  	p1 =	slt.u32 s9, $0xF7A;
	s5 =	simm.s32 @!p2 $0x0  }
0x1d: {  	s5 =	simm.s32 @p1 $0x1;
	p0 =	seq.s32 s7, s2  }
0x1e: {  	s7 =	smul.u32 @!p0 $0xF7A, s2;
	p2 =	seq.s32 @!p0 s5, $0x0  }
0x1f: {  	s9 =	smul.u32 $0xF7A, s1;
	s8 =	simm.s32 @!p0 $0x1BF5;
	p2 =	por !p2, p0  }
0x20: {  	[sflag:s8] =	ssyncset.s32 @!p0 $0xFFFFF086;
	s6 =	sadd.s32 @!p0 s3, s7;
	s7 =	simm.s32 @!p0 $0x108  }
0x21: {  	s3 =	sadd.s32 s3, s9;
	s6 =	sadd.s32 @!p0 $0x88, s6;
	s7 =	simm.s32 @p2 $0x1082  }
0x22: {  	[simem:s7], [sflag:s8] =	dma.local @!p0 [hbm:s6], $0xF7A  }
0x23: {  	s9 =	sor.u32 $0xD0000000, s2;
	s6 =	simm.s32 $0x108;
	_ =	swait.ge @!p0 [sflag:s8], $0x0  }
0x24: {  	s3 =	sadd.s32 $0x88, s3;
	s6 =	simm.s32 @!p1 $0x1082;
	[sflag:s4] =	ssyncset.s32 $0xFFFFF086  }
0x25: {  	[simem:s6], [sflag:s4] =	dma.local [hbm:s3], $0xF7A  }
0x26: {  	[smem:$0x3F9F] =	sst s1;
	(tag) =	ssettag s2;
	_ =	strace s9  }
0x27: {  	s1 =	sld [smem:$0x3FAF]  }
0x28: {  	s2 =	sld [smem:$0x3FB0]  }
0x29: {  	s4 =	sld [smem:$0x3FB2]  }
0x2a: {  	p0 =	seq.s32 s5, $0x0;
	s5 =	sld [smem:$0x3FB3]  }
0x2b: {  	s6 =	sld [smem:$0x3FB4]  }
0x2c: {  	s7 =	sld [smem:$0x3FB5]  }
0x2d: {  	s3 =	simm.s32 $0x108;
	s8 =	sld [smem:$0x3FB6]  }
0x2e: {  	s3 =	simm.s32 @!p0 $0x1082;
	s9 =	sld [smem:$0x3FB7]  }
0x2f: {  	lr =	sadd.s32 s0, s3;
	s0 =	sld [smem:$0x3FAE]  }
0x30: {  	s3 =	sld [smem:$0x3FB1]  }
0x31: {  	[smem:$0x3FBA] =	sst s10  }
0x32: {  	s10 =	sld [smem:$0x3FB8];
	_ =	sdelay $0x3  }
0x33: {  	p0 =	seq.s32 s10, $0x1;
	s10 =	sld [smem:$0x3FBA];
	_ =	sdelay $0x3  }
0x34: {  	[smem:$0x3FBA] =	sst s10  }
0x35: {  	s10 =	sld [smem:$0x3FB9];
	_ =	sdelay $0x3  }
0x36: {  	p1 =	seq.s32 s10, $0x1;
	s10 =	sld [smem:$0x3FBA];
	_ =	sdelay $0x3  }
0x37: {  	[smem:$0x3FBA] =	sst s10  }
0x38: {  	s10 =	sld [smem:$0x3FBB]  }
0x39: {  	_ = 	snop;
	(pc) =	sbr.ind lr, $3  }
0x3a: {  	_ = 	snop  }
0x3b: {  	_ = 	snop  }
0x3c: {  	p2 =	seq.s32 s10, $0x1;
	s10 =	sld [smem:$0x3FBA]  }
0x3d: {  	_ =	shalt  }
0x3e: {  	_ =	shalt  }
0x3f: {  	_ =	shalt  }
0x40: {  	_ =	shalt  }
0x41: {  	_ =	shalt  }
0x42: {  	_ =	shalt  }
0x43: {  	_ =	shalt  }
0x44: {  	_ =	shalt  }
0x45: {  	_ =	shalt  }
0x46: {  	_ =	shalt  }
0x47: {  	_ =	shalt  }
0x48: {  	_ =	shalt  }
0x49: {  	_ =	shalt  }
0x4a: {  	_ =	shalt  }
0x4b: {  	_ =	shalt  }
0x4c: {  	_ =	shalt  }
0x4d: {  	_ =	shalt  }
0x4e: {  	_ =	shalt  }
0x4f: {  	_ =	shalt  }
0x50: {  	_ =	shalt  }
0x51: {  	_ =	shalt  }
0x52: {  	_ =	shalt  }
0x53: {  	_ =	shalt  }
0x54: {  	_ =	shalt  }
0x55: {  	_ =	shalt  }
0x56: {  	_ =	shalt  }
0x57: {  	_ =	shalt  }
0x58: {  	_ =	shalt  }
0x59: {  	_ =	shalt  }
0x5a: {  	_ =	shalt  }
0x5b: {  	_ =	shalt  }
0x5c: {  	_ =	shalt  }
0x5d: {  	_ =	shalt  }
0x5e: {  	_ =	shalt  }
0x5f: {  	_ =	shalt  }
0x60: {  	_ =	shalt  }
0x61: {  	_ =	shalt  }
0x62: {  	_ =	shalt  }
0x63: {  	_ =	shalt  }
0x64: {  	_ =	shalt  }
0x65: {  	_ =	shalt  }
0x66: {  	_ =	shalt  }
0x67: {  	_ =	shalt  }
0x68: {  	_ =	shalt  }
0x69: {  	_ =	shalt  }
0x6a: {  	_ =	shalt  }
0x6b: {  	_ =	shalt  }
0x6c: {  	_ =	shalt  }
0x6d: {  	_ =	shalt  }
0x6e: {  	_ =	shalt  }
0x6f: {  	_ =	shalt  }
0x70: {  	_ =	shalt  }
0x71: {  	_ =	shalt  }
0x72: {  	_ =	shalt  }
0x73: {  	_ =	shalt  }
0x74: {  	_ =	shalt  }
0x75: {  	_ =	shalt  }
0x76: {  	_ =	shalt  }
0x77: {  	_ =	shalt  }
0x78: {  	_ =	shalt  }
0x79: {  	_ =	shalt  }
0x7a: {  	_ =	shalt  }
0x7b: {  	_ =	shalt  }
0x7c: {  	_ =	shalt  }
0x7d: {  	_ =	shalt  }
0x7e: {  	_ =	shalt  }
0x7f: {  	_ =	shalt  }
0x80: {  	_ =	shalt  }
0x81: {  	_ =	shalt  }
0x82: {  	_ =	shalt  }
0x83: {  	_ =	shalt  }
0x84: {  	_ =	shalt  }
0x85: {  	_ =	shalt  }
0x86: {  	_ =	shalt  }
0x87: {  	_ =	shalt  }
.Lfunc_end0:
.L_simem_size_0:
called_computation_lowered:
.L_overlay_start_0:
0x88: {  	s2 =	sld [smem:$0x3FD9]  }
0x89: {  	s3 =	sld [smem:$0x3FFE];
	_ =	sdelay $0x1  }
0x8a: {  	s1 =	srdreg.scid  }
0x8b: {  	s0 =	sand.u32 $0x1, s1  }
0x8c: {  	s17 =	sshll.u32 s0, $0xA;
	s2 =	sadd.s32 s3, s2  }
0x8d: {  	s2 =	sadd.s32 s2, s17  }
0x8e: {  	[smem:$0x3FC6] =	sst s2  }
0x8f: {  	_ = 	snop  }
0x90: {  	s2 =	sld [smem:$0x3FC9]  }
0x91: {  	s18 =	sld [smem:$0x3FD0];
	(tm) =	ssettm $0x1  }
0x92: {  	s4 =	sld [smem:$0x3FFB];
	_ =	sdelay $0x3  }
0x93: {  	_ =	strace s4  }
0x94: {  	s4 =	sld [smem:$0x3FFC];
	_ =	sdelay $0x3  }
0x95: {  	_ =	strace s4  }
0x96: {  	s4 =	sld [smem:$0x3FFD];
	_ =	sdelay $0x3  }
0x97: {  	_ =	strace s4  }
0x98: {  	_ =	strace $0x8FFFFFFF  }
0x99: {  	s19 =	sld [smem:$0x3FDB];
	_ =	sdelay $0x1  }
0x9a: {  	s5 =	simm.s32 $_scs_section_size  }
0x9b: {  	s6 =	simm.s32 $_size__tile_overlayer_lowered;
	s7 =	simm.s32 $_tile_overlayer_lowered  }
0x9c: {  	s22 =	simm.s32 $0x1BFF;
	s21 =	sshll.u32 s7, $0x1;
	s4 =	sadd.s32 s5, s19  }
0x9d: {  	s8 =	simm.s32 $0x0;
	s20 =	sshll.u32 s6, $0x1;
	s6 =	sadd.s32 s21, s4  }
0x9e: {  	[timem:s8], [sflag:s22] =	dma.local [hbm:s6], s20  }
0x9f: {  	_ =	swait.ge [sflag:s22], s20  }
0xa0: {  	s5 =	ssub.s32 $0x0, s20;
	[sflag:s22] =	ssyncset.done $0x0  }
0xa1: {  	[sflag:s22] =	ssyncadd.s32 s5;
	_ =	sdelay $0x1  }
0xa2: {  	s23 =	simm.s32 $0x1B8B  }
0xa3: {  	_ =	swait.ge [sflag:s23], $0x1  }
0xa4: {  	[sflag:s23] =	ssyncset.done $0x0  }
0xa5: {  	s25 =	simm.s32 $0x1B8E;
	s24 =	sld [smem:$0x3FFE];
	[sflag:s23] =	ssyncadd.s32 $0xFFFFFFFF  }
0xa6: {  	s26 =	simm.s32 $execute0_lowered;
	[smem:$0x3FD2] =	sst s25  }
0xa7: {  	s6 =	sshll.u32 s26, $0x1;
	_ =	strace $0x80000046;
	[dreg:$0x1] =	wrdreg $0xFFFFFFFF  }
0xa8: {  	s28 =	simm.s32 $_size_execute0_lowered;
	s4 =	sadd.s32 s4, s6;
	[dreg:$0x0] =	wrdreg $0x0  }
0xa9: {  	s6 =	sshll.u32 s28, $0x1;
	[dreg:$0x2] =	wrdreg s4  }
0xaa: {  	[dreg:$0x3] =	wrdreg s6  }
0xab: {  	[dreg:$0x4] =	wrdreg $0xC0  }
0xac: {  	_ =	task [dreg:s8], $0x5FFFF  }
0xad: {  	[dreg:$0x1] =	wrdreg $0xFFFFFFFF  }
0xae: {  	[dreg:$0x0] =	wrdreg $0x60  }
0xaf: {  	[dreg:$0x2] =	wrdreg s2  }
0xb0: {  	[dreg:$0x3] =	wrdreg s24  }
0xb1: {  	[dreg:$0x4] =	wrdreg s18  }
0xb2: {  	[dreg:$0x5] =	wrdreg $0x9  }
0xb3: {  	_ =	task.clear_ibuf [dreg:s8], $0x6FFFF;
	_ =	strace $0x90000046  }
0xb4: {  	s29 =	simm.s32 $0x9;
	_ =	strace $0x80000048  }
0xb5: {  	_ =	swait.ge [sflag:s29], $0x1  }
0xb6: {  	[sflag:s29] =	ssyncadd.s32 $0xFFFFFFFF  }
0xb7: {  	_ =	strace $0x90000048  }
0xb8: {  	_ =	sfence  }
0xb9: {  	s30 =	sld [smem:$0x0];
	_ =	sdelay $0x2  }
0xba: {  	s31 =	sshll.u32 s1, $0xD;
	s1 =	sshrl.u32 s1, $0x2  }
0xbb: {  	s3 =	sand.u32 $0x4000, s31;
	s1 =	sadd.s32 s1, s30  }
0xbc: {  	s0 =	sor.u32 s3, s0;
	s1 =	sshll.u32 s1, $0x11  }
0xbd: {  	s0 =	sor.u32 s1, s0  }
0xbe: {  	s0 =	sadd.s32 $0x8F2B, s0  }
0xbf: {  	[sflag:s0] =	ssyncadd.remote.s32 $0x1  }
0xc0: {  	_ =	sfence.sel $0xFFFF  }
0xc1: {  	[dreg:$0x0] =	wrdreg $0xFFFFFFFF;
	(pc) =	sbr.abs _section_cstart, $3  }
0xc2: {  	[dreg:$0x1] =	wrdreg $0xFFFFFFFF  }
0xc3: {  	_ =	task.clear_ibuf [dreg:s8], $0x2FFFF;
	_ =	strace $0x9FFFFFFF  }
0xc4: {  	(tm) =	ssettm $0x7FFFFFFF  }
0xc5: {  	_ =	shalt  }
tec
execute0_lowered:
.L_overlay_start_1:
0x0: {  	(tag) =	ssettag $0x1  }
0x1: {  	s1 =	rddreg [dreg:$0x0]  }
0x2: {  	s0 =	rddreg [dreg:$0x1]  }
0x3: {  	s2 =	srdreg.scid;
	s4 =	stileid.u32  }
0x4: {  	s3 =	rddreg [dreg:$0x2];
	v0 =	vlaneseq.u32;
	s2 =	sand.u32 $0x1, s2;
	s5 =	sshll.u32 s4, $0x1  }
0x5: {  	v1 =	vimm.s32 $0x0;
	vm0 =	vcmask $0x300;
	s4 =	simm.s32 $0x0;
	s7 =	sadd.s32 $0xF42800, s0;
	v0 =	vmul.u32 $0x88, v0;
	s5 =	sor.u32 s2, s5  }
0x6: {  	s10 =	sadd.s32 $0x10000, s3;
	v1 =	vsel vm0, $0x3, v1;
	[smem:$0x7FF] =	sst s4;
	s6 =	sshll.u32 s5, $0x7  }
0x7: {  	s2 =	ssub.s32 $0x2, s2;
	_ =	strace $0x80000047;
	v2 =	vadd.s32 $0x880, v0;
	v3 =	vor.u32 $0x1, v0;
	v4 =	vadd.s32 $0x881, v0;
	s6 =	sadd.s32 s1, s6  }
0x8: {  	s8 =	sshrl.u32 s2, $0x1;
	v5 =	vor.u32 $0x2, v0;
	v6 =	vadd.s32 $0x882, v0;
	v7 =	vor.u32 $0x3, v0;
	s30 =	sadd.s32 $0x40, s6;
	[dreg:$0x4] =	wrdreg s6  }
0x9: {  	v8 =	vadd.s32 $0x883, v0;
	v9 =	vor.u32 $0x4, v0;
	v10 =	vadd.s32 $0x884, v0;
	s29 =	ssub.s32 s2, s8;
	s31 =	sadd.s32 $0x1000, s6;
	[dreg:$0x5] =	wrdreg s30  }
0xa: {  	s11 =	sadd.s32 $0x20000, s3;
	v11 =	vor.u32 $0x5, v0;
	v12 =	vadd.s32 $0x885, v0;
	v13 =	vor.u32 $0x6, v0;
	s0 =	smax.u32 s29, $0x1;
	[dreg:$0x6] =	wrdreg s31  }
0xb: {  	s12 =	sadd.s32 $0x30000, s3;
	v14 =	vadd.s32 $0x886, v0;
	v15 =	vor.u32 $0x7, v0;
	v16 =	vadd.s32 $0x887, v0;
	s6 =	simm.s32 $0x0;
	[dreg:$0x7] =	wrdreg s0  }
.LBB2_1:
0xc: {  	[dreg:$0x8] =	wrdreg s6  }
0xd: {  	s0 =	rddreg [dreg:$0x4];
	s9 =	simm.s32 $0x1  }
0xe: {  	[tilespmem:s4], [sflag:$0x1] =	stream.linear.gather [hbm4b:s0+s4], $0x200, $0x38;
	[tilespmem:$0x19200] =	vst v63  }
0xf: {  	_ =	swait.ge [sflag:s9], $0x200  }
0x10: {  	[sflag:s9] =	ssyncset.done $0x0  }
0x11: {  	s2 =	simm.s32 $0x80;
	s13 =	simm.s32 $0x600;
	[sflag:s9] =	ssyncadd.s32 $0xFFFFFE00  }
0x12: {  	[tilespmem:s13], [sflag:$0x4] =	stream.indirect.gather [hbm4b:s7+s2], $0x20, s4, s2, $0xb8;
	[tilespmem:$0x19200] =	vst v63  }
0x13: {  	s14 =	simm.s32 $0x1600  }
0x14: {  	[tilespmem:s14], [sflag:$0x4] =	stream.indirect.gather [hbm4b:s7+s2], $0x20, s2, s2, $0xb8;
	[tilespmem:$0x19200] =	vst v63  }
0x15: {  	s15 =	simm.s32 $0x100;
	s16 =	simm.s32 $0x2600  }
0x16: {  	[tilespmem:s16], [sflag:$0x4] =	stream.indirect.gather [hbm4b:s7+s2], $0x20, s15, s2, $0xb8;
	[tilespmem:$0x19200] =	vst v63  }
0x17: {  	s17 =	simm.s32 $0x180;
	s18 =	simm.s32 $0x3600  }
0x18: {  	[tilespmem:s18], [sflag:$0x4] =	stream.indirect.gather [hbm4b:s7+s2], $0x20, s17, s2, $0xb8;
	[tilespmem:$0x19200] =	vst v63  }
0x19: {  	s20 =	simm.s32 $0x200;
	s21 =	simm.s32 $0x2;
	s19 =	rddreg [dreg:$0x5]  }
0x1a: {  	[tilespmem:s20], [sflag:$0x2] =	stream.linear.gather [hbm4b:s19+s4], $0x200, $0x38;
	[tilespmem:$0x19200] =	vst v63  }
0x1b: {  	_ =	swait.ge [sflag:s21], $0x200  }
0x1c: {  	[sflag:s21] =	ssyncset.done $0x0  }
0x1d: {  	s22 =	simm.s32 $0x4600;
	[sflag:s21] =	ssyncadd.s32 $0xFFFFFE00  }
0x1e: {  	[tilespmem:s22], [sflag:$0x5] =	stream.indirect.gather [hbm4b:s7+s2], $0x20, s20, s2, $0xb8;
	[tilespmem:$0x19200] =	vst v63  }
0x1f: {  	s23 =	simm.s32 $0x280;
	s24 =	simm.s32 $0x5600  }
0x20: {  	[tilespmem:s24], [sflag:$0x5] =	stream.indirect.gather [hbm4b:s7+s2], $0x20, s23, s2, $0xb8;
	[tilespmem:$0x19200] =	vst v63  }
0x21: {  	s25 =	simm.s32 $0x300;
	s26 =	simm.s32 $0x6600  }
0x22: {  	[tilespmem:s26], [sflag:$0x5] =	stream.indirect.gather [hbm4b:s7+s2], $0x20, s25, s2, $0xb8;
	[tilespmem:$0x19200] =	vst v63  }
0x23: {  	s28 =	simm.s32 $0x380;
	s29 =	simm.s32 $0x7600  }
0x24: {  	[tilespmem:s29], [sflag:$0x5] =	stream.indirect.gather [hbm4b:s7+s2], $0x20, s28, s2, $0xb8;
	[tilespmem:$0x19200] =	vst v63  }
0x25: {  	s31 =	simm.s32 $0x400;
	s19 =	simm.s32 $0x0;
	s30 =	rddreg [dreg:$0x6]  }
0x26: {  	[tilespmem:s31], [sflag:$0x3] =	stream.linear.gather [hbm4b:s30+s4], $0x200, $0x38;
	[tilespmem:$0x19200] =	vst v63  }
.LBB2_2:
0x27: {  	p0 =	sgt.u32 s19, $0xC5  }
0x28: {  	s2 =	sadd.s32 @!p0 $0x2, s19  }
0x29: {  	s6 =	sand.u32 @!p0 $0xFF, s2  }
0x2a: {  	s6 =	smul.u32 @!p0 $0xAB, s6;
	_ =	sdelay $0x1  }
0x2b: {  	s6 =	sshrl.u32 @!p0 s6, $0x9  }
0x2c: {  	s6 =	smul.u32 @!p0 $0x3, s6;
	_ =	sdelay $0x1  }
0x2d: {  	s22 =	smul.u32 $0xAB, s19;
	s2 =	ssub.s32 @!p0 s2, s6  }
0x2e: {  	s2 =	sand.u32 @!p0 $0xFF, s2  }
0x2f: {  	s20 =	simm.s32 @!p0 $0x80;
	s6 =	sshrl.u32 s22, $0x9;
	s8 =	sadd.s32 @!p0 $0x1, s2  }
0x30: {  	s6 =	sand.u32 $0x7F, s6;
	s9 =	sshll.u32 @!p0 s2, $0xE;
	_ =	swait.ge @!p0 [sflag:s8], $0x200  }
0x31: {  	s13 =	sshll.u32 @!p0 s2, $0x9;
	s14 =	sor.u32 @!p0 $0x4, s2;
	[sflag:s8] =	ssyncset.done @!p0 $0x0  }
0x32: {  	s23 =	smul.u32 $0x3, s6;
	[sflag:s8] =	ssyncadd.s32 @!p0 $0xFFFFFE00;
	s8 =	sor.u32 @!p0 $0x600, s9  }
0x33: {  	[tilespmem:s8], [sflag:s14] =	stream.indirect.gather @!p0 [hbm4b:s7+s20], $0x20, s13, s20, $0xb8;
	[tilespmem:$0x19200] =	vst v63  }
0x34: {  	s6 =	sor.u32 @!p0 $0x1600, s9;
	s2 =	ssub.s32 s19, s23;
	s8 =	sor.u32 @!p0 $0x80, s13  }
0x35: {  	[tilespmem:s6], [sflag:s14] =	stream.indirect.gather @!p0 [hbm4b:s7+s20], $0x20, s8, s20, $0xb8;
	[tilespmem:$0x19200] =	vst v63  }
0x36: {  	s2 =	sand.u32 $0xFF, s2;
	s6 =	sor.u32 @!p0 $0x2600, s9;
	s8 =	sor.u32 @!p0 $0x100, s13  }
0x37: {  	[tilespmem:s6], [sflag:s14] =	stream.indirect.gather @!p0 [hbm4b:s7+s20], $0x20, s8, s20, $0xb8;
	[tilespmem:$0x19200] =	vst v63  }
0x38: {  	s24 =	sadd.s32 $0x4, s2;
	s6 =	sor.u32 @!p0 $0x3600, s9;
	s8 =	sor.u32 @!p0 $0x180, s13  }
0x39: {  	[tilespmem:s6], [sflag:s14] =	stream.indirect.gather @!p0 [hbm4b:s7+s20], $0x20, s8, s20, $0xb8;
	[tilespmem:$0x19200] =	vst v63  }
0x3a: {  	_ =	swait.ge [sflag:s24], $0x1000  }
0x3b: {  	[sflag:s24] =	ssyncset.done $0x0  }
0x3c: {  	[sflag:s24] =	ssyncadd.s32 $0xFFFFF000  }
0x3d: {  	p0 =	sgt.u32 s19, $0xC4;
	_ =	swait.ge [sflag:s24], $0x1000  }
0x3e: {  	s8 =	sadd.s32 @!p0 $0x3, s19;
	s13 =	sshll.u32 @!p0 s2, $0x9;
	[sflag:s24] =	ssyncset.done $0x0  }
0x3f: {  	p1 =	slt.u32 @!p0 s19, $0x3;
	s6 =	sshll.u32 @!p0 s8, $0xB;
	[sflag:s24] =	ssyncadd.s32 $0xFFFFF000  }
0x40: {  	s9 =	sshll.u32 @!p0 s8, $0x4;
	s8 =	sshll.u32 @!p0 s8, $0x6;
	_ =	swait.ge [sflag:s24], $0x1000  }
0x41: {  	s6 =	sand.u32 @!p0 $0xFC000, s6;
	s9 =	sand.u32 @!p0 $0x60, s9;
	[sflag:s24] =	ssyncset.done $0x0  }
0x42: {  	s8 =	sand.u32 @!p0 $0x40, s8;
	s9 =	sor.u32 @!p0 s5, s9;
	[sflag:s24] =	ssyncadd.s32 $0xFFFFF000  }
0x43: {  	s6 =	sadd.s32 @!p0 s1, s6;
	s9 =	sshll.u32 @!p0 s9, $0x7;
	_ =	swait.ge [sflag:s24], $0x1000  }
0x44: {  	s6 =	sadd.s32 @!p0 s8, s6;
	s8 =	sadd.s32 @!p0 $0x1, s2;
	[sflag:s24] =	ssyncset.done $0x0  }
0x45: {  	s6 =	sadd.s32 @!p0 s9, s6;
	s9 =	simm.s32 @!p0 $0x0;
	[sflag:s24] =	ssyncadd.s32 $0xFFFFF000  }
0x46: {  	[tilespmem:s13], [sflag:s8] =	stream.linear.gather @!p0 [hbm4b:s6+s9], $0x200, $0x38;
	[tilespmem:$0x19200] =	vst v63  }
0x47: {  	s20 =	sadd.s32 $0x7, s2;
	p0 =	por p0, !p1  }
0x48: {  	s25 =	simm.s32 $0x0;
	_ =	swait.ge @p0 [sflag:s20], $0x1000  }
0x49: {  	s21 =	simm.s32 $0x0;
	s17 =	simm.s32 $0x0;
	[sflag:s20] =	ssyncset.done @p0 $0x0  }
0x4a: {  	s21 =	sand.u32 $0x3FFFF000, s21;
	s23 =	sand.u32 $0x78, s25;
	[sflag:s20] =	ssyncadd.s32 @p0 $0xFFFFF000  }
0x4b: {  	s0 =	sor.u32 $0x1, s23;
	s15 =	sor.u32 $0x4, s23;
	_ =	swait.ge @p0 [sflag:s20], $0x1000  }
0x4c: {  	v18 =	vmov s23;
	s16 =	sor.u32 $0x5, s23;
	s25 =	sor.u32 $0x7, s23;
	v19 =	vmov s0;
	v22 =	vmov s15;
	[sflag:s20] =	ssyncset.done @p0 $0x0  }
0x4d: {  	s22 =	sor.u32 $0x600, s21;
	s26 =	sshll.u32 s2, $0xE;
	v24 =	vmov s16;
	v18 =	vshrl.u32 v18, $0x3;
	v27 =	vmov s25;
	[sflag:s20] =	ssyncadd.s32 @p0 $0xFFFFF000  }
0x4e: {  	s25 =	sshll.u32 s25, $0x5;
	s16 =	sshll.u32 s16, $0x5;
	v17 =	vmov s26;
	v19 =	vshrl.u32 v19, $0x3;
	v22 =	vshrl.u32 v22, $0x3;
	_ =	swait.ge @p0 [sflag:s20], $0x1000  }
0x4f: {  	v24 =	vshrl.u32 v24, $0x3;
	v19 =	vshll.u32 v19, v1;
	v22 =	vshll.u32 v22, v1;
	s14 =	sshll.u32 s15, $0x5;
	s2 =	smul.u32 $0x11000, s2;
	[sflag:s20] =	ssyncset.done @p0 $0x0  }
0x50: {  	v18 =	vshll.u32 v18, v1;
	s29 =	sadd.s32 s25, s22;
	v22 =	vbroadcast v22, $0x0;
	v19 =	vbroadcast v19, $0x0;
	s26 =	sadd.s32 s14, s22;
	[sflag:s20] =	ssyncadd.s32 @p0 $0xFFFFF000  }
0x51: {  	v27 =	vshrl.u32 v27, $0x3;
	v24 =	vshll.u32 v24, v1;
	v29 =	vbroadcast v18, $0x0;
	s21 =	sshrl.u32 s2, $0x2;
	s24 =	sor.u32 $0x6, s23;
	_ =	swait.ge @p0 [sflag:s20], $0x1000  }
0x52: {  	v25 =	vadd.s32 v9, v22;
	v30 =	vadd.s32 v3, v19;
	s8 =	sor.u32 $0x2, s23;
	s6 =	sor.u32 $0x3, s23;
	v23 =	vmov s24;
	[sflag:s20] =	ssyncset.done @p0 $0x0  }
0x53: {  	s2 =	smul.u32 $0x4400, s17;
	s13 =	sshll.u32 s0, $0x5;
	v20 =	vmov s8;
	v21 =	vmov s6;
	v23 =	vshrl.u32 v23, $0x3;
	[sflag:s20] =	ssyncadd.s32 @p0 $0xFFFFF000  }
0x54: {  	s25 =	simm.s32 $0x8;
	s18 =	sshll.u32 s24, $0x5;
	s13 =	sadd.s32 s13, s22;
	v21 =	vshrl.u32 v21, $0x3;
	v18 =	vshrl.u32 v20, $0x3;
	v20 =	vshll.u32 v27, v1;
	v28 =	vld.idx.msk [tilespmem:v17+s26+$0x0 ss:$0x1], $0xffff  }
0x55: {  	s28 =	sshra.s32 s2, $0x2;
	s23 =	sshll.u32 s23, $0x5;
	s14 =	sadd.s32 s18, s22;
	v23 =	vshll.u32 v23, v1;
	v21 =	vshll.u32 v21, v1;
	v20 =	vbroadcast v20, $0x0;
	v27 =	vld.idx.msk [tilespmem:v17+s13+$0x0 ss:$0x1], $0xffff  }
0x56: {  	s24 =	sadd.s32 $0xC600, s21;
	s9 =	sshll.u32 s8, $0x5;
	s2 =	sadd.s32 s23, s22;
	v23 =	vbroadcast v23, $0x0;
	v18 =	vshll.u32 v18, v1;
	v21 =	vbroadcast v21, $0x0;
	v31 =	vld.idx.msk [tilespmem:v17+s14+$0x0 ss:$0x1], $0xffff  }
0x57: {  	s0 =	sshll.u32 s6, $0x5;
	s8 =	sadd.s32 s9, s22;
	s9 =	sand.u32 $0x78, s25;
	v36 =	vbroadcast v18, $0x0;
	v18 =	vbroadcast v24, $0x0;
	v34 =	vadd.s32 v15, v20;
	v24 =	vld.idx.msk [tilespmem:v17+s29+$0x0 ss:$0x1], $0xffff  }
0x58: {  	v33 =	vadd.s32 v0, v29;
	v22 =	vadd.s32 v10, v22;
	s23 =	sadd.s32 s0, s22;
	s17 =	sor.u32 $0x1, s9;
	s31 =	sor.u32 $0x2, s9;
	v26 =	vadd.s32 v13, v23;
	v35 =	vld.idx.msk [tilespmem:v17+s2+$0x0 ss:$0x1], $0xffff  }
0x59: {  	s15 =	sadd.s32 s16, s22;
	s28 =	sadd.s32 s28, s24;
	s6 =	sor.u32 $0x3, s9;
	v38 =	vmov s17;
	v40 =	vmov s31;
	v32 =	vadd.s32 v7, v21;
	v44 =	vld.idx.msk [tilespmem:v17+s23+$0x0 ss:$0x1], $0xffff  }
0x5a: {  	s18 =	sor.u32 $0x4, s9;
	v41 =	vmov s6;
	v37 =	vadd.s32 v12, v18;
	[tilespmem:v25+s28+$0x0] =	vst.idx.msk $0xffff, v28;
	v28 =	vadd.s32 v16, v20;
	v25 =	vld.idx.msk [tilespmem:v17+s15+$0x0 ss:$0x1], $0xffff  }
0x5b: {  	s0 =	sor.u32 $0x6, s9;
	v42 =	vmov s18;
	v20 =	vadd.s32 v11, v18;
	[tilespmem:v30+s28+$0x0] =	vst.idx.msk $0xffff, v27;
	v18 =	vadd.s32 v8, v21;
	v21 =	vld.idx.msk [tilespmem:v17+s8+$0x0 ss:$0x1], $0xffff  }
0x5c: {  	v43 =	vmov s0;
	v39 =	vadd.s32 v14, v23;
	v23 =	vadd.s32 v4, v19;
	[tilespmem:v34+s28+$0x0] =	vst.idx.msk $0xffff, v24;
	v19 =	vld.idx.msk [tilespmem:v17+s26+$0x10 ss:$0x1], $0xffff  }
0x5d: {  	v57 =	vshrl.u32 v43, $0x3;
	v30 =	vadd.s32 v5, v36;
	v24 =	vshrl.u32 v42, $0x3;
	[tilespmem:v26+s28+$0x0] =	vst.idx.msk $0xffff, v31;
	v58 =	vld.idx.msk [tilespmem:v17+s29+$0x10 ss:$0x1], $0xffff  }
0x5e: {  	v38 =	vshrl.u32 v38, $0x3;
	v31 =	vshll.u32 v57, v1;
	v24 =	vshll.u32 v24, v1;
	v59 =	vld.idx.msk [tilespmem:v17+s14+$0x10 ss:$0x1], $0xffff  }
0x5f: {  	s16 =	simm.s32 $0x100;
	s30 =	sor.u32 $0x5, s9;
	v60 =	vshrl.u32 v41, $0x3;
	[tilespmem:v32+s28+$0x0] =	vst.idx.msk $0xffff, v44;
	v45 =	vbroadcast v31, $0x0;
	v46 =	vld.idx.msk [tilespmem:v17+s13+$0x10 ss:$0x1], $0xffff;
	v61 =	vbroadcast v24, $0x0  }
0x60: {  	s16 =	sand.u32 $0x3FFFF000, s16;
	v56 =	vmov s30;
	v26 =	vshll.u32 v38, v1;
	[tilespmem:v33+s28+$0x0] =	vst.idx.msk $0xffff, v35;
	v32 =	vadd.s32 v2, v29;
	v33 =	vld.idx.msk [tilespmem:v17+s23+$0x10 ss:$0x1], $0xffff  }
0x61: {  	s22 =	sshll.u32 s18, $0x5;
	s18 =	sshll.u32 s9, $0x5;
	v27 =	vmov s9;
	s14 =	sor.u32 $0x600, s16;
	v35 =	vld.idx.msk [tilespmem:v17+s2+$0x10 ss:$0x1], $0xffff;
	v24 =	vadd.s32 v13, v45;
	v48 =	vadd.s32 v9, v61;
	[tilespmem:v20+s28+$0x0] =	vst.idx.msk $0xffff, v25  }
0x62: {  	s26 =	sshll.u32 s17, $0x5;
	s17 =	sshll.u32 s31, $0x5;
	s31 =	sadd.s32 s18, s14;
	v20 =	vshrl.u32 v27, $0x3;
	v25 =	vbroadcast v26, $0x0;
	[tilespmem:v30+s28+$0x0] =	vst.idx.msk $0xffff, v21;
	v21 =	vshll.u32 v60, v1;
	v47 =	vld.idx.msk [tilespmem:v17+s15+$0x10 ss:$0x1], $0xffff  }
0x63: {  	s22 =	sadd.s32 s22, s14;
	v29 =	vld.idx.msk [tilespmem:v17+s31+$0x0 ss:$0x1], $0xffff;
	v27 =	vshrl.u32 v56, $0x3;
	v20 =	vshll.u32 v20, v1;
	v26 =	vbroadcast v21, $0x0;
	[tilespmem:v22+s28+$0x0] =	vst.idx.msk $0xffff, v19;
	s15 =	sor.u32 $0x7, s9  }
0x64: {  	s0 =	sshll.u32 s0, $0x5;
	s16 =	simm.s32 $0x0;
	s26 =	sadd.s32 s26, s14;
	v49 =	vshll.u32 v27, v1;
	v22 =	vld.idx.msk [tilespmem:v17+s22+$0x0 ss:$0x1], $0xffff;
	[tilespmem:v28+s28+$0x0] =	vst.idx.msk $0xffff, v58;
	v19 =	vbroadcast v20, $0x0;
	v62 =	vmov s15  }
0x65: {  	s29 =	sadd.s32 s0, s14;
	s0 =	smul.u32 $0x4400, s16;
	v30 =	vld.idx.msk [tilespmem:v17+s26+$0x0 ss:$0x1], $0xffff;
	[tilespmem:v23+s28+$0x0] =	vst.idx.msk $0xffff, v46;
	v31 =	vadd.s32 v3, v25;
	v20 =	vshrl.u32 v40, $0x3;
	v63 =	vshrl.u32 v62, $0x3  }
0x66: {  	v34 =	vld.idx.msk [tilespmem:v17+s8+$0x10 ss:$0x1], $0xffff;
	v40 =	vshll.u32 v20, v1;
	v20 =	vadd.s32 v7, v26;
	v28 =	vshll.u32 v63, v1  }
0x67: {  	s6 =	sshll.u32 s6, $0x5;
	s0 =	sshra.s32 s0, $0x2;
	s13 =	sshll.u32 s15, $0x5;
	v21 =	vadd.s32 v0, v19;
	v38 =	vbroadcast v28, $0x0;
	[tilespmem:v37+s28+$0x0] =	vst.idx.msk $0xffff, v47;
	v37 =	vadd.s32 v6, v36  }
0x68: {  	s23 =	sshll.u32 s30, $0x5;
	s30 =	sadd.s32 s0, s24;
	v27 =	vld.idx.msk [tilespmem:v17+s29+$0x0 ss:$0x1], $0xffff;
	[tilespmem:v39+s28+$0x0] =	vst.idx.msk $0xffff, v59;
	s13 =	sadd.s32 s13, s14;
	v23 =	vbroadcast v40, $0x0;
	v40 =	vbroadcast v49, $0x0;
	v28 =	vadd.s32 v10, v61  }
0x69: {  	s2 =	sadd.s32 s17, s14;
	s8 =	sadd.s32 s6, s14;
	s9 =	sadd.s32 s23, s14;
	v36 =	vld.idx.msk [tilespmem:v17+s13+$0x0 ss:$0x1], $0xffff;
	[tilespmem:v48+s30+$0x0] =	vst.idx.msk $0xffff, v22;
	v22 =	vadd.s32 v14, v45;
	v39 =	vadd.s32 v15, v38  }
.LBB2_3:
0x6a: {  	s25 =	sadd.s32 $0x8, s25;
	[tilespmem:v31+s30+$0x0] =	vst.idx.msk $0xffff, v30;
	v41 =	vadd.s32 v4, v25;
	v31 =	vld.idx.msk [tilespmem:v17+s22+$0x10 ss:$0x1], $0xffff;
	v38 =	vadd.s32 v16, v38  }
0x6b: {  	v30 =	vadd.s32 v11, v40;
	v40 =	vadd.s32 v12, v40;
	s0 =	sshrl.u32 s25, $0x7;
	s6 =	sand.u32 $0x78, s25;
	s14 =	sshll.u32 s25, $0x5;
	v25 =	vld.idx.msk [tilespmem:v17+s9+$0x0 ss:$0x1], $0xffff;
	[tilespmem:v18+s28+$0x0] =	vst.idx.msk $0xffff, v33  }
0x6c: {  	v43 =	vadd.s32 v5, v23;
	v18 =	vadd.s32 v8, v26;
	v33 =	vmov s6;
	s15 =	sor.u32 $0x1, s6;
	s16 =	sor.u32 $0x2, s6;
	s22 =	sor.u32 $0x3, s6;
	v42 =	vld.idx.msk [tilespmem:v17+s2+$0x0 ss:$0x1], $0xffff;
	[tilespmem:v37+s28+$0x0] =	vst.idx.msk $0xffff, v34  }
0x6d: {  	s23 =	sor.u32 $0x4, s6;
	s17 =	sor.u32 $0x5, s6;
	s18 =	sor.u32 $0x6, s6;
	v26 =	vmov s15;
	v34 =	vmov s16;
	v37 =	vmov s22;
	[tilespmem:v32+s28+$0x0] =	vst.idx.msk $0xffff, v35  }
0x6e: {  	s28 =	sand.u32 $0x3FFFF000, s14;
	v32 =	vmov s23;
	s23 =	sshll.u32 s23, $0x5;
	v35 =	vmov s18;
	s14 =	sor.u32 $0x7, s6;
	v26 =	vshrl.u32 v26, $0x3;
	v44 =	vld.idx.msk [tilespmem:v17+s8+$0x0 ss:$0x1], $0xffff;
	[tilespmem:v39+s30+$0x0] =	vst.idx.msk $0xffff, v36  }
0x6f: {  	s0 =	smul.u32 $0x4400, s0;
	s15 =	sshll.u32 s15, $0x5;
	s18 =	sshll.u32 s18, $0x5;
	v32 =	vshrl.u32 v32, $0x3;
	v36 =	vmov s17;
	v35 =	vshrl.u32 v35, $0x3;
	[tilespmem:v24+s30+$0x0] =	vst.idx.msk $0xffff, v27;
	v39 =	vld.idx.msk [tilespmem:v17+s13+$0x10 ss:$0x1], $0xffff  }
0x70: {  	s28 =	sor.u32 $0x600, s28;
	v24 =	vshll.u32 v26, v1;
	s13 =	sshll.u32 s16, $0x5;
	s16 =	sshll.u32 s22, $0x5;
	v26 =	vshll.u32 v32, v1;
	v27 =	vshll.u32 v35, v1;
	v45 =	vld.idx.msk [tilespmem:v17+s29+$0x10 ss:$0x1], $0xffff  }
0x71: {  	s0 =	sshra.s32 s0, $0x2;
	v32 =	vshrl.u32 v37, $0x3;
	s22 =	sadd.s32 s23, s28;
	v46 =	vbroadcast v26, $0x0;
	s29 =	sadd.s32 s18, s28;
	v47 =	vbroadcast v27, $0x0;
	v37 =	vld.idx.msk [tilespmem:v17+s26+$0x10 ss:$0x1], $0xffff;
	[tilespmem:v30+s30+$0x0] =	vst.idx.msk $0xffff, v25  }
0x72: {  	v26 =	vshrl.u32 v33, $0x3;
	v27 =	vshrl.u32 v36, $0x3;
	s26 =	sadd.s32 s15, s28;
	v25 =	vbroadcast v24, $0x0;
	s15 =	sadd.s32 s13, s28;
	s13 =	sshll.u32 s14, $0x5;
	[tilespmem:v43+s30+$0x0] =	vst.idx.msk $0xffff, v42;
	v35 =	vld.idx.msk [tilespmem:v17+s9+$0x10 ss:$0x1], $0xffff  }
0x73: {  	s6 =	sshll.u32 s6, $0x5;
	v32 =	vshll.u32 v32, v1;
	v42 =	vadd.s32 v9, v46;
	s9 =	sshll.u32 s17, $0x5;
	v24 =	vadd.s32 v13, v47;
	s13 =	sadd.s32 s13, s28;
	v30 =	vld.idx.msk [tilespmem:v17+s26+$0x0 ss:$0x1], $0xffff  }
0x74: {  	s6 =	sadd.s32 s6, s28;
	s16 =	sadd.s32 s16, s28;
	v33 =	vshll.u32 v26, v1;
	v26 =	vbroadcast v32, $0x0;
	v36 =	vshll.u32 v27, v1;
	s9 =	sadd.s32 s9, s28;
	[tilespmem:v28+s30+$0x0] =	vst.idx.msk $0xffff, v31  }
0x75: {  	p0 =	slt.u32 s25, $0x1F8;
	v27 =	vshrl.u32 v34, $0x3;
	s28 =	smov.u32 s30;
	v28 =	vbroadcast v33, $0x0;
	v31 =	vadd.s32 v3, v25;
	v43 =	vld.idx.msk [tilespmem:v17+s22+$0x0 ss:$0x1], $0xffff;
	[tilespmem:v21+s30+$0x0] =	vst.idx.msk $0xffff, v29  }
0x76: {  	v32 =	vmov s14;
	v29 =	vshll.u32 v27, v1;
	v27 =	vld.idx.msk [tilespmem:v17+s29+$0x0 ss:$0x1], $0xffff;
	[tilespmem:v20+s28+$0x0] =	vst.idx.msk $0xffff, v44;
	v20 =	vadd.s32 v7, v26  }
.Ltmp0:
0x77: {  	v32 =	vshrl.u32 v32, $0x3;
	s30 =	sadd.s32 s0, s24;
	v21 =	vadd.s32 v0, v28;
	v29 =	vbroadcast v29, $0x0;
	v33 =	vld.idx.msk [tilespmem:v17+s8+$0x10 ss:$0x1], $0xffff;
	[tilespmem:v38+s28+$0x0] =	vst.idx.msk $0xffff, v39;
	s8 =	smov.u32 s16;
	(pc) =	sbr.rel @p0 .LBB2_3-.Ltmp0, $4  }
0x78: {  	v38 =	vshll.u32 v32, v1;
	v32 =	vadd.s32 v2, v19;
	v34 =	vld.idx.msk [tilespmem:v17+s2+$0x10 ss:$0x1], $0xffff;
	[tilespmem:v40+s28+$0x0] =	vst.idx.msk $0xffff, v35;
	s2 =	smov.u32 s15  }
0x79: {  	v19 =	vmov v28;
	v38 =	vbroadcast v38, $0x0;
	v35 =	vld.idx.msk [tilespmem:v17+s31+$0x10 ss:$0x1], $0xffff;
	[tilespmem:v41+s28+$0x0] =	vst.idx.msk $0xffff, v37;
	v37 =	vadd.s32 v6, v23;
	s31 =	smov.u32 s6  }
0x7a: {  	v28 =	vadd.s32 v10, v46;
	v40 =	vbroadcast v36, $0x0;
	v23 =	vmov v29;
	v36 =	vld.idx.msk [tilespmem:v17+s13+$0x0 ss:$0x1], $0xffff;
	[tilespmem:v22+s28+$0x0] =	vst.idx.msk $0xffff, v45  }
0x7b: {  	v22 =	vadd.s32 v14, v47;
	v39 =	vadd.s32 v15, v38;
	v29 =	vld.idx.msk [tilespmem:v17+s31+$0x0 ss:$0x1], $0xffff;
	[tilespmem:v42+s30+$0x0] =	vst.idx.msk $0xffff, v43  }
0x7c: {  	_ =	sdelay $0x3  }
0x7d: {  	[tilespmem:v31+s30+$0x0] =	vst.idx.msk $0xffff, v30  }
0x7e: {  	[tilespmem:v18+s28+$0x0] =	vst.idx.msk $0xffff, v33  }
0x7f: {  	v50 =	vld.idx.msk [tilespmem:v17+s9+$0x0 ss:$0x1], $0xffff;
	v51 =	vadd.s32 v11, v40;
	[tilespmem:v24+s30+$0x0] =	vst.idx.msk $0xffff, v27  }
0x80: {  	v18 =	vld.idx.msk [tilespmem:v17+s2+$0x0 ss:$0x1], $0xffff;
	v52 =	vadd.s32 v5, v23;
	[tilespmem:v37+s28+$0x0] =	vst.idx.msk $0xffff, v34  }
0x81: {  	v54 =	vld.idx.msk [tilespmem:v17+s8+$0x0 ss:$0x1], $0xffff;
	[tilespmem:v32+s28+$0x0] =	vst.idx.msk $0xffff, v35  }
0x82: {  	v53 =	vld.idx.msk [tilespmem:v17+s22+$0x10 ss:$0x1], $0xffff;
	[tilespmem:v39+s30+$0x0] =	vst.idx.msk $0xffff, v36  }
0x83: {  	v25 =	vadd.s32 v4, v25;
	v58 =	vld.idx.msk [tilespmem:v17+s26+$0x10 ss:$0x1], $0xffff;
	[tilespmem:v21+s30+$0x0] =	vst.idx.msk $0xffff, v29  }
0x84: {  	v59 =	vld.idx.msk [tilespmem:v17+s29+$0x10 ss:$0x1], $0xffff;
	[tilespmem:v51+s30+$0x0] =	vst.idx.msk $0xffff, v50  }
0x85: {  	v55 =	vadd.s32 v16, v38;
	v56 =	vld.idx.msk [tilespmem:v17+s13+$0x10 ss:$0x1], $0xffff;
	[tilespmem:v52+s30+$0x0] =	vst.idx.msk $0xffff, v18  }
0x86: {  	v57 =	vadd.s32 v12, v40;
	[tilespmem:v20+s30+$0x0] =	vst.idx.msk $0xffff, v54;
	v18 =	vld.idx.msk [tilespmem:v17+s9+$0x10 ss:$0x1], $0xffff  }
0x87: {  	v60 =	vadd.s32 v8, v26;
	[tilespmem:v28+s30+$0x0] =	vst.idx.msk $0xffff, v53;
	v61 =	vld.idx.msk [tilespmem:v17+s8+$0x10 ss:$0x1], $0xffff  }
0x88: {  	v63 =	vadd.s32 v6, v23;
	v62 =	vld.idx.msk [tilespmem:v17+s2+$0x10 ss:$0x1], $0xffff;
	[tilespmem:v25+s30+$0x0] =	vst.idx.msk $0xffff, v58  }
0x89: {  	v19 =	vadd.s32 v2, v19;
	s0 =	sshll.u32 s19, $0x4;
	v17 =	vld.idx.msk [tilespmem:v17+s31+$0x10 ss:$0x1], $0xffff;
	s31 =	sshll.u32 s19, $0x2;
	[tilespmem:v22+s30+$0x0] =	vst.idx.msk $0xffff, v59  }
0x8a: {  	s6 =	sand.u32 $0xF8, s19;
	s0 =	sand.u32 $0x60, s0;
	s2 =	sand.u32 $0x4, s31;
	[tilespmem:v55+s30+$0x0] =	vst.idx.msk $0xffff, v56  }
0x8b: {  	s0 =	sor.u32 s5, s0;
	s2 =	sor.u32 s6, s2;
	[tilespmem:v57+s30+$0x0] =	vst.idx.msk $0xffff, v18  }
0x8c: {  	s0 =	sshll.u32 s0, $0x7;
	s2 =	sshll.u32 s2, $0x10;
	[tilespmem:v60+s30+$0x0] =	vst.idx.msk $0xffff, v61  }
0x8d: {  	s25 =	sor.u32 s0, s2;
	[tilespmem:v63+s30+$0x0] =	vst.idx.msk $0xffff, v62  }
0x8e: {  	[tilespmem:v19+s30+$0x0] =	vst.idx.msk $0xffff, v17;
	s2 =	sadd.s32 s3, s25  }
0x8f: {  	[hbm4b:s2+s4] =	stream.linear.scatter [tilespmem:s24], [sflag:s20], $0x80, $0x38;
	[tilespmem:$0x19200] =	vst v63  }
0x90: {  	s8 =	sadd.s32 $0xC688, s21;
	s9 =	sadd.s32 $0x10, s2  }
0x91: {  	[hbm4b:s9+s4] =	stream.linear.scatter [tilespmem:s8], [sflag:s20], $0x80, $0x38;
	[tilespmem:$0x19200] =	vst v63  }
0x92: {  	s13 =	sadd.s32 $0xC710, s21;
	s14 =	sadd.s32 $0x20, s2  }
0x93: {  	[hbm4b:s14+s4] =	stream.linear.scatter [tilespmem:s13], [sflag:s20], $0x80, $0x38;
	[tilespmem:$0x19200] =	vst v63  }
0x94: {  	s15 =	sadd.s32 $0xC798, s21;
	s16 =	sadd.s32 $0x30, s2  }
0x95: {  	[hbm4b:s16+s4] =	stream.linear.scatter [tilespmem:s15], [sflag:s20], $0x80, $0x38;
	[tilespmem:$0x19200] =	vst v63  }
0x96: {  	s17 =	sadd.s32 $0xC820, s21;
	s18 =	sadd.s32 $0x40, s2  }
0x97: {  	[hbm4b:s18+s4] =	stream.linear.scatter [tilespmem:s17], [sflag:s20], $0x80, $0x38;
	[tilespmem:$0x19200] =	vst v63  }
0x98: {  	s22 =	sadd.s32 $0xC8A8, s21;
	s23 =	sadd.s32 $0x50, s2  }
0x99: {  	[hbm4b:s23+s4] =	stream.linear.scatter [tilespmem:s22], [sflag:s20], $0x80, $0x38;
	[tilespmem:$0x19200] =	vst v63  }
0x9a: {  	s24 =	sadd.s32 $0xC930, s21;
	s26 =	sadd.s32 $0x60, s2  }
0x9b: {  	[hbm4b:s26+s4] =	stream.linear.scatter [tilespmem:s24], [sflag:s20], $0x80, $0x38;
	[tilespmem:$0x19200] =	vst v63  }
0x9c: {  	s28 =	sadd.s32 $0xC9B8, s21;
	s29 =	sadd.s32 $0x70, s2  }
0x9d: {  	[hbm4b:s29+s4] =	stream.linear.scatter [tilespmem:s28], [sflag:s20], $0x80, $0x38;
	[tilespmem:$0x19200] =	vst v63  }
0x9e: {  	s30 =	sadd.s32 $0xCA40, s21;
	s31 =	sadd.s32 $0x4000, s2  }
0x9f: {  	[hbm4b:s31+s4] =	stream.linear.scatter [tilespmem:s30], [sflag:s20], $0x80, $0x38;
	[tilespmem:$0x19200] =	vst v63  }
0xa0: {  	s8 =	sadd.s32 $0xCAC8, s21;
	s9 =	sadd.s32 $0x4010, s2  }
0xa1: {  	[hbm4b:s9+s4] =	stream.linear.scatter [tilespmem:s8], [sflag:s20], $0x80, $0x38;
	[tilespmem:$0x19200] =	vst v63  }
0xa2: {  	s13 =	sadd.s32 $0xCB50, s21;
	s14 =	sadd.s32 $0x4020, s2  }
0xa3: {  	[hbm4b:s14+s4] =	stream.linear.scatter [tilespmem:s13], [sflag:s20], $0x80, $0x38;
	[tilespmem:$0x19200] =	vst v63  }
0xa4: {  	s15 =	sadd.s32 $0xCBD8, s21;
	s16 =	sadd.s32 $0x4030, s2  }
0xa5: {  	[hbm4b:s16+s4] =	stream.linear.scatter [tilespmem:s15], [sflag:s20], $0x80, $0x38;
	[tilespmem:$0x19200] =	vst v63  }
0xa6: {  	s17 =	sadd.s32 $0xCC60, s21;
	s18 =	sadd.s32 $0x4040, s2  }
0xa7: {  	[hbm4b:s18+s4] =	stream.linear.scatter [tilespmem:s17], [sflag:s20], $0x80, $0x38;
	[tilespmem:$0x19200] =	vst v63  }
0xa8: {  	s22 =	sadd.s32 $0xCCE8, s21;
	s23 =	sadd.s32 $0x4050, s2  }
0xa9: {  	[hbm4b:s23+s4] =	stream.linear.scatter [tilespmem:s22], [sflag:s20], $0x80, $0x38;
	[tilespmem:$0x19200] =	vst v63  }
0xaa: {  	s24 =	sadd.s32 $0xCD70, s21;
	s26 =	sadd.s32 $0x4060, s2  }
0xab: {  	[hbm4b:s26+s4] =	stream.linear.scatter [tilespmem:s24], [sflag:s20], $0x80, $0x38;
	[tilespmem:$0x19200] =	vst v63  }
0xac: {  	s28 =	sadd.s32 $0xCDF8, s21;
	s29 =	sadd.s32 $0x4070, s2  }
0xad: {  	[hbm4b:s29+s4] =	stream.linear.scatter [tilespmem:s28], [sflag:s20], $0x80, $0x38;
	[tilespmem:$0x19200] =	vst v63  }
0xae: {  	s30 =	sadd.s32 $0xCE80, s21;
	s31 =	sadd.s32 $0x8000, s2  }
0xaf: {  	[hbm4b:s31+s4] =	stream.linear.scatter [tilespmem:s30], [sflag:s20], $0x80, $0x38;
	[tilespmem:$0x19200] =	vst v63  }
0xb0: {  	s8 =	sadd.s32 $0xCF08, s21;
	s9 =	sadd.s32 $0x8010, s2  }
0xb1: {  	[hbm4b:s9+s4] =	stream.linear.scatter [tilespmem:s8], [sflag:s20], $0x80, $0x38;
	[tilespmem:$0x19200] =	vst v63  }
0xb2: {  	s13 =	sadd.s32 $0xCF90, s21;
	s14 =	sadd.s32 $0x8020, s2  }
0xb3: {  	[hbm4b:s14+s4] =	stream.linear.scatter [tilespmem:s13], [sflag:s20], $0x80, $0x38;
	[tilespmem:$0x19200] =	vst v63  }
0xb4: {  	s15 =	sadd.s32 $0xD018, s21;
	s16 =	sadd.s32 $0x8030, s2  }
0xb5: {  	[hbm4b:s16+s4] =	stream.linear.scatter [tilespmem:s15], [sflag:s20], $0x80, $0x38;
	[tilespmem:$0x19200] =	vst v63  }
0xb6: {  	s17 =	sadd.s32 $0xD0A0, s21;
	s18 =	sadd.s32 $0x8040, s2  }
0xb7: {  	[hbm4b:s18+s4] =	stream.linear.scatter [tilespmem:s17], [sflag:s20], $0x80, $0x38;
	[tilespmem:$0x19200] =	vst v63  }
0xb8: {  	s22 =	sadd.s32 $0xD128, s21;
	s23 =	sadd.s32 $0x8050, s2  }
0xb9: {  	[hbm4b:s23+s4] =	stream.linear.scatter [tilespmem:s22], [sflag:s20], $0x80, $0x38;
	[tilespmem:$0x19200] =	vst v63  }
0xba: {  	s24 =	sadd.s32 $0xD1B0, s21;
	s26 =	sadd.s32 $0x8060, s2  }
0xbb: {  	[hbm4b:s26+s4] =	stream.linear.scatter [tilespmem:s24], [sflag:s20], $0x80, $0x38;
	[tilespmem:$0x19200] =	vst v63  }
0xbc: {  	s28 =	sadd.s32 $0xD238, s21;
	s29 =	sadd.s32 $0x8070, s2  }
0xbd: {  	[hbm4b:s29+s4] =	stream.linear.scatter [tilespmem:s28], [sflag:s20], $0x80, $0x38;
	[tilespmem:$0x19200] =	vst v63  }
0xbe: {  	s30 =	sadd.s32 $0xD2C0, s21;
	s31 =	sadd.s32 $0xC000, s2  }
0xbf: {  	[hbm4b:s31+s4] =	stream.linear.scatter [tilespmem:s30], [sflag:s20], $0x80, $0x38;
	[tilespmem:$0x19200] =	vst v63  }
0xc0: {  	s8 =	sadd.s32 $0xD348, s21;
	s9 =	sadd.s32 $0xC010, s2  }
0xc1: {  	[hbm4b:s9+s4] =	stream.linear.scatter [tilespmem:s8], [sflag:s20], $0x80, $0x38;
	[tilespmem:$0x19200] =	vst v63  }
0xc2: {  	s13 =	sadd.s32 $0xD3D0, s21;
	s14 =	sadd.s32 $0xC020, s2  }
0xc3: {  	[hbm4b:s14+s4] =	stream.linear.scatter [tilespmem:s13], [sflag:s20], $0x80, $0x38;
	[tilespmem:$0x19200] =	vst v63  }
0xc4: {  	s15 =	sadd.s32 $0xD458, s21;
	s16 =	sadd.s32 $0xC030, s2  }
0xc5: {  	[hbm4b:s16+s4] =	stream.linear.scatter [tilespmem:s15], [sflag:s20], $0x80, $0x38;
	[tilespmem:$0x19200] =	vst v63  }
0xc6: {  	s17 =	sadd.s32 $0xD4E0, s21;
	s18 =	sadd.s32 $0xC040, s2  }
0xc7: {  	[hbm4b:s18+s4] =	stream.linear.scatter [tilespmem:s17], [sflag:s20], $0x80, $0x38;
	[tilespmem:$0x19200] =	vst v63  }
0xc8: {  	s22 =	sadd.s32 $0xD568, s21;
	s23 =	sadd.s32 $0xC050, s2  }
0xc9: {  	[hbm4b:s23+s4] =	stream.linear.scatter [tilespmem:s22], [sflag:s20], $0x80, $0x38;
	[tilespmem:$0x19200] =	vst v63  }
0xca: {  	s24 =	sadd.s32 $0xD5F0, s21;
	s26 =	sadd.s32 $0xC060, s2  }
0xcb: {  	[hbm4b:s26+s4] =	stream.linear.scatter [tilespmem:s24], [sflag:s20], $0x80, $0x38;
	[tilespmem:$0x19200] =	vst v63  }
0xcc: {  	s2 =	sadd.s32 $0xC070, s2;
	s28 =	sadd.s32 $0xD678, s21  }
0xcd: {  	[hbm4b:s2+s4] =	stream.linear.scatter [tilespmem:s28], [sflag:s20], $0x80, $0x38;
	[tilespmem:$0x19200] =	vst v63  }
0xce: {  	s29 =	sadd.s32 $0xD700, s21;
	s2 =	sadd.s32 s25, s10  }
0xcf: {  	[hbm4b:s2+s4] =	stream.linear.scatter [tilespmem:s29], [sflag:s20], $0x80, $0x38;
	[tilespmem:$0x19200] =	vst v63  }
0xd0: {  	s30 =	sadd.s32 $0xD788, s21;
	s31 =	sadd.s32 $0x10, s2  }
0xd1: {  	[hbm4b:s31+s4] =	stream.linear.scatter [tilespmem:s30], [sflag:s20], $0x80, $0x38;
	[tilespmem:$0x19200] =	vst v63  }
0xd2: {  	s8 =	sadd.s32 $0xD810, s21;
	s9 =	sadd.s32 $0x20, s2  }
0xd3: {  	[hbm4b:s9+s4] =	stream.linear.scatter [tilespmem:s8], [sflag:s20], $0x80, $0x38;
	[tilespmem:$0x19200] =	vst v63  }
0xd4: {  	s13 =	sadd.s32 $0xD898, s21;
	s14 =	sadd.s32 $0x30, s2  }
0xd5: {  	[hbm4b:s14+s4] =	stream.linear.scatter [tilespmem:s13], [sflag:s20], $0x80, $0x38;
	[tilespmem:$0x19200] =	vst v63  }
0xd6: {  	s15 =	sadd.s32 $0xD920, s21;
	s16 =	sadd.s32 $0x40, s2  }
0xd7: {  	[hbm4b:s16+s4] =	stream.linear.scatter [tilespmem:s15], [sflag:s20], $0x80, $0x38;
	[tilespmem:$0x19200] =	vst v63  }
0xd8: {  	s17 =	sadd.s32 $0xD9A8, s21;
	s18 =	sadd.s32 $0x50, s2  }
0xd9: {  	[hbm4b:s18+s4] =	stream.linear.scatter [tilespmem:s17], [sflag:s20], $0x80, $0x38;
	[tilespmem:$0x19200] =	vst v63  }
0xda: {  	s22 =	sadd.s32 $0xDA30, s21;
	s23 =	sadd.s32 $0x60, s2  }
0xdb: {  	[hbm4b:s23+s4] =	stream.linear.scatter [tilespmem:s22], [sflag:s20], $0x80, $0x38;
	[tilespmem:$0x19200] =	vst v63  }
0xdc: {  	s24 =	sadd.s32 $0xDAB8, s21;
	s26 =	sadd.s32 $0x70, s2  }
0xdd: {  	[hbm4b:s26+s4] =	stream.linear.scatter [tilespmem:s24], [sflag:s20], $0x80, $0x38;
	[tilespmem:$0x19200] =	vst v63  }
0xde: {  	s28 =	sadd.s32 $0xDB40, s21;
	s29 =	sadd.s32 $0x4000, s2  }
0xdf: {  	[hbm4b:s29+s4] =	stream.linear.scatter [tilespmem:s28], [sflag:s20], $0x80, $0x38;
	[tilespmem:$0x19200] =	vst v63  }
0xe0: {  	s30 =	sadd.s32 $0xDBC8, s21;
	s31 =	sadd.s32 $0x4010, s2  }
0xe1: {  	[hbm4b:s31+s4] =	stream.linear.scatter [tilespmem:s30], [sflag:s20], $0x80, $0x38;
	[tilespmem:$0x19200] =	vst v63  }
0xe2: {  	s8 =	sadd.s32 $0xDC50, s21;
	s9 =	sadd.s32 $0x4020, s2  }
0xe3: {  	[hbm4b:s9+s4] =	stream.linear.scatter [tilespmem:s8], [sflag:s20], $0x80, $0x38;
	[tilespmem:$0x19200] =	vst v63  }
0xe4: {  	s13 =	sadd.s32 $0xDCD8, s21;
	s14 =	sadd.s32 $0x4030, s2  }
0xe5: {  	[hbm4b:s14+s4] =	stream.linear.scatter [tilespmem:s13], [sflag:s20], $0x80, $0x38;
	[tilespmem:$0x19200] =	vst v63  }
0xe6: {  	s15 =	sadd.s32 $0xDD60, s21;
	s16 =	sadd.s32 $0x4040, s2  }
0xe7: {  	[hbm4b:s16+s4] =	stream.linear.scatter [tilespmem:s15], [sflag:s20], $0x80, $0x38;
	[tilespmem:$0x19200] =	vst v63  }
0xe8: {  	s17 =	sadd.s32 $0xDDE8, s21;
	s18 =	sadd.s32 $0x4050, s2  }
0xe9: {  	[hbm4b:s18+s4] =	stream.linear.scatter [tilespmem:s17], [sflag:s20], $0x80, $0x38;
	[tilespmem:$0x19200] =	vst v63  }
0xea: {  	s22 =	sadd.s32 $0xDE70, s21;
	s23 =	sadd.s32 $0x4060, s2  }
0xeb: {  	[hbm4b:s23+s4] =	stream.linear.scatter [tilespmem:s22], [sflag:s20], $0x80, $0x38;
	[tilespmem:$0x19200] =	vst v63  }
0xec: {  	s24 =	sadd.s32 $0xDEF8, s21;
	s26 =	sadd.s32 $0x4070, s2  }
0xed: {  	[hbm4b:s26+s4] =	stream.linear.scatter [tilespmem:s24], [sflag:s20], $0x80, $0x38;
	[tilespmem:$0x19200] =	vst v63  }
0xee: {  	s28 =	sadd.s32 $0xDF80, s21;
	s29 =	sadd.s32 $0x8000, s2  }
0xef: {  	[hbm4b:s29+s4] =	stream.linear.scatter [tilespmem:s28], [sflag:s20], $0x80, $0x38;
	[tilespmem:$0x19200] =	vst v63  }
0xf0: {  	s30 =	sadd.s32 $0xE008, s21;
	s31 =	sadd.s32 $0x8010, s2  }
0xf1: {  	[hbm4b:s31+s4] =	stream.linear.scatter [tilespmem:s30], [sflag:s20], $0x80, $0x38;
	[tilespmem:$0x19200] =	vst v63  }
0xf2: {  	s8 =	sadd.s32 $0xE090, s21;
	s9 =	sadd.s32 $0x8020, s2  }
0xf3: {  	[hbm4b:s9+s4] =	stream.linear.scatter [tilespmem:s8], [sflag:s20], $0x80, $0x38;
	[tilespmem:$0x19200] =	vst v63  }
0xf4: {  	s13 =	sadd.s32 $0xE118, s21;
	s14 =	sadd.s32 $0x8030, s2  }
0xf5: {  	[hbm4b:s14+s4] =	stream.linear.scatter [tilespmem:s13], [sflag:s20], $0x80, $0x38;
	[tilespmem:$0x19200] =	vst v63  }
0xf6: {  	s15 =	sadd.s32 $0xE1A0, s21;
	s16 =	sadd.s32 $0x8040, s2  }
0xf7: {  	[hbm4b:s16+s4] =	stream.linear.scatter [tilespmem:s15], [sflag:s20], $0x80, $0x38;
	[tilespmem:$0x19200] =	vst v63  }
0xf8: {  	s17 =	sadd.s32 $0xE228, s21;
	s18 =	sadd.s32 $0x8050, s2  }
0xf9: {  	[hbm4b:s18+s4] =	stream.linear.scatter [tilespmem:s17], [sflag:s20], $0x80, $0x38;
	[tilespmem:$0x19200] =	vst v63  }
0xfa: {  	s22 =	sadd.s32 $0xE2B0, s21;
	s23 =	sadd.s32 $0x8060, s2  }
0xfb: {  	[hbm4b:s23+s4] =	stream.linear.scatter [tilespmem:s22], [sflag:s20], $0x80, $0x38;
	[tilespmem:$0x19200] =	vst v63  }
0xfc: {  	s24 =	sadd.s32 $0xE338, s21;
	s26 =	sadd.s32 $0x8070, s2  }
0xfd: {  	[hbm4b:s26+s4] =	stream.linear.scatter [tilespmem:s24], [sflag:s20], $0x80, $0x38;
	[tilespmem:$0x19200] =	vst v63  }
0xfe: {  	s28 =	sadd.s32 $0xE3C0, s21;
	s29 =	sadd.s32 $0xC000, s2  }
0xff: {  	[hbm4b:s29+s4] =	stream.linear.scatter [tilespmem:s28], [sflag:s20], $0x80, $0x38;
	[tilespmem:$0x19200] =	vst v63  }
0x100: {  	s30 =	sadd.s32 $0xE448, s21;
	s31 =	sadd.s32 $0xC010, s2  }
0x101: {  	[hbm4b:s31+s4] =	stream.linear.scatter [tilespmem:s30], [sflag:s20], $0x80, $0x38;
	[tilespmem:$0x19200] =	vst v63  }
0x102: {  	s8 =	sadd.s32 $0xE4D0, s21;
	s9 =	sadd.s32 $0xC020, s2  }
0x103: {  	[hbm4b:s9+s4] =	stream.linear.scatter [tilespmem:s8], [sflag:s20], $0x80, $0x38;
	[tilespmem:$0x19200] =	vst v63  }
0x104: {  	s13 =	sadd.s32 $0xE558, s21;
	s14 =	sadd.s32 $0xC030, s2  }
0x105: {  	[hbm4b:s14+s4] =	stream.linear.scatter [tilespmem:s13], [sflag:s20], $0x80, $0x38;
	[tilespmem:$0x19200] =	vst v63  }
0x106: {  	s15 =	sadd.s32 $0xE5E0, s21;
	s16 =	sadd.s32 $0xC040, s2  }
0x107: {  	[hbm4b:s16+s4] =	stream.linear.scatter [tilespmem:s15], [sflag:s20], $0x80, $0x38;
	[tilespmem:$0x19200] =	vst v63  }
0x108: {  	s17 =	sadd.s32 $0xE668, s21;
	s18 =	sadd.s32 $0xC050, s2  }
0x109: {  	[hbm4b:s18+s4] =	stream.linear.scatter [tilespmem:s17], [sflag:s20], $0x80, $0x38;
	[tilespmem:$0x19200] =	vst v63  }
0x10a: {  	s22 =	sadd.s32 $0xE6F0, s21;
	s23 =	sadd.s32 $0xC060, s2  }
0x10b: {  	[hbm4b:s23+s4] =	stream.linear.scatter [tilespmem:s22], [sflag:s20], $0x80, $0x38;
	[tilespmem:$0x19200] =	vst v63  }
0x10c: {  	s2 =	sadd.s32 $0xC070, s2;
	s24 =	sadd.s32 $0xE778, s21  }
0x10d: {  	[hbm4b:s2+s4] =	stream.linear.scatter [tilespmem:s24], [sflag:s20], $0x80, $0x38;
	[tilespmem:$0x19200] =	vst v63  }
0x10e: {  	s26 =	sadd.s32 $0xE800, s21;
	s2 =	sadd.s32 s25, s11  }
0x10f: {  	[hbm4b:s2+s4] =	stream.linear.scatter [tilespmem:s26], [sflag:s20], $0x80, $0x38;
	[tilespmem:$0x19200] =	vst v63  }
0x110: {  	s28 =	sadd.s32 $0xE888, s21;
	s29 =	sadd.s32 $0x10, s2  }
0x111: {  	[hbm4b:s29+s4] =	stream.linear.scatter [tilespmem:s28], [sflag:s20], $0x80, $0x38;
	[tilespmem:$0x19200] =	vst v63  }
0x112: {  	s30 =	sadd.s32 $0xE910, s21;
	s31 =	sadd.s32 $0x20, s2  }
0x113: {  	[hbm4b:s31+s4] =	stream.linear.scatter [tilespmem:s30], [sflag:s20], $0x80, $0x38;
	[tilespmem:$0x19200] =	vst v63  }
0x114: {  	s8 =	sadd.s32 $0xE998, s21;
	s9 =	sadd.s32 $0x30, s2  }
0x115: {  	[hbm4b:s9+s4] =	stream.linear.scatter [tilespmem:s8], [sflag:s20], $0x80, $0x38;
	[tilespmem:$0x19200] =	vst v63  }
0x116: {  	s13 =	sadd.s32 $0xEA20, s21;
	s14 =	sadd.s32 $0x40, s2  }
0x117: {  	[hbm4b:s14+s4] =	stream.linear.scatter [tilespmem:s13], [sflag:s20], $0x80, $0x38;
	[tilespmem:$0x19200] =	vst v63  }
0x118: {  	s15 =	sadd.s32 $0xEAA8, s21;
	s16 =	sadd.s32 $0x50, s2  }
0x119: {  	[hbm4b:s16+s4] =	stream.linear.scatter [tilespmem:s15], [sflag:s20], $0x80, $0x38;
	[tilespmem:$0x19200] =	vst v63  }
0x11a: {  	s17 =	sadd.s32 $0xEB30, s21;
	s18 =	sadd.s32 $0x60, s2  }
0x11b: {  	[hbm4b:s18+s4] =	stream.linear.scatter [tilespmem:s17], [sflag:s20], $0x80, $0x38;
	[tilespmem:$0x19200] =	vst v63  }
0x11c: {  	s22 =	sadd.s32 $0xEBB8, s21;
	s23 =	sadd.s32 $0x70, s2  }
0x11d: {  	[hbm4b:s23+s4] =	stream.linear.scatter [tilespmem:s22], [sflag:s20], $0x80, $0x38;
	[tilespmem:$0x19200] =	vst v63  }
0x11e: {  	s24 =	sadd.s32 $0xEC40, s21;
	s26 =	sadd.s32 $0x4000, s2  }
0x11f: {  	[hbm4b:s26+s4] =	stream.linear.scatter [tilespmem:s24], [sflag:s20], $0x80, $0x38;
	[tilespmem:$0x19200] =	vst v63  }
0x120: {  	s28 =	sadd.s32 $0xECC8, s21;
	s29 =	sadd.s32 $0x4010, s2  }
0x121: {  	[hbm4b:s29+s4] =	stream.linear.scatter [tilespmem:s28], [sflag:s20], $0x80, $0x38;
	[tilespmem:$0x19200] =	vst v63  }
0x122: {  	s30 =	sadd.s32 $0xED50, s21;
	s31 =	sadd.s32 $0x4020, s2  }
0x123: {  	[hbm4b:s31+s4] =	stream.linear.scatter [tilespmem:s30], [sflag:s20], $0x80, $0x38;
	[tilespmem:$0x19200] =	vst v63  }
0x124: {  	s8 =	sadd.s32 $0xEDD8, s21;
	s9 =	sadd.s32 $0x4030, s2  }
0x125: {  	[hbm4b:s9+s4] =	stream.linear.scatter [tilespmem:s8], [sflag:s20], $0x80, $0x38;
	[tilespmem:$0x19200] =	vst v63  }
0x126: {  	s13 =	sadd.s32 $0xEE60, s21;
	s14 =	sadd.s32 $0x4040, s2  }
0x127: {  	[hbm4b:s14+s4] =	stream.linear.scatter [tilespmem:s13], [sflag:s20], $0x80, $0x38;
	[tilespmem:$0x19200] =	vst v63  }
0x128: {  	s15 =	sadd.s32 $0xEEE8, s21;
	s16 =	sadd.s32 $0x4050, s2  }
0x129: {  	[hbm4b:s16+s4] =	stream.linear.scatter [tilespmem:s15], [sflag:s20], $0x80, $0x38;
	[tilespmem:$0x19200] =	vst v63  }
0x12a: {  	s17 =	sadd.s32 $0xEF70, s21;
	s18 =	sadd.s32 $0x4060, s2  }
0x12b: {  	[hbm4b:s18+s4] =	stream.linear.scatter [tilespmem:s17], [sflag:s20], $0x80, $0x38;
	[tilespmem:$0x19200] =	vst v63  }
0x12c: {  	s22 =	sadd.s32 $0xEFF8, s21;
	s23 =	sadd.s32 $0x4070, s2  }
0x12d: {  	[hbm4b:s23+s4] =	stream.linear.scatter [tilespmem:s22], [sflag:s20], $0x80, $0x38;
	[tilespmem:$0x19200] =	vst v63  }
0x12e: {  	s24 =	sadd.s32 $0xF080, s21;
	s26 =	sadd.s32 $0x8000, s2  }
0x12f: {  	[hbm4b:s26+s4] =	stream.linear.scatter [tilespmem:s24], [sflag:s20], $0x80, $0x38;
	[tilespmem:$0x19200] =	vst v63  }
0x130: {  	s28 =	sadd.s32 $0xF108, s21;
	s29 =	sadd.s32 $0x8010, s2  }
0x131: {  	[hbm4b:s29+s4] =	stream.linear.scatter [tilespmem:s28], [sflag:s20], $0x80, $0x38;
	[tilespmem:$0x19200] =	vst v63  }
0x132: {  	s30 =	sadd.s32 $0xF190, s21;
	s31 =	sadd.s32 $0x8020, s2  }
0x133: {  	[hbm4b:s31+s4] =	stream.linear.scatter [tilespmem:s30], [sflag:s20], $0x80, $0x38;
	[tilespmem:$0x19200] =	vst v63  }
0x134: {  	s8 =	sadd.s32 $0xF218, s21;
	s9 =	sadd.s32 $0x8030, s2  }
0x135: {  	[hbm4b:s9+s4] =	stream.linear.scatter [tilespmem:s8], [sflag:s20], $0x80, $0x38;
	[tilespmem:$0x19200] =	vst v63  }
0x136: {  	s13 =	sadd.s32 $0xF2A0, s21;
	s14 =	sadd.s32 $0x8040, s2  }
0x137: {  	[hbm4b:s14+s4] =	stream.linear.scatter [tilespmem:s13], [sflag:s20], $0x80, $0x38;
	[tilespmem:$0x19200] =	vst v63  }
0x138: {  	s15 =	sadd.s32 $0xF328, s21;
	s16 =	sadd.s32 $0x8050, s2  }
0x139: {  	[hbm4b:s16+s4] =	stream.linear.scatter [tilespmem:s15], [sflag:s20], $0x80, $0x38;
	[tilespmem:$0x19200] =	vst v63  }
0x13a: {  	s17 =	sadd.s32 $0xF3B0, s21;
	s18 =	sadd.s32 $0x8060, s2  }
0x13b: {  	[hbm4b:s18+s4] =	stream.linear.scatter [tilespmem:s17], [sflag:s20], $0x80, $0x38;
	[tilespmem:$0x19200] =	vst v63  }
0x13c: {  	s22 =	sadd.s32 $0xF438, s21;
	s23 =	sadd.s32 $0x8070, s2  }
0x13d: {  	[hbm4b:s23+s4] =	stream.linear.scatter [tilespmem:s22], [sflag:s20], $0x80, $0x38;
	[tilespmem:$0x19200] =	vst v63  }
0x13e: {  	s24 =	sadd.s32 $0xF4C0, s21;
	s26 =	sadd.s32 $0xC000, s2  }
0x13f: {  	[hbm4b:s26+s4] =	stream.linear.scatter [tilespmem:s24], [sflag:s20], $0x80, $0x38;
	[tilespmem:$0x19200] =	vst v63  }
0x140: {  	s28 =	sadd.s32 $0xF548, s21;
	s29 =	sadd.s32 $0xC010, s2  }
0x141: {  	[hbm4b:s29+s4] =	stream.linear.scatter [tilespmem:s28], [sflag:s20], $0x80, $0x38;
	[tilespmem:$0x19200] =	vst v63  }
0x142: {  	s30 =	sadd.s32 $0xF5D0, s21;
	s31 =	sadd.s32 $0xC020, s2  }
0x143: {  	[hbm4b:s31+s4] =	stream.linear.scatter [tilespmem:s30], [sflag:s20], $0x80, $0x38;
	[tilespmem:$0x19200] =	vst v63  }
0x144: {  	s6 =	sadd.s32 $0xF658, s21;
	s8 =	sadd.s32 $0xC030, s2  }
0x145: {  	[hbm4b:s8+s4] =	stream.linear.scatter [tilespmem:s6], [sflag:s20], $0x80, $0x38;
	[tilespmem:$0x19200] =	vst v63  }
0x146: {  	s9 =	sadd.s32 $0xF6E0, s21;
	s13 =	sadd.s32 $0xC040, s2  }
0x147: {  	[hbm4b:s13+s4] =	stream.linear.scatter [tilespmem:s9], [sflag:s20], $0x80, $0x38;
	[tilespmem:$0x19200] =	vst v63  }
0x148: {  	s14 =	sadd.s32 $0xF768, s21;
	s15 =	sadd.s32 $0xC050, s2  }
0x149: {  	[hbm4b:s15+s4] =	stream.linear.scatter [tilespmem:s14], [sflag:s20], $0x80, $0x38;
	[tilespmem:$0x19200] =	vst v63  }
0x14a: {  	s16 =	sadd.s32 $0xF7F0, s21;
	s17 =	sadd.s32 $0xC060, s2  }
0x14b: {  	[hbm4b:s17+s4] =	stream.linear.scatter [tilespmem:s16], [sflag:s20], $0x80, $0x38;
	[tilespmem:$0x19200] =	vst v63  }
0x14c: {  	s18 =	sadd.s32 $0xF878, s21;
	s2 =	sadd.s32 $0xC070, s2  }
0x14d: {  	[hbm4b:s2+s4] =	stream.linear.scatter [tilespmem:s18], [sflag:s20], $0x80, $0x38;
	[tilespmem:$0x19200] =	vst v63  }
0x14e: {  	s22 =	sadd.s32 $0xF900, s21;
	s2 =	sadd.s32 s25, s12  }
0x14f: {  	[hbm4b:s2+s4] =	stream.linear.scatter [tilespmem:s22], [sflag:s20], $0x80, $0x38;
	[tilespmem:$0x19200] =	vst v63  }
0x150: {  	s23 =	sadd.s32 $0xF988, s21;
	s24 =	sadd.s32 $0x10, s2  }
0x151: {  	[hbm4b:s24+s4] =	stream.linear.scatter [tilespmem:s23], [sflag:s20], $0x80, $0x38;
	[tilespmem:$0x19200] =	vst v63  }
0x152: {  	s25 =	sadd.s32 $0xFA10, s21;
	s26 =	sadd.s32 $0x20, s2  }
0x153: {  	[hbm4b:s26+s4] =	stream.linear.scatter [tilespmem:s25], [sflag:s20], $0x80, $0x38;
	[tilespmem:$0x19200] =	vst v63  }
0x154: {  	s28 =	sadd.s32 $0xFA98, s21;
	s29 =	sadd.s32 $0x30, s2  }
0x155: {  	[hbm4b:s29+s4] =	stream.linear.scatter [tilespmem:s28], [sflag:s20], $0x80, $0x38;
	[tilespmem:$0x19200] =	vst v63  }
0x156: {  	s30 =	sadd.s32 $0xFB20, s21;
	s31 =	sadd.s32 $0x40, s2  }
0x157: {  	[hbm4b:s31+s4] =	stream.linear.scatter [tilespmem:s30], [sflag:s20], $0x80, $0x38;
	[tilespmem:$0x19200] =	vst v63  }
0x158: {  	s6 =	sadd.s32 $0xFBA8, s21;
	s8 =	sadd.s32 $0x50, s2  }
0x159: {  	[hbm4b:s8+s4] =	stream.linear.scatter [tilespmem:s6], [sflag:s20], $0x80, $0x38;
	[tilespmem:$0x19200] =	vst v63  }
0x15a: {  	s9 =	sadd.s32 $0xFC30, s21;
	s13 =	sadd.s32 $0x60, s2  }
0x15b: {  	[hbm4b:s13+s4] =	stream.linear.scatter [tilespmem:s9], [sflag:s20], $0x80, $0x38;
	[tilespmem:$0x19200] =	vst v63  }
0x15c: {  	s14 =	sadd.s32 $0xFCB8, s21;
	s15 =	sadd.s32 $0x70, s2  }
0x15d: {  	[hbm4b:s15+s4] =	stream.linear.scatter [tilespmem:s14], [sflag:s20], $0x80, $0x38;
	[tilespmem:$0x19200] =	vst v63  }
0x15e: {  	s16 =	sadd.s32 $0xFD40, s21;
	s17 =	sadd.s32 $0x4000, s2  }
0x15f: {  	[hbm4b:s17+s4] =	stream.linear.scatter [tilespmem:s16], [sflag:s20], $0x80, $0x38;
	[tilespmem:$0x19200] =	vst v63  }
0x160: {  	s18 =	sadd.s32 $0xFDC8, s21;
	s22 =	sadd.s32 $0x4010, s2  }
0x161: {  	[hbm4b:s22+s4] =	stream.linear.scatter [tilespmem:s18], [sflag:s20], $0x80, $0x38;
	[tilespmem:$0x19200] =	vst v63  }
0x162: {  	s23 =	sadd.s32 $0xFE50, s21;
	s24 =	sadd.s32 $0x4020, s2  }
0x163: {  	[hbm4b:s24+s4] =	stream.linear.scatter [tilespmem:s23], [sflag:s20], $0x80, $0x38;
	[tilespmem:$0x19200] =	vst v63  }
0x164: {  	s25 =	sadd.s32 $0xFED8, s21;
	s26 =	sadd.s32 $0x4030, s2  }
0x165: {  	[hbm4b:s26+s4] =	stream.linear.scatter [tilespmem:s25], [sflag:s20], $0x80, $0x38;
	[tilespmem:$0x19200] =	vst v63  }
0x166: {  	s28 =	sadd.s32 $0xFF60, s21;
	s29 =	sadd.s32 $0x4040, s2  }
0x167: {  	[hbm4b:s29+s4] =	stream.linear.scatter [tilespmem:s28], [sflag:s20], $0x80, $0x38;
	[tilespmem:$0x19200] =	vst v63  }
0x168: {  	s30 =	sadd.s32 $0xFFE8, s21;
	s31 =	sadd.s32 $0x4050, s2  }
0x169: {  	[hbm4b:s31+s4] =	stream.linear.scatter [tilespmem:s30], [sflag:s20], $0x80, $0x38;
	[tilespmem:$0x19200] =	vst v63  }
0x16a: {  	s6 =	sadd.s32 $0x10070, s21;
	s8 =	sadd.s32 $0x4060, s2  }
0x16b: {  	[hbm4b:s8+s4] =	stream.linear.scatter [tilespmem:s6], [sflag:s20], $0x80, $0x38;
	[tilespmem:$0x19200] =	vst v63  }
0x16c: {  	s9 =	sadd.s32 $0x100F8, s21;
	s13 =	sadd.s32 $0x4070, s2  }
0x16d: {  	[hbm4b:s13+s4] =	stream.linear.scatter [tilespmem:s9], [sflag:s20], $0x80, $0x38;
	[tilespmem:$0x19200] =	vst v63  }
0x16e: {  	s14 =	sadd.s32 $0x10180, s21;
	s15 =	sadd.s32 $0x8000, s2  }
0x16f: {  	[hbm4b:s15+s4] =	stream.linear.scatter [tilespmem:s14], [sflag:s20], $0x80, $0x38;
	[tilespmem:$0x19200] =	vst v63  }
0x170: {  	s16 =	sadd.s32 $0x10208, s21;
	s17 =	sadd.s32 $0x8010, s2  }
0x171: {  	[hbm4b:s17+s4] =	stream.linear.scatter [tilespmem:s16], [sflag:s20], $0x80, $0x38;
	[tilespmem:$0x19200] =	vst v63  }
0x172: {  	s18 =	sadd.s32 $0x10290, s21;
	s22 =	sadd.s32 $0x8020, s2  }
0x173: {  	[hbm4b:s22+s4] =	stream.linear.scatter [tilespmem:s18], [sflag:s20], $0x80, $0x38;
	[tilespmem:$0x19200] =	vst v63  }
0x174: {  	s23 =	sadd.s32 $0x10318, s21;
	s24 =	sadd.s32 $0x8030, s2  }
0x175: {  	[hbm4b:s24+s4] =	stream.linear.scatter [tilespmem:s23], [sflag:s20], $0x80, $0x38;
	[tilespmem:$0x19200] =	vst v63  }
0x176: {  	s25 =	sadd.s32 $0x103A0, s21;
	s26 =	sadd.s32 $0x8040, s2  }
0x177: {  	[hbm4b:s26+s4] =	stream.linear.scatter [tilespmem:s25], [sflag:s20], $0x80, $0x38;
	[tilespmem:$0x19200] =	vst v63  }
0x178: {  	s28 =	sadd.s32 $0x10428, s21;
	s29 =	sadd.s32 $0x8050, s2  }
0x179: {  	[hbm4b:s29+s4] =	stream.linear.scatter [tilespmem:s28], [sflag:s20], $0x80, $0x38;
	[tilespmem:$0x19200] =	vst v63  }
0x17a: {  	s30 =	sadd.s32 $0x104B0, s21;
	s31 =	sadd.s32 $0x8060, s2  }
0x17b: {  	[hbm4b:s31+s4] =	stream.linear.scatter [tilespmem:s30], [sflag:s20], $0x80, $0x38;
	[tilespmem:$0x19200] =	vst v63  }
0x17c: {  	s8 =	sadd.s32 $0x10538, s21;
	s9 =	sadd.s32 $0x8070, s2  }
0x17d: {  	[hbm4b:s9+s4] =	stream.linear.scatter [tilespmem:s8], [sflag:s20], $0x80, $0x38;
	[tilespmem:$0x19200] =	vst v63  }
0x17e: {  	s13 =	sadd.s32 $0x105C0, s21;
	s14 =	sadd.s32 $0xC000, s2  }
0x17f: {  	[hbm4b:s14+s4] =	stream.linear.scatter [tilespmem:s13], [sflag:s20], $0x80, $0x38;
	[tilespmem:$0x19200] =	vst v63  }
0x180: {  	s15 =	sadd.s32 $0x10648, s21;
	s16 =	sadd.s32 $0xC010, s2  }
0x181: {  	[hbm4b:s16+s4] =	stream.linear.scatter [tilespmem:s15], [sflag:s20], $0x80, $0x38;
	[tilespmem:$0x19200] =	vst v63  }
0x182: {  	s17 =	sadd.s32 $0x106D0, s21;
	s18 =	sadd.s32 $0xC020, s2  }
0x183: {  	[hbm4b:s18+s4] =	stream.linear.scatter [tilespmem:s17], [sflag:s20], $0x80, $0x38;
	[tilespmem:$0x19200] =	vst v63  }
0x184: {  	s22 =	sadd.s32 $0x10758, s21;
	s23 =	sadd.s32 $0xC030, s2  }
0x185: {  	[hbm4b:s23+s4] =	stream.linear.scatter [tilespmem:s22], [sflag:s20], $0x80, $0x38;
	[tilespmem:$0x19200] =	vst v63  }
0x186: {  	s19 =	sadd.s32 $0x1, s19;
	s24 =	sadd.s32 $0x107E0, s21;
	s25 =	sadd.s32 $0xC040, s2  }
0x187: {  	[hbm4b:s25+s4] =	stream.linear.scatter [tilespmem:s24], [sflag:s20], $0x80, $0x38;
	[tilespmem:$0x19200] =	vst v63  }
0x188: {  	p0 =	sne.s32 s19, $0xC8;
	s26 =	sadd.s32 $0x10868, s21;
	s28 =	sadd.s32 $0xC050, s2  }
0x189: {  	[hbm4b:s28+s4] =	stream.linear.scatter [tilespmem:s26], [sflag:s20], $0x80, $0x38;
	[tilespmem:$0x19200] =	vst v63  }
.Ltmp1:
0x18a: {  	_ = 	snop;
	(pc) =	sbr.rel @p0 .LBB2_2-.Ltmp1, $4  }
0x18b: {  	s29 =	sadd.s32 $0x108F0, s21;
	s30 =	sadd.s32 $0xC060, s2  }
0x18c: {  	[hbm4b:s30+s4] =	stream.linear.scatter [tilespmem:s29], [sflag:s20], $0x80, $0x38;
	[tilespmem:$0x19200] =	vst v63  }
0x18d: {  	s31 =	sadd.s32 $0x10978, s21;
	s2 =	sadd.s32 $0xC070, s2  }
0x18e: {  	[hbm4b:s2+s4] =	stream.linear.scatter [tilespmem:s31], [sflag:s20], $0x80, $0x38;
	[tilespmem:$0x19200] =	vst v63  }
0x18f: {  	s0 =	simm.s32 $0x7  }
0x190: {  	_ =	swait.ge [sflag:s0], $0x1000  }
0x191: {  	[sflag:s0] =	ssyncset.done $0x0  }
0x192: {  	[sflag:s0] =	ssyncadd.s32 $0xFFFFF000  }
0x193: {  	_ =	swait.ge [sflag:s0], $0x1000  }
0x194: {  	[sflag:s0] =	ssyncset.done $0x0  }
0x195: {  	[sflag:s0] =	ssyncadd.s32 $0xFFFFF000  }
0x196: {  	_ =	swait.ge [sflag:s0], $0x1000  }
0x197: {  	[sflag:s0] =	ssyncset.done $0x0  }
0x198: {  	[sflag:s0] =	ssyncadd.s32 $0xFFFFF000  }
0x199: {  	_ =	swait.ge [sflag:s0], $0x1000  }
0x19a: {  	[sflag:s0] =	ssyncset.done $0x0  }
0x19b: {  	s30 =	simm.s32 $0x8;
	[sflag:s0] =	ssyncadd.s32 $0xFFFFF000  }
0x19c: {  	_ =	swait.ge [sflag:s30], $0x1000  }
0x19d: {  	[sflag:s30] =	ssyncset.done $0x0  }
0x19e: {  	[sflag:s30] =	ssyncadd.s32 $0xFFFFF000  }
0x19f: {  	_ =	swait.ge [sflag:s30], $0x1000  }
0x1a0: {  	[sflag:s30] =	ssyncset.done $0x0  }
0x1a1: {  	[sflag:s30] =	ssyncadd.s32 $0xFFFFF000  }
0x1a2: {  	_ =	swait.ge [sflag:s30], $0x1000  }
0x1a3: {  	[sflag:s30] =	ssyncset.done $0x0  }
0x1a4: {  	[sflag:s30] =	ssyncadd.s32 $0xFFFFF000  }
0x1a5: {  	_ =	swait.ge [sflag:s30], $0x1000  }
0x1a6: {  	[sflag:s30] =	ssyncset.done $0x0  }
0x1a7: {  	s2 =	simm.s32 $0x9;
	[sflag:s30] =	ssyncadd.s32 $0xFFFFF000  }
0x1a8: {  	_ =	swait.ge [sflag:s2], $0x1000  }
0x1a9: {  	[sflag:s2] =	ssyncset.done $0x0  }
0x1aa: {  	[sflag:s2] =	ssyncadd.s32 $0xFFFFF000  }
0x1ab: {  	_ =	swait.ge [sflag:s2], $0x1000  }
0x1ac: {  	[sflag:s2] =	ssyncset.done $0x0  }
0x1ad: {  	[sflag:s2] =	ssyncadd.s32 $0xFFFFF000  }
0x1ae: {  	_ =	swait.ge [sflag:s2], $0x1000  }
0x1af: {  	[sflag:s2] =	ssyncset.done $0x0  }
0x1b0: {  	[sflag:s2] =	ssyncadd.s32 $0xFFFFF000  }
0x1b1: {  	_ =	swait.ge [sflag:s2], $0x1000  }
0x1b2: {  	s6 =	rddreg [dreg:$0x8]  }
0x1b3: {  	s31 =	rddreg [dreg:$0x7];
	s6 =	sadd.s32 $0x1, s6  }
0x1b4: {  	p0 =	sne.s32 s6, s31  }
.Ltmp2:
0x1b5: {  	_ = 	snop;
	(pc) =	sbr.rel @p0 .LBB2_1-.Ltmp2, $3  }
0x1b6: {  	_ =	sdelay $0x1  }
0x1b7: {  	[sflag:s2] =	ssyncset.done $0x0  }
0x1b8: {  	[sflag:s2] =	ssyncadd.s32 $0xFFFFF000  }
0x1b9: {  	_ =	sfence.sel $0x180000  }
0x1ba: {  	[bflag:$0x0] =	sbarrier.arrive $0xFFFF  }
0x1bb: {  	_ =	strace $0x90000047  }
0x1bc: {  	s0 =	stileid.u32;
	[bflag:$0x2] =	sbarrier.arrive $0xFFFF  }
0x1bd: {  	p0 =	sne.s32 s0, $0x0;
	s0 =	rddreg [dreg:$0x3]  }
0x1be: {  	s0 =	sadd.s32 @!p0 $0x100000, s0  }
0x1bf: {  	[sflag:s0] =	ssyncadd.tile.s32 @!p0 $0x1;
	_ =	shalt  }
.Lfunc_end2:
_tile_overlayer_lowered:
.L_overlay_start_2:
0x1c0: {  	(tag) =	ssettag $0x2  }
0x1c1: {  	s0 =	rddreg [dreg:$0x0];
	s2 =	stileid.u32  }
0x1c2: {  	s1 =	rddreg [dreg:$0x1];
	p0 =	sne.s32 s2, $0x0  }
0x1c3: {  	s3 =	rddreg [dreg:$0x2];
	[bflag:$0x3] =	sbarrier.arrive $0xFFFF;
	s2 =	simm.s32 @!p0 $0x1C0A  }
0x1c4: {  	[timem:s3], [sflag:s2] =	dma.local @!p0 [hbm:s0], s1  }
0x1c5: {  	s0 =	simm.s32 @!p0 $0xA  }
0x1c6: {  	_ =	swait.ge @!p0 [sflag:s0], s1  }
0x1c7: {  	s1 =	ssub.s32 @!p0 $0x0, s1;
	[sflag:s0] =	ssyncset.done @!p0 $0x0  }
0x1c8: {  	[sflag:s0] =	ssyncadd.s32 @!p0 s1  }
0x1c9: {  	[bflag:$0x3] =	sbarrier.arrive $0xFFFF  }
0x1ca: {  	_ =	shalt  }

</sc_bundles>
